<compile_context>
chip_gen: v7x
topology: tpu7x:2x2x1
jax: 0.10.2.dev20260603
libtpu: 0.0.44.dev20260713+nightly
codegen_flags: <defaults>
</compile_context>

<pallas_src>
import functools

import jax
import jax.numpy as jnp
from jax import lax
from jax.experimental import pallas as pl
from jax.experimental.pallas import tpu as pltpu
from jax.experimental.pallas import tpu_sc as plsc

TOPK = 6
E = 64
H = 2048
ROWS = 32768

TC_BLOCK = 512

NC = 2
NS = 16
NW = NC * NS
RPW = ROWS // NW
L = 16


def _tc_scores_body(w_ref, x_ref, o_ref):
    lt = lax.dot_general(
        w_ref[...], x_ref[...], (((1,), (1,)), ((), ())),
        preferred_element_type=jnp.float32,
    )
    m = jnp.max(lt, axis=0, keepdims=True)
    ex = jnp.exp(lt - m)
    o_ref[...] = ex / jnp.sum(ex, axis=0, keepdims=True)


def _tc_scores(flat, w):
    n_blocks = ROWS // TC_BLOCK
    return pl.pallas_call(
        _tc_scores_body,
        grid=(n_blocks,),
        in_specs=[
            pl.BlockSpec((E, H), lambda i: (0, 0)),
            pl.BlockSpec((TC_BLOCK, H), lambda i: (i, 0)),
        ],
        out_specs=pl.BlockSpec((E, TC_BLOCK), lambda i: (0, i)),
        out_shape=jax.ShapeDtypeStruct((E, ROWS), jnp.float32),
    )(w, flat)


def _sc_topk_body(scores_hbm, idx_hbm, val_hbm, buf, idxb, valb, sem):
    wid = lax.axis_index("c") * NS + lax.axis_index("s")
    base = wid * RPW
    pltpu.sync_copy(scores_hbm.at[:, pl.ds(base, RPW)], buf)

    lane = lax.iota(jnp.int32, L)

    def group_body(g, carry):
        off = g * L
        s = [jnp.full((L,), -1.0, jnp.float32) for _ in range(TOPK)]
        ix = [jnp.zeros((L,), jnp.int32) for _ in range(TOPK)]
        for e in range(E):
            v = buf[e, pl.ds(off, L)]
            c = v > s[TOPK - 1]
            s[TOPK - 1] = jnp.maximum(s[TOPK - 1], v)
            ix[TOPK - 1] = jnp.where(c, jnp.full((L,), e, jnp.int32), ix[TOPK - 1])
            for j in range(TOPK - 1, 0, -1):
                cj = s[j] > s[j - 1]
                hi = jnp.maximum(s[j - 1], s[j])
                lo = jnp.minimum(s[j - 1], s[j])
                s[j - 1], s[j] = hi, lo
                ihi = jnp.where(cj, ix[j], ix[j - 1])
                ilo = jnp.where(cj, ix[j - 1], ix[j])
                ix[j - 1], ix[j] = ihi, ilo
        for j in range(TOPK):
            valb[j, pl.ds(off, L)] = s[j]
            idxb[j, pl.ds(off, L)] = ix[j]
        return carry

    lax.fori_loop(0, RPW // L, group_body, 0)

    pltpu.sync_copy(idxb, idx_hbm.at[:, pl.ds(base, RPW)])
    pltpu.sync_copy(valb, val_hbm.at[:, pl.ds(base, RPW)])


@functools.partial(
    pl.kernel,
    mesh=plsc.VectorSubcoreMesh(core_axis_name="c", subcore_axis_name="s"),
    out_type=[
        jax.ShapeDtypeStruct((TOPK, ROWS), jnp.int32),
        jax.ShapeDtypeStruct((TOPK, ROWS), jnp.float32),
    ],
    scratch_types=[
        pltpu.VMEM((E, RPW), jnp.float32),
        pltpu.VMEM((TOPK, RPW), jnp.int32),
        pltpu.VMEM((TOPK, RPW), jnp.float32),
        pltpu.SemaphoreType.DMA,
    ],
)
def _sc_topk(scores_hbm, idx_hbm, val_hbm, buf, idxb, valb, sem):
    _sc_topk_body(scores_hbm, idx_hbm, val_hbm, buf, idxb, valb, sem)


def kernel(hidden_states, W):
    flat = hidden_states.reshape(-1, H)
    scores_t = _tc_scores(flat, W)
    topk_idx_t, topk_val_t = _sc_topk(scores_t)
    return (topk_idx_t.T, topk_val_t.T)

# --- scband reference (transcript-rebuilt; emitter-appended) ---
"""Pipeline reference for scband-mo-egate-36601711297093 (READ-ONLY COPY).

The authoritative reference and input builder live on the scoring server;
editing this copy changes nothing except your own understanding.
"""

import jax, jax.numpy as jnp
import numpy as np

TOP_K = 6
N_EXPERTS = 64
HIDDEN = 2048


def setup_inputs(seed: int = 0) -> dict:
    key = jax.random.key(seed)
    k1, k2 = jax.random.split(key)
    hidden_states = jax.random.normal(k1, (4, 8192, HIDDEN), dtype=jnp.float32)
    # nn.Linear(hidden_size, n_routed_experts, bias=False) weight: [E, H]
    W = jax.random.normal(k2, (N_EXPERTS, HIDDEN), dtype=jnp.float32) * 0.02
    return {"hidden_states": hidden_states, "W": W}


def reference(hidden_states, W):
    B, S, H = hidden_states.shape
    flat = hidden_states.reshape(-1, H)
    logits = flat @ W.T  # [B*S, E]
    scores = jax.nn.softmax(logits, axis=-1)
    topk_scores, topk_indices = jax.lax.top_k(scores, TOP_K)
    return (topk_indices, topk_scores)

if __name__ == "__main__":
    import jax
    _d = setup_inputs()
    print(jax.jit(kernel)(*tuple(_d.values())))

</pallas_src>

<mosaic_0001>
#map = affine_map<(d0, d1) -> (0, 0)>
module attributes {stable_mosaic.version = 14 : i64} {
  func.func @_sc_topk(%arg0: i32, %arg1: i32, %arg2: memref<64x32768xf32, #tpu.memory_space<hbm>>, %arg3: memref<6x32768xi32, #tpu.memory_space<hbm>>, %arg4: memref<6x32768xf32, #tpu.memory_space<hbm>>, %arg5: memref<64x1024xf32, #tpu.memory_space<vmem>>, %arg6: memref<6x1024xi32, #tpu.memory_space<vmem>>, %arg7: memref<6x1024xf32, #tpu.memory_space<vmem>>, %arg8: memref<!tpu.dma_semaphore, #tpu.memory_space<semaphore_mem>>) attributes {dimension_semantics = [#tpu.dimension_semantics<core_parallel>, #tpu.dimension_semantics<subcore_parallel>], iteration_bounds = array<i64: 2, 16>, scalar_prefetch = 0 : i64, scratch_operands = 4 : i64, tpu.core_type = #tpu.core_type<sc_vector_subcore>, window_params = [{transform_indices = #map}, {transform_indices = #map}, {transform_indices = #map}]} {
    %mul3A = arith.constant 16 : i32
    %mul3A_0 = arith.muli %arg0, %mul3A : i32
    %add3A = arith.addi %mul3A_0, %arg1 : i32
    %mul3A_1 = arith.constant 1024 : i32
    %mul3A_2 = arith.muli %add3A, %mul3A_1 : i32
    "tpu.region"() ({
      %run_scoped3A = tpu.sem_alloc : memref<!tpu.dma_semaphore, #tpu.memory_space<semaphore_mem>>
      %dma_start3A = arith.constant 0 : i32
      %dma_start3A_8 = tpu.memref_slice %arg2[%dma_start3A, %mul3A_2] : memref<64x32768xf32, #tpu.memory_space<hbm>> -> memref<64x1024xf32, #tpu.memory_space<hbm>>
      %dma_start3A_9 = arith.constant 0 : i32
      %dma_start3A_10 = tpu.memref_slice %arg2[%dma_start3A_9, %mul3A_2] : memref<64x32768xf32, #tpu.memory_space<hbm>> -> memref<64x1024xf32, #tpu.memory_space<hbm>>
      tpu.enqueue_dma source(%dma_start3A_10 : memref<64x1024xf32, #tpu.memory_space<hbm>>) target(%arg5 : memref<64x1024xf32, #tpu.memory_space<vmem>>) target_semaphore(%run_scoped3A : memref<!tpu.dma_semaphore, #tpu.memory_space<semaphore_mem>>)
      %dma_wait3A = arith.constant 0 : i32
      %dma_wait3A_11 = tpu.memref_slice %arg2[%dma_wait3A, %mul3A_2] : memref<64x32768xf32, #tpu.memory_space<hbm>> -> memref<64x1024xf32, #tpu.memory_space<hbm>>
      %dma_wait3A_12 = arith.constant 0 : i32
      %dma_wait3A_13 = tpu.memref_slice %arg2[%dma_wait3A_12, %mul3A_2] : memref<64x32768xf32, #tpu.memory_space<hbm>> -> memref<64x1024xf32, #tpu.memory_space<hbm>>
      tpu.wait_dma2 semaphore(%run_scoped3A : memref<!tpu.dma_semaphore, #tpu.memory_space<semaphore_mem>>) src(%dma_wait3A_13 : memref<64x1024xf32, #tpu.memory_space<hbm>>) dst(%arg5 : memref<64x1024xf32, #tpu.memory_space<vmem>>)
      tpu.yield
    }) : () -> ()
    %iota3A = tpu.iota {dimensions = array<i32: 0>} : vector<16xi32>
    %scan3A = arith.constant 0 : i32
    %scan3A_3 = arith.constant 0 : i32
    %scan3A_4 = arith.constant 64 : i32
    %scan3A_5 = arith.addi %scan3A_3, %scan3A_4 : i32
    %scan3A_6 = arith.constant 1 : i32
    scf.for %scan3A_8 = %scan3A_3 to %scan3A_5 step %scan3A_6  : i32 {
      %mul3A_9 = arith.constant 16 : i32
      %mul3A_10 = arith.muli %scan3A_8, %mul3A_9 : i32
      %broadcast_in_dim3A = arith.constant -1.000000e+00 : f32
      %broadcast_in_dim3A_11 = vector.broadcast %broadcast_in_dim3A : f32 to vector<16xf32>
      %broadcast_in_dim3A_12 = arith.constant -1.000000e+00 : f32
      %broadcast_in_dim3A_13 = vector.broadcast %broadcast_in_dim3A_12 : f32 to vector<16xf32>
      %broadcast_in_dim3A_14 = arith.constant -1.000000e+00 : f32
      %broadcast_in_dim3A_15 = vector.broadcast %broadcast_in_dim3A_14 : f32 to vector<16xf32>
      %broadcast_in_dim3A_16 = arith.constant -1.000000e+00 : f32
      %broadcast_in_dim3A_17 = vector.broadcast %broadcast_in_dim3A_16 : f32 to vector<16xf32>
      %broadcast_in_dim3A_18 = arith.constant -1.000000e+00 : f32
      %broadcast_in_dim3A_19 = vector.broadcast %broadcast_in_dim3A_18 : f32 to vector<16xf32>
      %broadcast_in_dim3A_20 = arith.constant -1.000000e+00 : f32
      %broadcast_in_dim3A_21 = vector.broadcast %broadcast_in_dim3A_20 : f32 to vector<16xf32>
      %broadcast_in_dim3A_22 = arith.constant 0 : i32
      %broadcast_in_dim3A_23 = vector.broadcast %broadcast_in_dim3A_22 : i32 to vector<16xi32>
      %broadcast_in_dim3A_24 = arith.constant 0 : i32
      %broadcast_in_dim3A_25 = vector.broadcast %broadcast_in_dim3A_24 : i32 to vector<16xi32>
      %broadcast_in_dim3A_26 = arith.constant 0 : i32
      %broadcast_in_dim3A_27 = vector.broadcast %broadcast_in_dim3A_26 : i32 to vector<16xi32>
      %broadcast_in_dim3A_28 = arith.constant 0 : i32
      %broadcast_in_dim3A_29 = vector.broadcast %broadcast_in_dim3A_28 : i32 to vector<16xi32>
      %broadcast_in_dim3A_30 = arith.constant 0 : i32
      %broadcast_in_dim3A_31 = vector.broadcast %broadcast_in_dim3A_30 : i32 to vector<16xi32>
      %broadcast_in_dim3A_32 = arith.constant 0 : i32
      %broadcast_in_dim3A_33 = vector.broadcast %broadcast_in_dim3A_32 : i32 to vector<16xi32>
      %get3A = arith.constant 0 : i32
      %get3A_34 = arith.index_cast %get3A : i32 to index
      %get3A_35 = arith.index_cast %mul3A_10 : i32 to index
      %get3A_36 = tpu.vector_load %arg5[%get3A_34, %get3A_35] {strides = array<i32>} : memref<64x1024xf32, #tpu.memory_space<vmem>>, vector<1x16xf32>,
      %get3A_37 = vector.shape_cast %get3A_36 : vector<1x16xf32> to vector<16xf32>
      %gt3A = arith.cmpf ogt, %get3A_37, %broadcast_in_dim3A_21 : vector<16xf32>
      %max3A = arith.maximumf %broadcast_in_dim3A_21, %get3A_37 : vector<16xf32>
      %broadcast_in_dim3A_38 = arith.constant 0 : i32
      %broadcast_in_dim3A_39 = vector.broadcast %broadcast_in_dim3A_38 : i32 to vector<16xi32>
      %select_n3A = arith.select %gt3A, %broadcast_in_dim3A_39, %broadcast_in_dim3A_33 : vector<16xi1>, vector<16xi32>
      %gt3A_40 = arith.cmpf ogt, %max3A, %broadcast_in_dim3A_19 : vector<16xf32>
      %max3A_41 = arith.maximumf %broadcast_in_dim3A_19, %max3A : vector<16xf32>
      %min3A = arith.minimumf %broadcast_in_dim3A_19, %max3A : vector<16xf32>
      %select_n3A_42 = arith.select %gt3A_40, %select_n3A, %broadcast_in_dim3A_31 : vector<16xi1>, vector<16xi32>
      %select_n3A_43 = arith.select %gt3A_40, %broadcast_in_dim3A_31, %select_n3A : vector<16xi1>, vector<16xi32>
      %gt3A_44 = arith.cmpf ogt, %max3A_41, %broadcast_in_dim3A_17 : vector<16xf32>
      %max3A_45 = arith.maximumf %broadcast_in_dim3A_17, %max3A_41 : vector<16xf32>
      %min3A_46 = arith.minimumf %broadcast_in_dim3A_17, %max3A_41 : vector<16xf32>
      %select_n3A_47 = arith.select %gt3A_44, %select_n3A_42, %broadcast_in_dim3A_29 : vector<16xi1>, vector<16xi32>
      %select_n3A_48 = arith.select %gt3A_44, %broadcast_in_dim3A_29, %select_n3A_42 : vector<16xi1>, vector<16xi32>
      %gt3A_49 = arith.cmpf ogt, %max3A_45, %broadcast_in_dim3A_15 : vector<16xf32>
      %max3A_50 = arith.maximumf %broadcast_in_dim3A_15, %max3A_45 : vector<16xf32>
      %min3A_51 = arith.minimumf %broadcast_in_dim3A_15, %max3A_45 : vector<16xf32>
      %select_n3A_52 = arith.select %gt3A_49, %select_n3A_47, %broadcast_in_dim3A_27 : vector<16xi1>, vector<16xi32>
      %select_n3A_53 = arith.select %gt3A_49, %broadcast_in_dim3A_27, %select_n3A_47 : vector<16xi1>, vector<16xi32>
      %gt3A_54 = arith.cmpf ogt, %max3A_50, %broadcast_in_dim3A_13 : vector<16xf32>
      %max3A_55 = arith.maximumf %broadcast_in_dim3A_13, %max3A_50 : vector<16xf32>
      %min3A_56 = arith.minimumf %broadcast_in_dim3A_13, %max3A_50 : vector<16xf32>
      %select_n3A_57 = arith.select %gt3A_54, %select_n3A_52, %broadcast_in_dim3A_25 : vector<16xi1>, vector<16xi32>
      %select_n3A_58 = arith.select %gt3A_54, %broadcast_in_dim3A_25, %select_n3A_52 : vector<16xi1>, vector<16xi32>
      %gt3A_59 = arith.cmpf ogt, %max3A_55, %broadcast_in_dim3A_11 : vector<16xf32>
      %max3A_60 = arith.maximumf %broadcast_in_dim3A_11, %max3A_55 : vector<16xf32>
      %min3A_61 = arith.minimumf %broadcast_in_dim3A_11, %max3A_55 : vector<16xf32>
      %select_n3A_62 = arith.select %gt3A_59, %select_n3A_57, %broadcast_in_dim3A_23 : vector<16xi1>, vector<16xi32>
      %select_n3A_63 = arith.select %gt3A_59, %broadcast_in_dim3A_23, %select_n3A_57 : vector<16xi1>, vector<16xi32>
      %get3A_64 = arith.constant 1 : i32
      %get3A_65 = arith.index_cast %get3A_64 : i32 to index
      %get3A_66 = arith.index_cast %mul3A_10 : i32 to index
      %get3A_67 = tpu.vector_load %arg5[%get3A_65, %get3A_66] {strides = array<i32>} : memref<64x1024xf32, #tpu.memory_space<vmem>>, vector<1x16xf32>,
      %get3A_68 = vector.shape_cast %get3A_67 : vector<1x16xf32> to vector<16xf32>
      %gt3A_69 = arith.cmpf ogt, %get3A_68, %min3A : vector<16xf32>
      %max3A_70 = arith.maximumf %min3A, %get3A_68 : vector<16xf32>
      %broadcast_in_dim3A_71 = arith.constant 1 : i32
      %broadcast_in_dim3A_72 = vector.broadcast %broadcast_in_dim3A_71 : i32 to vector<16xi32>
      %select_n3A_73 = arith.select %gt3A_69, %broadcast_in_dim3A_72, %select_n3A_43 : vector<16xi1>, vector<16xi32>
      %gt3A_74 = arith.cmpf ogt, %max3A_70, %min3A_46 : vector<16xf32>
      %max3A_75 = arith.maximumf %min3A_46, %max3A_70 : vector<16xf32>
      %min3A_76 = arith.minimumf %min3A_46, %max3A_70 : vector<16xf32>
      %select_n3A_77 = arith.select %gt3A_74, %select_n3A_73, %select_n3A_48 : vector<16xi1>, vector<16xi32>
      %select_n3A_78 = arith.select %gt3A_74, %select_n3A_48, %select_n3A_73 : vector<16xi1>, vector<16xi32>
      %gt3A_79 = arith.cmpf ogt, %max3A_75, %min3A_51 : vector<16xf32>
      %max3A_80 = arith.maximumf %min3A_51, %max3A_75 : vector<16xf32>
      %min3A_81 = arith.minimumf %min3A_51, %max3A_75 : vector<16xf32>
      %select_n3A_82 = arith.select %gt3A_79, %select_n3A_77, %select_n3A_53 : vector<16xi1>, vector<16xi32>
      %select_n3A_83 = arith.select %gt3A_79, %select_n3A_53, %select_n3A_77 : vector<16xi1>, vector<16xi32>
      %gt3A_84 = arith.cmpf ogt, %max3A_80, %min3A_56 : vector<16xf32>
      %max3A_85 = arith.maximumf %min3A_56, %max3A_80 : vector<16xf32>
      %min3A_86 = arith.minimumf %min3A_56, %max3A_80 : vector<16xf32>
      %select_n3A_87 = arith.select %gt3A_84, %select_n3A_82, %select_n3A_58 : vector<16xi1>, vector<16xi32>
      %select_n3A_88 = arith.select %gt3A_84, %select_n3A_58, %select_n3A_82 : vector<16xi1>, vector<16xi32>
      %gt3A_89 = arith.cmpf ogt, %max3A_85, %min3A_61 : vector<16xf32>
      %max3A_90 = arith.maximumf %min3A_61, %max3A_85 : vector<16xf32>
      %min3A_91 = arith.minimumf %min3A_61, %max3A_85 : vector<16xf32>
      %select_n3A_92 = arith.select %gt3A_89, %select_n3A_87, %select_n3A_63 : vector<16xi1>, vector<16xi32>
      %select_n3A_93 = arith.select %gt3A_89, %select_n3A_63, %select_n3A_87 : vector<16xi1>, vector<16xi32>
      %gt3A_94 = arith.cmpf ogt, %max3A_90, %max3A_60 : vector<16xf32>
      %max3A_95 = arith.maximumf %max3A_60, %max3A_90 : vector<16xf32>
      %min3A_96 = arith.minimumf %max3A_60, %max3A_90 : vector<16xf32>
      %select_n3A_97 = arith.select %gt3A_94, %select_n3A_92, %select_n3A_62 : vector<16xi1>, vector<16xi32>
      %select_n3A_98 = arith.select %gt3A_94, %select_n3A_62, %select_n3A_92 : vector<16xi1>, vector<16xi32>
      %get3A_99 = arith.constant 2 : i32
      %get3A_100 = arith.index_cast %get3A_99 : i32 to index
      %get3A_101 = arith.index_cast %mul3A_10 : i32 to index
      %get3A_102 = tpu.vector_load %arg5[%get3A_100, %get3A_101] {strides = array<i32>} : memref<64x1024xf32, #tpu.memory_space<vmem>>, vector<1x16xf32>,
      %get3A_103 = vector.shape_cast %get3A_102 : vector<1x16xf32> to vector<16xf32>
      %gt3A_104 = arith.cmpf ogt, %get3A_103, %min3A_76 : vector<16xf32>
      %max3A_105 = arith.maximumf %min3A_76, %get3A_103 : vector<16xf32>
      %broadcast_in_dim3A_106 = arith.constant 2 : i32
      %broadcast_in_dim3A_107 = vector.broadcast %broadcast_in_dim3A_106 : i32 to vector<16xi32>
      %select_n3A_108 = arith.select %gt3A_104, %broadcast_in_dim3A_107, %select_n3A_78 : vector<16xi1>, vector<16xi32>
      %gt3A_109 = arith.cmpf ogt, %max3A_105, %min3A_81 : vector<16xf32>
      %max3A_110 = arith.maximumf %min3A_81, %max3A_105 : vector<16xf32>
      %min3A_111 = arith.minimumf %min3A_81, %max3A_105 : vector<16xf32>
      %select_n3A_112 = arith.select %gt3A_109, %select_n3A_108, %select_n3A_83 : vector<16xi1>, vector<16xi32>
      %select_n3A_113 = arith.select %gt3A_109, %select_n3A_83, %select_n3A_108 : vector<16xi1>, vector<16xi32>
      %gt3A_114 = arith.cmpf ogt, %max3A_110, %min3A_86 : vector<16xf32>
      %max3A_115 = arith.maximumf %min3A_86, %max3A_110 : vector<16xf32>
      %min3A_116 = arith.minimumf %min3A_86, %max3A_110 : vector<16xf32>
      %select_n3A_117 = arith.select %gt3A_114, %select_n3A_112, %select_n3A_88 : vector<16xi1>, vector<16xi32>
      %select_n3A_118 = arith.select %gt3A_114, %select_n3A_88, %select_n3A_112 : vector<16xi1>, vector<16xi32>
      %gt3A_119 = arith.cmpf ogt, %max3A_115, %min3A_91 : vector<16xf32>
      %max3A_120 = arith.maximumf %min3A_91, %max3A_115 : vector<16xf32>
      %min3A_121 = arith.minimumf %min3A_91, %max3A_115 : vector<16xf32>
      %select_n3A_122 = arith.select %gt3A_119, %select_n3A_117, %select_n3A_93 : vector<16xi1>, vector<16xi32>
      %select_n3A_123 = arith.select %gt3A_119, %select_n3A_93, %select_n3A_117 : vector<16xi1>, vector<16xi32>
      %gt3A_124 = arith.cmpf ogt, %max3A_120, %min3A_96 : vector<16xf32>
      %max3A_125 = arith.maximumf %min3A_96, %max3A_120 : vector<16xf32>
      %min3A_126 = arith.minimumf %min3A_96, %max3A_120 : vector<16xf32>
      %select_n3A_127 = arith.select %gt3A_124, %select_n3A_122, %select_n3A_98 : vector<16xi1>, vector<16xi32>
      %select_n3A_128 = arith.select %gt3A_124, %select_n3A_98, %select_n3A_122 : vector<16xi1>, vector<16xi32>
      %gt3A_129 = arith.cmpf ogt, %max3A_125, %max3A_95 : vector<16xf32>
      %max3A_130 = arith.maximumf %max3A_95, %max3A_125 : vector<16xf32>
      %min3A_131 = arith.minimumf %max3A_95, %max3A_125 : vector<16xf32>
      %select_n3A_132 = arith.select %gt3A_129, %select_n3A_127, %select_n3A_97 : vector<16xi1>, vector<16xi32>
      %select_n3A_133 = arith.select %gt3A_129, %select_n3A_97, %select_n3A_127 : vector<16xi1>, vector<16xi32>
      %get3A_134 = arith.constant 3 : i32
      %get3A_135 = arith.index_cast %get3A_134 : i32 to index
      %get3A_136 = arith.index_cast %mul3A_10 : i32 to index
      %get3A_137 = tpu.vector_load %arg5[%get3A_135, %get3A_136] {strides = array<i32>} : memref<64x1024xf32, #tpu.memory_space<vmem>>, vector<1x16xf32>,
      %get3A_138 = vector.shape_cast %get3A_137 : vector<1x16xf32> to vector<16xf32>
      %gt3A_139 = arith.cmpf ogt, %get3A_138, %min3A_111 : vector<16xf32>
      %max3A_140 = arith.maximumf %min3A_111, %get3A_138 : vector<16xf32>
      %broadcast_in_dim3A_141 = arith.constant 3 : i32
      %broadcast_in_dim3A_142 = vector.broadcast %broadcast_in_dim3A_141 : i32 to vector<16xi32>
      %select_n3A_143 = arith.select %gt3A_139, %broadcast_in_dim3A_142, %select_n3A_113 : vector<16xi1>, vector<16xi32>
      %gt3A_144 = arith.cmpf ogt, %max3A_140, %min3A_116 : vector<16xf32>
      %max3A_145 = arith.maximumf %min3A_116, %max3A_140 : vector<16xf32>
      %min3A_146 = arith.minimumf %min3A_116, %max3A_140 : vector<16xf32>
      %select_n3A_147 = arith.select %gt3A_144, %select_n3A_143, %select_n3A_118 : vector<16xi1>, vector<16xi32>
      %select_n3A_148 = arith.select %gt3A_144, %select_n3A_118, %select_n3A_143 : vector<16xi1>, vector<16xi32>
      %gt3A_149 = arith.cmpf ogt, %max3A_145, %min3A_121 : vector<16xf32>
      %max3A_150 = arith.maximumf %min3A_121, %max3A_145 : vector<16xf32>
      %min3A_151 = arith.minimumf %min3A_121, %max3A_145 : vector<16xf32>
      %select_n3A_152 = arith.select %gt3A_149, %select_n3A_147, %select_n3A_123 : vector<16xi1>, vector<16xi32>
      %select_n3A_153 = arith.select %gt3A_149, %select_n3A_123, %select_n3A_147 : vector<16xi1>, vector<16xi32>
      %gt3A_154 = arith.cmpf ogt, %max3A_150, %min3A_126 : vector<16xf32>
      %max3A_155 = arith.maximumf %min3A_126, %max3A_150 : vector<16xf32>
      %min3A_156 = arith.minimumf %min3A_126, %max3A_150 : vector<16xf32>
      %select_n3A_157 = arith.select %gt3A_154, %select_n3A_152, %select_n3A_128 : vector<16xi1>, vector<16xi32>
      %select_n3A_158 = arith.select %gt3A_154, %select_n3A_128, %select_n3A_152 : vector<16xi1>, vector<16xi32>
      %gt3A_159 = arith.cmpf ogt, %max3A_155, %min3A_131 : vector<16xf32>
      %max3A_160 = arith.maximumf %min3A_131, %max3A_155 : vector<16xf32>
      %min3A_161 = arith.minimumf %min3A_131, %max3A_155 : vector<16xf32>
      %select_n3A_162 = arith.select %gt3A_159, %select_n3A_157, %select_n3A_133 : vector<16xi1>, vector<16xi32>
      %select_n3A_163 = arith.select %gt3A_159, %select_n3A_133, %select_n3A_157 : vector<16xi1>, vector<16xi32>
      %gt3A_164 = arith.cmpf ogt, %max3A_160, %max3A_130 : vector<16xf32>
      %max3A_165 = arith.maximumf %max3A_130, %max3A_160 : vector<16xf32>
      %min3A_166 = arith.minimumf %max3A_130, %max3A_160 : vector<16xf32>
      %select_n3A_167 = arith.select %gt3A_164, %select_n3A_162, %select_n3A_132 : vector<16xi1>, vector<16xi32>
      %select_n3A_168 = arith.select %gt3A_164, %select_n3A_132, %select_n3A_162 : vector<16xi1>, vector<16xi32>
      %get3A_169 = arith.constant 4 : i32
      %get3A_170 = arith.index_cast %get3A_169 : i32 to index
      %get3A_171 = arith.index_cast %mul3A_10 : i32 to index
      %get3A_172 = tpu.vector_load %arg5[%get3A_170, %get3A_171] {strides = array<i32>} : memref<64x1024xf32, #tpu.memory_space<vmem>>, vector<1x16xf32>,
      %get3A_173 = vector.shape_cast %get3A_172 : vector<1x16xf32> to vector<16xf32>
      %gt3A_174 = arith.cmpf ogt, %get3A_173, %min3A_146 : vector<16xf32>
      %max3A_175 = arith.maximumf %min3A_146, %get3A_173 : vector<16xf32>
      %broadcast_in_dim3A_176 = arith.constant 4 : i32
      %broadcast_in_dim3A_177 = vector.broadcast %broadcast_in_dim3A_176 : i32 to vector<16xi32>
      %select_n3A_178 = arith.select %gt3A_174, %broadcast_in_dim3A_177, %select_n3A_148 : vector<16xi1>, vector<16xi32>
      %gt3A_179 = arith.cmpf ogt, %max3A_175, %min3A_151 : vector<16xf32>
      %max3A_180 = arith.maximumf %min3A_151, %max3A_175 : vector<16xf32>
      %min3A_181 = arith.minimumf %min3A_151, %max3A_175 : vector<16xf32>
      %select_n3A_182 = arith.select %gt3A_179, %select_n3A_178, %select_n3A_153 : vector<16xi1>, vector<16xi32>
      %select_n3A_183 = arith.select %gt3A_179, %select_n3A_153, %select_n3A_178 : vector<16xi1>, vector<16xi32>
      %gt3A_184 = arith.cmpf ogt, %max3A_180, %min3A_156 : vector<16xf32>
      %max3A_185 = arith.maximumf %min3A_156, %max3A_180 : vector<16xf32>
      %min3A_186 = arith.minimumf %min3A_156, %max3A_180 : vector<16xf32>
      %select_n3A_187 = arith.select %gt3A_184, %select_n3A_182, %select_n3A_158 : vector<16xi1>, vector<16xi32>
      %select_n3A_188 = arith.select %gt3A_184, %select_n3A_158, %select_n3A_182 : vector<16xi1>, vector<16xi32>
      %gt3A_189 = arith.cmpf ogt, %max3A_185, %min3A_161 : vector<16xf32>
      %max3A_190 = arith.maximumf %min3A_161, %max3A_185 : vector<16xf32>
      %min3A_191 = arith.minimumf %min3A_161, %max3A_185 : vector<16xf32>
      %select_n3A_192 = arith.select %gt3A_189, %select_n3A_187, %select_n3A_163 : vector<16xi1>, vector<16xi32>
      %select_n3A_193 = arith.select %gt3A_189, %select_n3A_163, %select_n3A_187 : vector<16xi1>, vector<16xi32>
      %gt3A_194 = arith.cmpf ogt, %max3A_190, %min3A_166 : vector<16xf32>
      %max3A_195 = arith.maximumf %min3A_166, %max3A_190 : vector<16xf32>
      %min3A_196 = arith.minimumf %min3A_166, %max3A_190 : vector<16xf32>
      %select_n3A_197 = arith.select %gt3A_194, %select_n3A_192, %select_n3A_168 : vector<16xi1>, vector<16xi32>
      %select_n3A_198 = arith.select %gt3A_194, %select_n3A_168, %select_n3A_192 : vector<16xi1>, vector<16xi32>
      %gt3A_199 = arith.cmpf ogt, %max3A_195, %max3A_165 : vector<16xf32>
      %max3A_200 = arith.maximumf %max3A_165, %max3A_195 : vector<16xf32>
      %min3A_201 = arith.minimumf %max3A_165, %max3A_195 : vector<16xf32>
      %select_n3A_202 = arith.select %gt3A_199, %select_n3A_197, %select_n3A_167 : vector<16xi1>, vector<16xi32>
      %select_n3A_203 = arith.select %gt3A_199, %select_n3A_167, %select_n3A_197 : vector<16xi1>, vector<16xi32>
      %get3A_204 = arith.constant 5 : i32
      %get3A_205 = arith.index_cast %get3A_204 : i32 to index
      %get3A_206 = arith.index_cast %mul3A_10 : i32 to index
      %get3A_207 = tpu.vector_load %arg5[%get3A_205, %get3A_206] {strides = array<i32>} : memref<64x1024xf32, #tpu.memory_space<vmem>>, vector<1x16xf32>,
      %get3A_208 = vector.shape_cast %get3A_207 : vector<1x16xf32> to vector<16xf32>
      %gt3A_209 = arith.cmpf ogt, %get3A_208, %min3A_181 : vector<16xf32>
      %max3A_210 = arith.maximumf %min3A_181, %get3A_208 : vector<16xf32>
      %broadcast_in_dim3A_211 = arith.constant 5 : i32
      %broadcast_in_dim3A_212 = vector.broadcast %broadcast_in_dim3A_211 : i32 to vector<16xi32>
      %select_n3A_213 = arith.select %gt3A_209, %broadcast_in_dim3A_212, %select_n3A_183 : vector<16xi1>, vector<16xi32>
      %gt3A_214 = arith.cmpf ogt, %max3A_210, %min3A_186 : vector<16xf32>
      %max3A_215 = arith.maximumf %min3A_186, %max3A_210 : vector<16xf32>
      %min3A_216 = arith.minimumf %min3A_186, %max3A_210 : vector<16xf32>
      %select_n3A_217 = arith.select %gt3A_214, %select_n3A_213, %select_n3A_188 : vector<16xi1>, vector<16xi32>
      %select_n3A_218 = arith.select %gt3A_214, %select_n3A_188, %select_n3A_213 : vector<16xi1>, vector<16xi32>
      %gt3A_219 = arith.cmpf ogt, %max3A_215, %min3A_191 : vector<16xf32>
      %max3A_220 = arith.maximumf %min3A_191, %max3A_215 : vector<16xf32>
      %min3A_221 = arith.minimumf %min3A_191, %max3A_215 : vector<16xf32>
      %select_n3A_222 = arith.select %gt3A_219, %select_n3A_217, %select_n3A_193 : vector<16xi1>, vector<16xi32>
      %select_n3A_223 = arith.select %gt3A_219, %select_n3A_193, %select_n3A_217 : vector<16xi1>, vector<16xi32>
      %gt3A_224 = arith.cmpf ogt, %max3A_220, %min3A_196 : vector<16xf32>
      %max3A_225 = arith.maximumf %min3A_196, %max3A_220 : vector<16xf32>
      %min3A_226 = arith.minimumf %min3A_196, %max3A_220 : vector<16xf32>
      %select_n3A_227 = arith.select %gt3A_224, %select_n3A_222, %select_n3A_198 : vector<16xi1>, vector<16xi32>
      %select_n3A_228 = arith.select %gt3A_224, %select_n3A_198, %select_n3A_222 : vector<16xi1>, vector<16xi32>
      %gt3A_229 = arith.cmpf ogt, %max3A_225, %min3A_201 : vector<16xf32>
      %max3A_230 = arith.maximumf %min3A_201, %max3A_225 : vector<16xf32>
      %min3A_231 = arith.minimumf %min3A_201, %max3A_225 : vector<16xf32>
      %select_n3A_232 = arith.select %gt3A_229, %select_n3A_227, %select_n3A_203 : vector<16xi1>, vector<16xi32>
      %select_n3A_233 = arith.select %gt3A_229, %select_n3A_203, %select_n3A_227 : vector<16xi1>, vector<16xi32>
      %gt3A_234 = arith.cmpf ogt, %max3A_230, %max3A_200 : vector<16xf32>
      %max3A_235 = arith.maximumf %max3A_200, %max3A_230 : vector<16xf32>
      %min3A_236 = arith.minimumf %max3A_200, %max3A_230 : vector<16xf32>
      %select_n3A_237 = arith.select %gt3A_234, %select_n3A_232, %select_n3A_202 : vector<16xi1>, vector<16xi32>
      %select_n3A_238 = arith.select %gt3A_234, %select_n3A_202, %select_n3A_232 : vector<16xi1>, vector<16xi32>
      %get3A_239 = arith.constant 6 : i32
      %get3A_240 = arith.index_cast %get3A_239 : i32 to index
      %get3A_241 = arith.index_cast %mul3A_10 : i32 to index
      %get3A_242 = tpu.vector_load %arg5[%get3A_240, %get3A_241] {strides = array<i32>} : memref<64x1024xf32, #tpu.memory_space<vmem>>, vector<1x16xf32>,
      %get3A_243 = vector.shape_cast %get3A_242 : vector<1x16xf32> to vector<16xf32>
      %gt3A_244 = arith.cmpf ogt, %get3A_243, %min3A_216 : vector<16xf32>
      %max3A_245 = arith.maximumf %min3A_216, %get3A_243 : vector<16xf32>
      %broadcast_in_dim3A_246 = arith.constant 6 : i32
      %broadcast_in_dim3A_247 = vector.broadcast %broadcast_in_dim3A_246 : i32 to vector<16xi32>
      %select_n3A_248 = arith.select %gt3A_244, %broadcast_in_dim3A_247, %select_n3A_218 : vector<16xi1>, vector<16xi32>
      %gt3A_249 = arith.cmpf ogt, %max3A_245, %min3A_221 : vector<16xf32>
      %max3A_250 = arith.maximumf %min3A_221, %max3A_245 : vector<16xf32>
      %min3A_251 = arith.minimumf %min3A_221, %max3A_245 : vector<16xf32>
      %select_n3A_252 = arith.select %gt3A_249, %select_n3A_248, %select_n3A_223 : vector<16xi1>, vector<16xi32>
      %select_n3A_253 = arith.select %gt3A_249, %select_n3A_223, %select_n3A_248 : vector<16xi1>, vector<16xi32>
      %gt3A_254 = arith.cmpf ogt, %max3A_250, %min3A_226 : vector<16xf32>
      %max3A_255 = arith.maximumf %min3A_226, %max3A_250 : vector<16xf32>
      %min3A_256 = arith.minimumf %min3A_226, %max3A_250 : vector<16xf32>
      %select_n3A_257 = arith.select %gt3A_254, %select_n3A_252, %select_n3A_228 : vector<16xi1>, vector<16xi32>
      %select_n3A_258 = arith.select %gt3A_254, %select_n3A_228, %select_n3A_252 : vector<16xi1>, vector<16xi32>
      %gt3A_259 = arith.cmpf ogt, %max3A_255, %min3A_231 : vector<16xf32>
      %max3A_260 = arith.maximumf %min3A_231, %max3A_255 : vector<16xf32>
      %min3A_261 = arith.minimumf %min3A_231, %max3A_255 : vector<16xf32>
      %select_n3A_262 = arith.select %gt3A_259, %select_n3A_257, %select_n3A_233 : vector<16xi1>, vector<16xi32>
      %select_n3A_263 = arith.select %gt3A_259, %select_n3A_233, %select_n3A_257 : vector<16xi1>, vector<16xi32>
      %gt3A_264 = arith.cmpf ogt, %max3A_260, %min3A_236 : vector<16xf32>
      %max3A_265 = arith.maximumf %min3A_236, %max3A_260 : vector<16xf32>
      %min3A_266 = arith.minimumf %min3A_236, %max3A_260 : vector<16xf32>
      %select_n3A_267 = arith.select %gt3A_264, %select_n3A_262, %select_n3A_238 : vector<16xi1>, vector<16xi32>
      %select_n3A_268 = arith.select %gt3A_264, %select_n3A_238, %select_n3A_262 : vector<16xi1>, vector<16xi32>
      %gt3A_269 = arith.cmpf ogt, %max3A_265, %max3A_235 : vector<16xf32>
      %max3A_270 = arith.maximumf %max3A_235, %max3A_265 : vector<16xf32>
      %min3A_271 = arith.minimumf %max3A_235, %max3A_265 : vector<16xf32>
      %select_n3A_272 = arith.select %gt3A_269, %select_n3A_267, %select_n3A_237 : vector<16xi1>, vector<16xi32>
      %select_n3A_273 = arith.select %gt3A_269, %select_n3A_237, %select_n3A_267 : vector<16xi1>, vector<16xi32>
      %get3A_274 = arith.constant 7 : i32
      %get3A_275 = arith.index_cast %get3A_274 : i32 to index
      %get3A_276 = arith.index_cast %mul3A_10 : i32 to index
      %get3A_277 = tpu.vector_load %arg5[%get3A_275, %get3A_276] {strides = array<i32>} : memref<64x1024xf32, #tpu.memory_space<vmem>>, vector<1x16xf32>,
      %get3A_278 = vector.shape_cast %get3A_277 : vector<1x16xf32> to vector<16xf32>
      %gt3A_279 = arith.cmpf ogt, %get3A_278, %min3A_251 : vector<16xf32>
      %max3A_280 = arith.maximumf %min3A_251, %get3A_278 : vector<16xf32>
      %broadcast_in_dim3A_281 = arith.constant 7 : i32
      %broadcast_in_dim3A_282 = vector.broadcast %broadcast_in_dim3A_281 : i32 to vector<16xi32>
      %select_n3A_283 = arith.select %gt3A_279, %broadcast_in_dim3A_282, %select_n3A_253 : vector<16xi1>, vector<16xi32>
      %gt3A_284 = arith.cmpf ogt, %max3A_280, %min3A_256 : vector<16xf32>
      %max3A_285 = arith.maximumf %min3A_256, %max3A_280 : vector<16xf32>
      %min3A_286 = arith.minimumf %min3A_256, %max3A_280 : vector<16xf32>
      %select_n3A_287 = arith.select %gt3A_284, %select_n3A_283, %select_n3A_258 : vector<16xi1>, vector<16xi32>
      %select_n3A_288 = arith.select %gt3A_284, %select_n3A_258, %select_n3A_283 : vector<16xi1>, vector<16xi32>
      %gt3A_289 = arith.cmpf ogt, %max3A_285, %min3A_261 : vector<16xf32>
      %max3A_290 = arith.maximumf %min3A_261, %max3A_285 : vector<16xf32>
      %min3A_291 = arith.minimumf %min3A_261, %max3A_285 : vector<16xf32>
      %select_n3A_292 = arith.select %gt3A_289, %select_n3A_287, %select_n3A_263 : vector<16xi1>, vector<16xi32>
      %select_n3A_293 = arith.select %gt3A_289, %select_n3A_263, %select_n3A_287 : vector<16xi1>, vector<16xi32>
      %gt3A_294 = arith.cmpf ogt, %max3A_290, %min3A_266 : vector<16xf32>
      %max3A_295 = arith.maximumf %min3A_266, %max3A_290 : vector<16xf32>
      %min3A_296 = arith.minimumf %min3A_266, %max3A_290 : vector<16xf32>
      %select_n3A_297 = arith.select %gt3A_294, %select_n3A_292, %select_n3A_268 : vector<16xi1>, vector<16xi32>
      %select_n3A_298 = arith.select %gt3A_294, %select_n3A_268, %select_n3A_292 : vector<16xi1>, vector<16xi32>
      %gt3A_299 = arith.cmpf ogt, %max3A_295, %min3A_271 : vector<16xf32>
      %max3A_300 = arith.maximumf %min3A_271, %max3A_295 : vector<16xf32>
      %min3A_301 = arith.minimumf %min3A_271, %max3A_295 : vector<16xf32>
      %select_n3A_302 = arith.select %gt3A_299, %select_n3A_297, %select_n3A_273 : vector<16xi1>, vector<16xi32>
      %select_n3A_303 = arith.select %gt3A_299, %select_n3A_273, %select_n3A_297 : vector<16xi1>, vector<16xi32>
      %gt3A_304 = arith.cmpf ogt, %max3A_300, %max3A_270 : vector<16xf32>
      %max3A_305 = arith.maximumf %max3A_270, %max3A_300 : vector<16xf32>
      %min3A_306 = arith.minimumf %max3A_270, %max3A_300 : vector<16xf32>
      %select_n3A_307 = arith.select %gt3A_304, %select_n3A_302, %select_n3A_272 : vector<16xi1>, vector<16xi32>
      %select_n3A_308 = arith.select %gt3A_304, %select_n3A_272, %select_n3A_302 : vector<16xi1>, vector<16xi32>
      %get3A_309 = arith.constant 8 : i32
      %get3A_310 = arith.index_cast %get3A_309 : i32 to index
      %get3A_311 = arith.index_cast %mul3A_10 : i32 to index
      %get3A_312 = tpu.vector_load %arg5[%get3A_310, %get3A_311] {strides = array<i32>} : memref<64x1024xf32, #tpu.memory_space<vmem>>, vector<1x16xf32>,
      %get3A_313 = vector.shape_cast %get3A_312 : vector<1x16xf32> to vector<16xf32>
      %gt3A_314 = arith.cmpf ogt, %get3A_313, %min3A_286 : vector<16xf32>
      %max3A_315 = arith.maximumf %min3A_286, %get3A_313 : vector<16xf32>
      %broadcast_in_dim3A_316 = arith.constant 8 : i32
      %broadcast_in_dim3A_317 = vector.broadcast %broadcast_in_dim3A_316 : i32 to vector<16xi32>
      %select_n3A_318 = arith.select %gt3A_314, %broadcast_in_dim3A_317, %select_n3A_288 : vector<16xi1>, vector<16xi32>
      %gt3A_319 = arith.cmpf ogt, %max3A_315, %min3A_291 : vector<16xf32>
      %max3A_320 = arith.maximumf %min3A_291, %max3A_315 : vector<16xf32>
      %min3A_321 = arith.minimumf %min3A_291, %max3A_315 : vector<16xf32>
      %select_n3A_322 = arith.select %gt3A_319, %select_n3A_318, %select_n3A_293 : vector<16xi1>, vector<16xi32>
      %select_n3A_323 = arith.select %gt3A_319, %select_n3A_293, %select_n3A_318 : vector<16xi1>, vector<16xi32>
      %gt3A_324 = arith.cmpf ogt, %max3A_320, %min3A_296 : vector<16xf32>
      %max3A_325 = arith.maximumf %min3A_296, %max3A_320 : vector<16xf32>
      %min3A_326 = arith.minimumf %min3A_296, %max3A_320 : vector<16xf32>
      %select_n3A_327 = arith.select %gt3A_324, %select_n3A_322, %select_n3A_298 : vector<16xi1>, vector<16xi32>
      %select_n3A_328 = arith.select %gt3A_324, %select_n3A_298, %select_n3A_322 : vector<16xi1>, vector<16xi32>
      %gt3A_329 = arith.cmpf ogt, %max3A_325, %min3A_301 : vector<16xf32>
      %max3A_330 = arith.maximumf %min3A_301, %max3A_325 : vector<16xf32>
      %min3A_331 = arith.minimumf %min3A_301, %max3A_325 : vector<16xf32>
      %select_n3A_332 = arith.select %gt3A_329, %select_n3A_327, %select_n3A_303 : vector<16xi1>, vector<16xi32>
      %select_n3A_333 = arith.select %gt3A_329, %select_n3A_303, %select_n3A_327 : vector<16xi1>, vector<16xi32>
      %gt3A_334 = arith.cmpf ogt, %max3A_330, %min3A_306 : vector<16xf32>
      %max3A_335 = arith.maximumf %min3A_306, %max3A_330 : vector<16xf32>
      %min3A_336 = arith.minimumf %min3A_306, %max3A_330 : vector<16xf32>
      %select_n3A_337 = arith.select %gt3A_334, %select_n3A_332, %select_n3A_308 : vector<16xi1>, vector<16xi32>
      %select_n3A_338 = arith.select %gt3A_334, %select_n3A_308, %select_n3A_332 : vector<16xi1>, vector<16xi32>
      %gt3A_339 = arith.cmpf ogt, %max3A_335, %max3A_305 : vector<16xf32>
      %max3A_340 = arith.maximumf %max3A_305, %max3A_335 : vector<16xf32>
      %min3A_341 = arith.minimumf %max3A_305, %max3A_335 : vector<16xf32>
      %select_n3A_342 = arith.select %gt3A_339, %select_n3A_337, %select_n3A_307 : vector<16xi1>, vector<16xi32>
      %select_n3A_343 = arith.select %gt3A_339, %select_n3A_307, %select_n3A_337 : vector<16xi1>, vector<16xi32>
      %get3A_344 = arith.constant 9 : i32
      %get3A_345 = arith.index_cast %get3A_344 : i32 to index
      %get3A_346 = arith.index_cast %mul3A_10 : i32 to index
      %get3A_347 = tpu.vector_load %arg5[%get3A_345, %get3A_346] {strides = array<i32>} : memref<64x1024xf32, #tpu.memory_space<vmem>>, vector<1x16xf32>,
      %get3A_348 = vector.shape_cast %get3A_347 : vector<1x16xf32> to vector<16xf32>
      %gt3A_349 = arith.cmpf ogt, %get3A_348, %min3A_321 : vector<16xf32>
      %max3A_350 = arith.maximumf %min3A_321, %get3A_348 : vector<16xf32>
      %broadcast_in_dim3A_351 = arith.constant 9 : i32
      %broadcast_in_dim3A_352 = vector.broadcast %broadcast_in_dim3A_351 : i32 to vector<16xi32>
      %select_n3A_353 = arith.select %gt3A_349, %broadcast_in_dim3A_352, %select_n3A_323 : vector<16xi1>, vector<16xi32>
      %gt3A_354 = arith.cmpf ogt, %max3A_350, %min3A_326 : vector<16xf32>
      %max3A_355 = arith.maximumf %min3A_326, %max3A_350 : vector<16xf32>
      %min3A_356 = arith.minimumf %min3A_326, %max3A_350 : vector<16xf32>
      %select_n3A_357 = arith.select %gt3A_354, %select_n3A_353, %select_n3A_328 : vector<16xi1>, vector<16xi32>
      %select_n3A_358 = arith.select %gt3A_354, %select_n3A_328, %select_n3A_353 : vector<16xi1>, vector<16xi32>
      %gt3A_359 = arith.cmpf ogt, %max3A_355, %min3A_331 : vector<16xf32>
      %max3A_360 = arith.maximumf %min3A_331, %max3A_355 : vector<16xf32>
      %min3A_361 = arith.minimumf %min3A_331, %max3A_355 : vector<16xf32>
      %select_n3A_362 = arith.select %gt3A_359, %select_n3A_357, %select_n3A_333 : vector<16xi1>, vector<16xi32>
      %select_n3A_363 = arith.select %gt3A_359, %select_n3A_333, %select_n3A_357 : vector<16xi1>, vector<16xi32>
      %gt3A_364 = arith.cmpf ogt, %max3A_360, %min3A_336 : vector<16xf32>
      %max3A_365 = arith.maximumf %min3A_336, %max3A_360 : vector<16xf32>
      %min3A_366 = arith.minimumf %min3A_336, %max3A_360 : vector<16xf32>
      %select_n3A_367 = arith.select %gt3A_364, %select_n3A_362, %select_n3A_338 : vector<16xi1>, vector<16xi32>
      %select_n3A_368 = arith.select %gt3A_364, %select_n3A_338, %select_n3A_362 : vector<16xi1>, vector<16xi32>
      %gt3A_369 = arith.cmpf ogt, %max3A_365, %min3A_341 : vector<16xf32>
      %max3A_370 = arith.maximumf %min3A_341, %max3A_365 : vector<16xf32>
      %min3A_371 = arith.minimumf %min3A_341, %max3A_365 : vector<16xf32>
      %select_n3A_372 = arith.select %gt3A_369, %select_n3A_367, %select_n3A_343 : vector<16xi1>, vector<16xi32>
      %select_n3A_373 = arith.select %gt3A_369, %select_n3A_343, %select_n3A_367 : vector<16xi1>, vector<16xi32>
      %gt3A_374 = arith.cmpf ogt, %max3A_370, %max3A_340 : vector<16xf32>
      %max3A_375 = arith.maximumf %max3A_340, %max3A_370 : vector<16xf32>
      %min3A_376 = arith.minimumf %max3A_340, %max3A_370 : vector<16xf32>
      %select_n3A_377 = arith.select %gt3A_374, %select_n3A_372, %select_n3A_342 : vector<16xi1>, vector<16xi32>
      %select_n3A_378 = arith.select %gt3A_374, %select_n3A_342, %select_n3A_372 : vector<16xi1>, vector<16xi32>
      %get3A_379 = arith.constant 10 : i32
      %get3A_380 = arith.index_cast %get3A_379 : i32 to index
      %get3A_381 = arith.index_cast %mul3A_10 : i32 to index
      %get3A_382 = tpu.vector_load %arg5[%get3A_380, %get3A_381] {strides = array<i32>} : memref<64x1024xf32, #tpu.memory_space<vmem>>, vector<1x16xf32>,
      %get3A_383 = vector.shape_cast %get3A_382 : vector<1x16xf32> to vector<16xf32>
      %gt3A_384 = arith.cmpf ogt, %get3A_383, %min3A_356 : vector<16xf32>
      %max3A_385 = arith.maximumf %min3A_356, %get3A_383 : vector<16xf32>
      %broadcast_in_dim3A_386 = arith.constant 10 : i32
      %broadcast_in_dim3A_387 = vector.broadcast %broadcast_in_dim3A_386 : i32 to vector<16xi32>
      %select_n3A_388 = arith.select %gt3A_384, %broadcast_in_dim3A_387, %select_n3A_358 : vector<16xi1>, vector<16xi32>
      %gt3A_389 = arith.cmpf ogt, %max3A_385, %min3A_361 : vector<16xf32>
      %max3A_390 = arith.maximumf %min3A_361, %max3A_385 : vector<16xf32>
      %min3A_391 = arith.minimumf %min3A_361, %max3A_385 : vector<16xf32>
      %select_n3A_392 = arith.select %gt3A_389, %select_n3A_388, %select_n3A_363 : vector<16xi1>, vector<16xi32>
      %select_n3A_393 = arith.select %gt3A_389, %select_n3A_363, %select_n3A_388 : vector<16xi1>, vector<16xi32>
      %gt3A_394 = arith.cmpf ogt, %max3A_390, %min3A_366 : vector<16xf32>
      %max3A_395 = arith.maximumf %min3A_366, %max3A_390 : vector<16xf32>
      %min3A_396 = arith.minimumf %min3A_366, %max3A_390 : vector<16xf32>
      %select_n3A_397 = arith.select %gt3A_394, %select_n3A_392, %select_n3A_368 : vector<16xi1>, vector<16xi32>
      %select_n3A_398 = arith.select %gt3A_394, %select_n3A_368, %select_n3A_392 : vector<16xi1>, vector<16xi32>
      %gt3A_399 = arith.cmpf ogt, %max3A_395, %min3A_371 : vector<16xf32>
      %max3A_400 = arith.maximumf %min3A_371, %max3A_395 : vector<16xf32>
      %min3A_401 = arith.minimumf %min3A_371, %max3A_395 : vector<16xf32>
      %select_n3A_402 = arith.select %gt3A_399, %select_n3A_397, %select_n3A_373 : vector<16xi1>, vector<16xi32>
      %select_n3A_403 = arith.select %gt3A_399, %select_n3A_373, %select_n3A_397 : vector<16xi1>, vector<16xi32>
      %gt3A_404 = arith.cmpf ogt, %max3A_400, %min3A_376 : vector<16xf32>
      %max3A_405 = arith.maximumf %min3A_376, %max3A_400 : vector<16xf32>
      %min3A_406 = arith.minimumf %min3A_376, %max3A_400 : vector<16xf32>
      %select_n3A_407 = arith.select %gt3A_404, %select_n3A_402, %select_n3A_378 : vector<16xi1>, vector<16xi32>
      %select_n3A_408 = arith.select %gt3A_404, %select_n3A_378, %select_n3A_402 : vector<16xi1>, vector<16xi32>
      %gt3A_409 = arith.cmpf ogt, %max3A_405, %max3A_375 : vector<16xf32>
      %max3A_410 = arith.maximumf %max3A_375, %max3A_405 : vector<16xf32>
      %min3A_411 = arith.minimumf %max3A_375, %max3A_405 : vector<16xf32>
      %select_n3A_412 = arith.select %gt3A_409, %select_n3A_407, %select_n3A_377 : vector<16xi1>, vector<16xi32>
      %select_n3A_413 = arith.select %gt3A_409, %select_n3A_377, %select_n3A_407 : vector<16xi1>, vector<16xi32>
      %get3A_414 = arith.constant 11 : i32
      %get3A_415 = arith.index_cast %get3A_414 : i32 to index
      %get3A_416 = arith.index_cast %mul3A_10 : i32 to index
      %get3A_417 = tpu.vector_load %arg5[%get3A_415, %get3A_416] {strides = array<i32>} : memref<64x1024xf32, #tpu.memory_space<vmem>>, vector<1x16xf32>,
      %get3A_418 = vector.shape_cast %get3A_417 : vector<1x16xf32> to vector<16xf32>
      %gt3A_419 = arith.cmpf ogt, %get3A_418, %min3A_391 : vector<16xf32>
      %max3A_420 = arith.maximumf %min3A_391, %get3A_418 : vector<16xf32>
      %broadcast_in_dim3A_421 = arith.constant 11 : i32
      %broadcast_in_dim3A_422 = vector.broadcast %broadcast_in_dim3A_421 : i32 to vector<16xi32>
      %select_n3A_423 = arith.select %gt3A_419, %broadcast_in_dim3A_422, %select_n3A_393 : vector<16xi1>, vector<16xi32>
      %gt3A_424 = arith.cmpf ogt, %max3A_420, %min3A_396 : vector<16xf32>
      %max3A_425 = arith.maximumf %min3A_396, %max3A_420 : vector<16xf32>
      %min3A_426 = arith.minimumf %min3A_396, %max3A_420 : vector<16xf32>
      %select_n3A_427 = arith.select %gt3A_424, %select_n3A_423, %select_n3A_398 : vector<16xi1>, vector<16xi32>
      %select_n3A_428 = arith.select %gt3A_424, %select_n3A_398, %select_n3A_423 : vector<16xi1>, vector<16xi32>
      %gt3A_429 = arith.cmpf ogt, %max3A_425, %min3A_401 : vector<16xf32>
      %max3A_430 = arith.maximumf %min3A_401, %max3A_425 : vector<16xf32>
      %min3A_431 = arith.minimumf %min3A_401, %max3A_425 : vector<16xf32>
      %select_n3A_432 = arith.select %gt3A_429, %select_n3A_427, %select_n3A_403 : vector<16xi1>, vector<16xi32>
      %select_n3A_433 = arith.select %gt3A_429, %select_n3A_403, %select_n3A_427 : vector<16xi1>, vector<16xi32>
      %gt3A_434 = arith.cmpf ogt, %max3A_430, %min3A_406 : vector<16xf32>
      %max3A_435 = arith.maximumf %min3A_406, %max3A_430 : vector<16xf32>
      %min3A_436 = arith.minimumf %min3A_406, %max3A_430 : vector<16xf32>
      %select_n3A_437 = arith.select %gt3A_434, %select_n3A_432, %select_n3A_408 : vector<16xi1>, vector<16xi32>
      %select_n3A_438 = arith.select %gt3A_434, %select_n3A_408, %select_n3A_432 : vector<16xi1>, vector<16xi32>
      %gt3A_439 = arith.cmpf ogt, %max3A_435, %min3A_411 : vector<16xf32>
      %max3A_440 = arith.maximumf %min3A_411, %max3A_435 : vector<16xf32>
      %min3A_441 = arith.minimumf %min3A_411, %max3A_435 : vector<16xf32>
      %select_n3A_442 = arith.select %gt3A_439, %select_n3A_437, %select_n3A_413 : vector<16xi1>, vector<16xi32>
      %select_n3A_443 = arith.select %gt3A_439, %select_n3A_413, %select_n3A_437 : vector<16xi1>, vector<16xi32>
      %gt3A_444 = arith.cmpf ogt, %max3A_440, %max3A_410 : vector<16xf32>
      %max3A_445 = arith.maximumf %max3A_410, %max3A_440 : vector<16xf32>
      %min3A_446 = arith.minimumf %max3A_410, %max3A_440 : vector<16xf32>
      %select_n3A_447 = arith.select %gt3A_444, %select_n3A_442, %select_n3A_412 : vector<16xi1>, vector<16xi32>
      %select_n3A_448 = arith.select %gt3A_444, %select_n3A_412, %select_n3A_442 : vector<16xi1>, vector<16xi32>
      %get3A_449 = arith.constant 12 : i32
      %get3A_450 = arith.index_cast %get3A_449 : i32 to index
      %get3A_451 = arith.index_cast %mul3A_10 : i32 to index
      %get3A_452 = tpu.vector_load %arg5[%get3A_450, %get3A_451] {strides = array<i32>} : memref<64x1024xf32, #tpu.memory_space<vmem>>, vector<1x16xf32>,
      %get3A_453 = vector.shape_cast %get3A_452 : vector<1x16xf32> to vector<16xf32>
      %gt3A_454 = arith.cmpf ogt, %get3A_453, %min3A_426 : vector<16xf32>
      %max3A_455 = arith.maximumf %min3A_426, %get3A_453 : vector<16xf32>
      %broadcast_in_dim3A_456 = arith.constant 12 : i32
      %broadcast_in_dim3A_457 = vector.broadcast %broadcast_in_dim3A_456 : i32 to vector<16xi32>
      %select_n3A_458 = arith.select %gt3A_454, %broadcast_in_dim3A_457, %select_n3A_428 : vector<16xi1>, vector<16xi32>
      %gt3A_459 = arith.cmpf ogt, %max3A_455, %min3A_431 : vector<16xf32>
      %max3A_460 = arith.maximumf %min3A_431, %max3A_455 : vector<16xf32>
      %min3A_461 = arith.minimumf %min3A_431, %max3A_455 : vector<16xf32>
      %select_n3A_462 = arith.select %gt3A_459, %select_n3A_458, %select_n3A_433 : vector<16xi1>, vector<16xi32>
      %select_n3A_463 = arith.select %gt3A_459, %select_n3A_433, %select_n3A_458 : vector<16xi1>, vector<16xi32>
      %gt3A_464 = arith.cmpf ogt, %max3A_460, %min3A_436 : vector<16xf32>
      %max3A_465 = arith.maximumf %min3A_436, %max3A_460 : vector<16xf32>
      %min3A_466 = arith.minimumf %min3A_436, %max3A_460 : vector<16xf32>
      %select_n3A_467 = arith.select %gt3A_464, %select_n3A_462, %select_n3A_438 : vector<16xi1>, vector<16xi32>
      %select_n3A_468 = arith.select %gt3A_464, %select_n3A_438, %select_n3A_462 : vector<16xi1>, vector<16xi32>
      %gt3A_469 = arith.cmpf ogt, %max3A_465, %min3A_441 : vector<16xf32>
      %max3A_470 = arith.maximumf %min3A_441, %max3A_465 : vector<16xf32>
      %min3A_471 = arith.minimumf %min3A_441, %max3A_465 : vector<16xf32>
      %select_n3A_472 = arith.select %gt3A_469, %select_n3A_467, %select_n3A_443 : vector<16xi1>, vector<16xi32>
      %select_n3A_473 = arith.select %gt3A_469, %select_n3A_443, %select_n3A_467 : vector<16xi1>, vector<16xi32>
      %gt3A_474 = arith.cmpf ogt, %max3A_470, %min3A_446 : vector<16xf32>
      %max3A_475 = arith.maximumf %min3A_446, %max3A_470 : vector<16xf32>
      %min3A_476 = arith.minimumf %min3A_446, %max3A_470 : vector<16xf32>
      %select_n3A_477 = arith.select %gt3A_474, %select_n3A_472, %select_n3A_448 : vector<16xi1>, vector<16xi32>
      %select_n3A_478 = arith.select %gt3A_474, %select_n3A_448, %select_n3A_472 : vector<16xi1>, vector<16xi32>
      %gt3A_479 = arith.cmpf ogt, %max3A_475, %max3A_445 : vector<16xf32>
      %max3A_480 = arith.maximumf %max3A_445, %max3A_475 : vector<16xf32>
      %min3A_481 = arith.minimumf %max3A_445, %max3A_475 : vector<16xf32>
      %select_n3A_482 = arith.select %gt3A_479, %select_n3A_477, %select_n3A_447 : vector<16xi1>, vector<16xi32>
      %select_n3A_483 = arith.select %gt3A_479, %select_n3A_447, %select_n3A_477 : vector<16xi1>, vector<16xi32>
      %get3A_484 = arith.constant 13 : i32
      %get3A_485 = arith.index_cast %get3A_484 : i32 to index
      %get3A_486 = arith.index_cast %mul3A_10 : i32 to index
      %get3A_487 = tpu.vector_load %arg5[%get3A_485, %get3A_486] {strides = array<i32>} : memref<64x1024xf32, #tpu.memory_space<vmem>>, vector<1x16xf32>,
      %get3A_488 = vector.shape_cast %get3A_487 : vector<1x16xf32> to vector<16xf32>
      %gt3A_489 = arith.cmpf ogt, %get3A_488, %min3A_461 : vector<16xf32>
      %max3A_490 = arith.maximumf %min3A_461, %get3A_488 : vector<16xf32>
      %broadcast_in_dim3A_491 = arith.constant 13 : i32
      %broadcast_in_dim3A_492 = vector.broadcast %broadcast_in_dim3A_491 : i32 to vector<16xi32>
      %select_n3A_493 = arith.select %gt3A_489, %broadcast_in_dim3A_492, %select_n3A_463 : vector<16xi1>, vector<16xi32>
      %gt3A_494 = arith.cmpf ogt, %max3A_490, %min3A_466 : vector<16xf32>
      %max3A_495 = arith.maximumf %min3A_466, %max3A_490 : vector<16xf32>
      %min3A_496 = arith.minimumf %min3A_466, %max3A_490 : vector<16xf32>
      %select_n3A_497 = arith.select %gt3A_494, %select_n3A_493, %select_n3A_468 : vector<16xi1>, vector<16xi32>
      %select_n3A_498 = arith.select %gt3A_494, %select_n3A_468, %select_n3A_493 : vector<16xi1>, vector<16xi32>
      %gt3A_499 = arith.cmpf ogt, %max3A_495, %min3A_471 : vector<16xf32>
      %max3A_500 = arith.maximumf %min3A_471, %max3A_495 : vector<16xf32>
      %min3A_501 = arith.minimumf %min3A_471, %max3A_495 : vector<16xf32>
      %select_n3A_502 = arith.select %gt3A_499, %select_n3A_497, %select_n3A_473 : vector<16xi1>, vector<16xi32>
      %select_n3A_503 = arith.select %gt3A_499, %select_n3A_473, %select_n3A_497 : vector<16xi1>, vector<16xi32>
      %gt3A_504 = arith.cmpf ogt, %max3A_500, %min3A_476 : vector<16xf32>
      %max3A_505 = arith.maximumf %min3A_476, %max3A_500 : vector<16xf32>
      %min3A_506 = arith.minimumf %min3A_476, %max3A_500 : vector<16xf32>
      %select_n3A_507 = arith.select %gt3A_504, %select_n3A_502, %select_n3A_478 : vector<16xi1>, vector<16xi32>
      %select_n3A_508 = arith.select %gt3A_504, %select_n3A_478, %select_n3A_502 : vector<16xi1>, vector<16xi32>
      %gt3A_509 = arith.cmpf ogt, %max3A_505, %min3A_481 : vector<16xf32>
      %max3A_510 = arith.maximumf %min3A_481, %max3A_505 : vector<16xf32>
      %min3A_511 = arith.minimumf %min3A_481, %max3A_505 : vector<16xf32>
      %select_n3A_512 = arith.select %gt3A_509, %select_n3A_507, %select_n3A_483 : vector<16xi1>, vector<16xi32>
      %select_n3A_513 = arith.select %gt3A_509, %select_n3A_483, %select_n3A_507 : vector<16xi1>, vector<16xi32>
      %gt3A_514 = arith.cmpf ogt, %max3A_510, %max3A_480 : vector<16xf32>
      %max3A_515 = arith.maximumf %max3A_480, %max3A_510 : vector<16xf32>
      %min3A_516 = arith.minimumf %max3A_480, %max3A_510 : vector<16xf32>
      %select_n3A_517 = arith.select %gt3A_514, %select_n3A_512, %select_n3A_482 : vector<16xi1>, vector<16xi32>
      %select_n3A_518 = arith.select %gt3A_514, %select_n3A_482, %select_n3A_512 : vector<16xi1>, vector<16xi32>
      %get3A_519 = arith.constant 14 : i32
      %get3A_520 = arith.index_cast %get3A_519 : i32 to index
      %get3A_521 = arith.index_cast %mul3A_10 : i32 to index
      %get3A_522 = tpu.vector_load %arg5[%get3A_520, %get3A_521] {strides = array<i32>} : memref<64x1024xf32, #tpu.memory_space<vmem>>, vector<1x16xf32>,
      %get3A_523 = vector.shape_cast %get3A_522 : vector<1x16xf32> to vector<16xf32>
      %gt3A_524 = arith.cmpf ogt, %get3A_523, %min3A_496 : vector<16xf32>
      %max3A_525 = arith.maximumf %min3A_496, %get3A_523 : vector<16xf32>
      %broadcast_in_dim3A_526 = arith.constant 14 : i32
      %broadcast_in_dim3A_527 = vector.broadcast %broadcast_in_dim3A_526 : i32 to vector<16xi32>
      %select_n3A_528 = arith.select %gt3A_524, %broadcast_in_dim3A_527, %select_n3A_498 : vector<16xi1>, vector<16xi32>
      %gt3A_529 = arith.cmpf ogt, %max3A_525, %min3A_501 : vector<16xf32>
      %max3A_530 = arith.maximumf %min3A_501, %max3A_525 : vector<16xf32>
      %min3A_531 = arith.minimumf %min3A_501, %max3A_525 : vector<16xf32>
      %select_n3A_532 = arith.select %gt3A_529, %select_n3A_528, %select_n3A_503 : vector<16xi1>, vector<16xi32>
      %select_n3A_533 = arith.select %gt3A_529, %select_n3A_503, %select_n3A_528 : vector<16xi1>, vector<16xi32>
      %gt3A_534 = arith.cmpf ogt, %max3A_530, %min3A_506 : vector<16xf32>
      %max3A_535 = arith.maximumf %min3A_506, %max3A_530 : vector<16xf32>
      %min3A_536 = arith.minimumf %min3A_506, %max3A_530 : vector<16xf32>
      %select_n3A_537 = arith.select %gt3A_534, %select_n3A_532, %select_n3A_508 : vector<16xi1>, vector<16xi32>
      %select_n3A_538 = arith.select %gt3A_534, %select_n3A_508, %select_n3A_532 : vector<16xi1>, vector<16xi32>
      %gt3A_539 = arith.cmpf ogt, %max3A_535, %min3A_511 : vector<16xf32>
      %max3A_540 = arith.maximumf %min3A_511, %max3A_535 : vector<16xf32>
      %min3A_541 = arith.minimumf %min3A_511, %max3A_535 : vector<16xf32>
      %select_n3A_542 = arith.select %gt3A_539, %select_n3A_537, %select_n3A_513 : vector<16xi1>, vector<16xi32>
      %select_n3A_543 = arith.select %gt3A_539, %select_n3A_513, %select_n3A_537 : vector<16xi1>, vector<16xi32>
      %gt3A_544 = arith.cmpf ogt, %max3A_540, %min3A_516 : vector<16xf32>
      %max3A_545 = arith.maximumf %min3A_516, %max3A_540 : vector<16xf32>
      %min3A_546 = arith.minimumf %min3A_516, %max3A_540 : vector<16xf32>
      %select_n3A_547 = arith.select %gt3A_544, %select_n3A_542, %select_n3A_518 : vector<16xi1>, vector<16xi32>
      %select_n3A_548 = arith.select %gt3A_544, %select_n3A_518, %select_n3A_542 : vector<16xi1>, vector<16xi32>
      %gt3A_549 = arith.cmpf ogt, %max3A_545, %max3A_515 : vector<16xf32>
      %max3A_550 = arith.maximumf %max3A_515, %max3A_545 : vector<16xf32>
      %min3A_551 = arith.minimumf %max3A_515, %max3A_545 : vector<16xf32>
      %select_n3A_552 = arith.select %gt3A_549, %select_n3A_547, %select_n3A_517 : vector<16xi1>, vector<16xi32>
      %select_n3A_553 = arith.select %gt3A_549, %select_n3A_517, %select_n3A_547 : vector<16xi1>, vector<16xi32>
      %get3A_554 = arith.constant 15 : i32
      %get3A_555 = arith.index_cast %get3A_554 : i32 to index
      %get3A_556 = arith.index_cast %mul3A_10 : i32 to index
      %get3A_557 = tpu.vector_load %arg5[%get3A_555, %get3A_556] {strides = array<i32>} : memref<64x1024xf32, #tpu.memory_space<vmem>>, vector<1x16xf32>,
      %get3A_558 = vector.shape_cast %get3A_557 : vector<1x16xf32> to vector<16xf32>
      %gt3A_559 = arith.cmpf ogt, %get3A_558, %min3A_531 : vector<16xf32>
      %max3A_560 = arith.maximumf %min3A_531, %get3A_558 : vector<16xf32>
      %broadcast_in_dim3A_561 = arith.constant 15 : i32
      %broadcast_in_dim3A_562 = vector.broadcast %broadcast_in_dim3A_561 : i32 to vector<16xi32>
      %select_n3A_563 = arith.select %gt3A_559, %broadcast_in_dim3A_562, %select_n3A_533 : vector<16xi1>, vector<16xi32>
      %gt3A_564 = arith.cmpf ogt, %max3A_560, %min3A_536 : vector<16xf32>
      %max3A_565 = arith.maximumf %min3A_536, %max3A_560 : vector<16xf32>
      %min3A_566 = arith.minimumf %min3A_536, %max3A_560 : vector<16xf32>
      %select_n3A_567 = arith.select %gt3A_564, %select_n3A_563, %select_n3A_538 : vector<16xi1>, vector<16xi32>
      %select_n3A_568 = arith.select %gt3A_564, %select_n3A_538, %select_n3A_563 : vector<16xi1>, vector<16xi32>
      %gt3A_569 = arith.cmpf ogt, %max3A_565, %min3A_541 : vector<16xf32>
      %max3A_570 = arith.maximumf %min3A_541, %max3A_565 : vector<16xf32>
      %min3A_571 = arith.minimumf %min3A_541, %max3A_565 : vector<16xf32>
      %select_n3A_572 = arith.select %gt3A_569, %select_n3A_567, %select_n3A_543 : vector<16xi1>, vector<16xi32>
      %select_n3A_573 = arith.select %gt3A_569, %select_n3A_543, %select_n3A_567 : vector<16xi1>, vector<16xi32>
      %gt3A_574 = arith.cmpf ogt, %max3A_570, %min3A_546 : vector<16xf32>
      %max3A_575 = arith.maximumf %min3A_546, %max3A_570 : vector<16xf32>
      %min3A_576 = arith.minimumf %min3A_546, %max3A_570 : vector<16xf32>
      %select_n3A_577 = arith.select %gt3A_574, %select_n3A_572, %select_n3A_548 : vector<16xi1>, vector<16xi32>
      %select_n3A_578 = arith.select %gt3A_574, %select_n3A_548, %select_n3A_572 : vector<16xi1>, vector<16xi32>
      %gt3A_579 = arith.cmpf ogt, %max3A_575, %min3A_551 : vector<16xf32>
      %max3A_580 = arith.maximumf %min3A_551, %max3A_575 : vector<16xf32>
      %min3A_581 = arith.minimumf %min3A_551, %max3A_575 : vector<16xf32>
      %select_n3A_582 = arith.select %gt3A_579, %select_n3A_577, %select_n3A_553 : vector<16xi1>, vector<16xi32>
      %select_n3A_583 = arith.select %gt3A_579, %select_n3A_553, %select_n3A_577 : vector<16xi1>, vector<16xi32>
      %gt3A_584 = arith.cmpf ogt, %max3A_580, %max3A_550 : vector<16xf32>
      %max3A_585 = arith.maximumf %max3A_550, %max3A_580 : vector<16xf32>
      %min3A_586 = arith.minimumf %max3A_550, %max3A_580 : vector<16xf32>
      %select_n3A_587 = arith.select %gt3A_584, %select_n3A_582, %select_n3A_552 : vector<16xi1>, vector<16xi32>
      %select_n3A_588 = arith.select %gt3A_584, %select_n3A_552, %select_n3A_582 : vector<16xi1>, vector<16xi32>
      %get3A_589 = arith.constant 16 : i32
      %get3A_590 = arith.index_cast %get3A_589 : i32 to index
      %get3A_591 = arith.index_cast %mul3A_10 : i32 to index
      %get3A_592 = tpu.vector_load %arg5[%get3A_590, %get3A_591] {strides = array<i32>} : memref<64x1024xf32, #tpu.memory_space<vmem>>, vector<1x16xf32>,
      %get3A_593 = vector.shape_cast %get3A_592 : vector<1x16xf32> to vector<16xf32>
      %gt3A_594 = arith.cmpf ogt, %get3A_593, %min3A_566 : vector<16xf32>
      %max3A_595 = arith.maximumf %min3A_566, %get3A_593 : vector<16xf32>
      %broadcast_in_dim3A_596 = arith.constant 16 : i32
      %broadcast_in_dim3A_597 = vector.broadcast %broadcast_in_dim3A_596 : i32 to vector<16xi32>
      %select_n3A_598 = arith.select %gt3A_594, %broadcast_in_dim3A_597, %select_n3A_568 : vector<16xi1>, vector<16xi32>
      %gt3A_599 = arith.cmpf ogt, %max3A_595, %min3A_571 : vector<16xf32>
      %max3A_600 = arith.maximumf %min3A_571, %max3A_595 : vector<16xf32>
      %min3A_601 = arith.minimumf %min3A_571, %max3A_595 : vector<16xf32>
      %select_n3A_602 = arith.select %gt3A_599, %select_n3A_598, %select_n3A_573 : vector<16xi1>, vector<16xi32>
      %select_n3A_603 = arith.select %gt3A_599, %select_n3A_573, %select_n3A_598 : vector<16xi1>, vector<16xi32>
      %gt3A_604 = arith.cmpf ogt, %max3A_600, %min3A_576 : vector<16xf32>
      %max3A_605 = arith.maximumf %min3A_576, %max3A_600 : vector<16xf32>
      %min3A_606 = arith.minimumf %min3A_576, %max3A_600 : vector<16xf32>
      %select_n3A_607 = arith.select %gt3A_604, %select_n3A_602, %select_n3A_578 : vector<16xi1>, vector<16xi32>
      %select_n3A_608 = arith.select %gt3A_604, %select_n3A_578, %select_n3A_602 : vector<16xi1>, vector<16xi32>
      %gt3A_609 = arith.cmpf ogt, %max3A_605, %min3A_581 : vector<16xf32>
      %max3A_610 = arith.maximumf %min3A_581, %max3A_605 : vector<16xf32>
      %min3A_611 = arith.minimumf %min3A_581, %max3A_605 : vector<16xf32>
      %select_n3A_612 = arith.select %gt3A_609, %select_n3A_607, %select_n3A_583 : vector<16xi1>, vector<16xi32>
      %select_n3A_613 = arith.select %gt3A_609, %select_n3A_583, %select_n3A_607 : vector<16xi1>, vector<16xi32>
      %gt3A_614 = arith.cmpf ogt, %max3A_610, %min3A_586 : vector<16xf32>
      %max3A_615 = arith.maximumf %min3A_586, %max3A_610 : vector<16xf32>
      %min3A_616 = arith.minimumf %min3A_586, %max3A_610 : vector<16xf32>
      %select_n3A_617 = arith.select %gt3A_614, %select_n3A_612, %select_n3A_588 : vector<16xi1>, vector<16xi32>
      %select_n3A_618 = arith.select %gt3A_614, %select_n3A_588, %select_n3A_612 : vector<16xi1>, vector<16xi32>
      %gt3A_619 = arith.cmpf ogt, %max3A_615, %max3A_585 : vector<16xf32>
      %max3A_620 = arith.maximumf %max3A_585, %max3A_615 : vector<16xf32>
      %min3A_621 = arith.minimumf %max3A_585, %max3A_615 : vector<16xf32>
      %select_n3A_622 = arith.select %gt3A_619, %select_n3A_617, %select_n3A_587 : vector<16xi1>, vector<16xi32>
      %select_n3A_623 = arith.select %gt3A_619, %select_n3A_587, %select_n3A_617 : vector<16xi1>, vector<16xi32>
      %get3A_624 = arith.constant 17 : i32
      %get3A_625 = arith.index_cast %get3A_624 : i32 to index
      %get3A_626 = arith.index_cast %mul3A_10 : i32 to index
      %get3A_627 = tpu.vector_load %arg5[%get3A_625, %get3A_626] {strides = array<i32>} : memref<64x1024xf32, #tpu.memory_space<vmem>>, vector<1x16xf32>,
      %get3A_628 = vector.shape_cast %get3A_627 : vector<1x16xf32> to vector<16xf32>
      %gt3A_629 = arith.cmpf ogt, %get3A_628, %min3A_601 : vector<16xf32>
      %max3A_630 = arith.maximumf %min3A_601, %get3A_628 : vector<16xf32>
      %broadcast_in_dim3A_631 = arith.constant 17 : i32
      %broadcast_in_dim3A_632 = vector.broadcast %broadcast_in_dim3A_631 : i32 to vector<16xi32>
      %select_n3A_633 = arith.select %gt3A_629, %broadcast_in_dim3A_632, %select_n3A_603 : vector<16xi1>, vector<16xi32>
      %gt3A_634 = arith.cmpf ogt, %max3A_630, %min3A_606 : vector<16xf32>
      %max3A_635 = arith.maximumf %min3A_606, %max3A_630 : vector<16xf32>
      %min3A_636 = arith.minimumf %min3A_606, %max3A_630 : vector<16xf32>
      %select_n3A_637 = arith.select %gt3A_634, %select_n3A_633, %select_n3A_608 : vector<16xi1>, vector<16xi32>
      %select_n3A_638 = arith.select %gt3A_634, %select_n3A_608, %select_n3A_633 : vector<16xi1>, vector<16xi32>
      %gt3A_639 = arith.cmpf ogt, %max3A_635, %min3A_611 : vector<16xf32>
      %max3A_640 = arith.maximumf %min3A_611, %max3A_635 : vector<16xf32>
      %min3A_641 = arith.minimumf %min3A_611, %max3A_635 : vector<16xf32>
      %select_n3A_642 = arith.select %gt3A_639, %select_n3A_637, %select_n3A_613 : vector<16xi1>, vector<16xi32>
      %select_n3A_643 = arith.select %gt3A_639, %select_n3A_613, %select_n3A_637 : vector<16xi1>, vector<16xi32>
      %gt3A_644 = arith.cmpf ogt, %max3A_640, %min3A_616 : vector<16xf32>
      %max3A_645 = arith.maximumf %min3A_616, %max3A_640 : vector<16xf32>
      %min3A_646 = arith.minimumf %min3A_616, %max3A_640 : vector<16xf32>
      %select_n3A_647 = arith.select %gt3A_644, %select_n3A_642, %select_n3A_618 : vector<16xi1>, vector<16xi32>
      %select_n3A_648 = arith.select %gt3A_644, %select_n3A_618, %select_n3A_642 : vector<16xi1>, vector<16xi32>
      %gt3A_649 = arith.cmpf ogt, %max3A_645, %min3A_621 : vector<16xf32>
      %max3A_650 = arith.maximumf %min3A_621, %max3A_645 : vector<16xf32>
      %min3A_651 = arith.minimumf %min3A_621, %max3A_645 : vector<16xf32>
      %select_n3A_652 = arith.select %gt3A_649, %select_n3A_647, %select_n3A_623 : vector<16xi1>, vector<16xi32>
      %select_n3A_653 = arith.select %gt3A_649, %select_n3A_623, %select_n3A_647 : vector<16xi1>, vector<16xi32>
      %gt3A_654 = arith.cmpf ogt, %max3A_650, %max3A_620 : vector<16xf32>
      %max3A_655 = arith.maximumf %max3A_620, %max3A_650 : vector<16xf32>
      %min3A_656 = arith.minimumf %max3A_620, %max3A_650 : vector<16xf32>
      %select_n3A_657 = arith.select %gt3A_654, %select_n3A_652, %select_n3A_622 : vector<16xi1>, vector<16xi32>
      %select_n3A_658 = arith.select %gt3A_654, %select_n3A_622, %select_n3A_652 : vector<16xi1>, vector<16xi32>
      %get3A_659 = arith.constant 18 : i32
      %get3A_660 = arith.index_cast %get3A_659 : i32 to index
      %get3A_661 = arith.index_cast %mul3A_10 : i32 to index
      %get3A_662 = tpu.vector_load %arg5[%get3A_660, %get3A_661] {strides = array<i32>} : memref<64x1024xf32, #tpu.memory_space<vmem>>, vector<1x16xf32>,
      %get3A_663 = vector.shape_cast %get3A_662 : vector<1x16xf32> to vector<16xf32>
      %gt3A_664 = arith.cmpf ogt, %get3A_663, %min3A_636 : vector<16xf32>
      %max3A_665 = arith.maximumf %min3A_636, %get3A_663 : vector<16xf32>
      %broadcast_in_dim3A_666 = arith.constant 18 : i32
      %broadcast_in_dim3A_667 = vector.broadcast %broadcast_in_dim3A_666 : i32 to vector<16xi32>
      %select_n3A_668 = arith.select %gt3A_664, %broadcast_in_dim3A_667, %select_n3A_638 : vector<16xi1>, vector<16xi32>
      %gt3A_669 = arith.cmpf ogt, %max3A_665, %min3A_641 : vector<16xf32>
      %max3A_670 = arith.maximumf %min3A_641, %max3A_665 : vector<16xf32>
      %min3A_671 = arith.minimumf %min3A_641, %max3A_665 : vector<16xf32>
      %select_n3A_672 = arith.select %gt3A_669, %select_n3A_668, %select_n3A_643 : vector<16xi1>, vector<16xi32>
      %select_n3A_673 = arith.select %gt3A_669, %select_n3A_643, %select_n3A_668 : vector<16xi1>, vector<16xi32>
      %gt3A_674 = arith.cmpf ogt, %max3A_670, %min3A_646 : vector<16xf32>
      %max3A_675 = arith.maximumf %min3A_646, %max3A_670 : vector<16xf32>
      %min3A_676 = arith.minimumf %min3A_646, %max3A_670 : vector<16xf32>
      %select_n3A_677 = arith.select %gt3A_674, %select_n3A_672, %select_n3A_648 : vector<16xi1>, vector<16xi32>
      %select_n3A_678 = arith.select %gt3A_674, %select_n3A_648, %select_n3A_672 : vector<16xi1>, vector<16xi32>
      %gt3A_679 = arith.cmpf ogt, %max3A_675, %min3A_651 : vector<16xf32>
      %max3A_680 = arith.maximumf %min3A_651, %max3A_675 : vector<16xf32>
      %min3A_681 = arith.minimumf %min3A_651, %max3A_675 : vector<16xf32>
      %select_n3A_682 = arith.select %gt3A_679, %select_n3A_677, %select_n3A_653 : vector<16xi1>, vector<16xi32>
      %select_n3A_683 = arith.select %gt3A_679, %select_n3A_653, %select_n3A_677 : vector<16xi1>, vector<16xi32>
      %gt3A_684 = arith.cmpf ogt, %max3A_680, %min3A_656 : vector<16xf32>
      %max3A_685 = arith.maximumf %min3A_656, %max3A_680 : vector<16xf32>
      %min3A_686 = arith.minimumf %min3A_656, %max3A_680 : vector<16xf32>
      %select_n3A_687 = arith.select %gt3A_684, %select_n3A_682, %select_n3A_658 : vector<16xi1>, vector<16xi32>
      %select_n3A_688 = arith.select %gt3A_684, %select_n3A_658, %select_n3A_682 : vector<16xi1>, vector<16xi32>
      %gt3A_689 = arith.cmpf ogt, %max3A_685, %max3A_655 : vector<16xf32>
      %max3A_690 = arith.maximumf %max3A_655, %max3A_685 : vector<16xf32>
      %min3A_691 = arith.minimumf %max3A_655, %max3A_685 : vector<16xf32>
      %select_n3A_692 = arith.select %gt3A_689, %select_n3A_687, %select_n3A_657 : vector<16xi1>, vector<16xi32>
      %select_n3A_693 = arith.select %gt3A_689, %select_n3A_657, %select_n3A_687 : vector<16xi1>, vector<16xi32>
      %get3A_694 = arith.constant 19 : i32
      %get3A_695 = arith.index_cast %get3A_694 : i32 to index
      %get3A_696 = arith.index_cast %mul3A_10 : i32 to index
      %get3A_697 = tpu.vector_load %arg5[%get3A_695, %get3A_696] {strides = array<i32>} : memref<64x1024xf32, #tpu.memory_space<vmem>>, vector<1x16xf32>,
      %get3A_698 = vector.shape_cast %get3A_697 : vector<1x16xf32> to vector<16xf32>
      %gt3A_699 = arith.cmpf ogt, %get3A_698, %min3A_671 : vector<16xf32>
      %max3A_700 = arith.maximumf %min3A_671, %get3A_698 : vector<16xf32>
      %broadcast_in_dim3A_701 = arith.constant 19 : i32
      %broadcast_in_dim3A_702 = vector.broadcast %broadcast_in_dim3A_701 : i32 to vector<16xi32>
      %select_n3A_703 = arith.select %gt3A_699, %broadcast_in_dim3A_702, %select_n3A_673 : vector<16xi1>, vector<16xi32>
      %gt3A_704 = arith.cmpf ogt, %max3A_700, %min3A_676 : vector<16xf32>
      %max3A_705 = arith.maximumf %min3A_676, %max3A_700 : vector<16xf32>
      %min3A_706 = arith.minimumf %min3A_676, %max3A_700 : vector<16xf32>
      %select_n3A_707 = arith.select %gt3A_704, %select_n3A_703, %select_n3A_678 : vector<16xi1>, vector<16xi32>
      %select_n3A_708 = arith.select %gt3A_704, %select_n3A_678, %select_n3A_703 : vector<16xi1>, vector<16xi32>
      %gt3A_709 = arith.cmpf ogt, %max3A_705, %min3A_681 : vector<16xf32>
      %max3A_710 = arith.maximumf %min3A_681, %max3A_705 : vector<16xf32>
      %min3A_711 = arith.minimumf %min3A_681, %max3A_705 : vector<16xf32>
      %select_n3A_712 = arith.select %gt3A_709, %select_n3A_707, %select_n3A_683 : vector<16xi1>, vector<16xi32>
      %select_n3A_713 = arith.select %gt3A_709, %select_n3A_683, %select_n3A_707 : vector<16xi1>, vector<16xi32>
      %gt3A_714 = arith.cmpf ogt, %max3A_710, %min3A_686 : vector<16xf32>
      %max3A_715 = arith.maximumf %min3A_686, %max3A_710 : vector<16xf32>
      %min3A_716 = arith.minimumf %min3A_686, %max3A_710 : vector<16xf32>
      %select_n3A_717 = arith.select %gt3A_714, %select_n3A_712, %select_n3A_688 : vector<16xi1>, vector<16xi32>
      %select_n3A_718 = arith.select %gt3A_714, %select_n3A_688, %select_n3A_712 : vector<16xi1>, vector<16xi32>
      %gt3A_719 = arith.cmpf ogt, %max3A_715, %min3A_691 : vector<16xf32>
      %max3A_720 = arith.maximumf %min3A_691, %max3A_715 : vector<16xf32>
      %min3A_721 = arith.minimumf %min3A_691, %max3A_715 : vector<16xf32>
      %select_n3A_722 = arith.select %gt3A_719, %select_n3A_717, %select_n3A_693 : vector<16xi1>, vector<16xi32>
      %select_n3A_723 = arith.select %gt3A_719, %select_n3A_693, %select_n3A_717 : vector<16xi1>, vector<16xi32>
      %gt3A_724 = arith.cmpf ogt, %max3A_720, %max3A_690 : vector<16xf32>
      %max3A_725 = arith.maximumf %max3A_690, %max3A_720 : vector<16xf32>
      %min3A_726 = arith.minimumf %max3A_690, %max3A_720 : vector<16xf32>
      %select_n3A_727 = arith.select %gt3A_724, %select_n3A_722, %select_n3A_692 : vector<16xi1>, vector<16xi32>
      %select_n3A_728 = arith.select %gt3A_724, %select_n3A_692, %select_n3A_722 : vector<16xi1>, vector<16xi32>
      %get3A_729 = arith.constant 20 : i32
      %get3A_730 = arith.index_cast %get3A_729 : i32 to index
      %get3A_731 = arith.index_cast %mul3A_10 : i32 to index
      %get3A_732 = tpu.vector_load %arg5[%get3A_730, %get3A_731] {strides = array<i32>} : memref<64x1024xf32, #tpu.memory_space<vmem>>, vector<1x16xf32>,
      %get3A_733 = vector.shape_cast %get3A_732 : vector<1x16xf32> to vector<16xf32>
      %gt3A_734 = arith.cmpf ogt, %get3A_733, %min3A_706 : vector<16xf32>
      %max3A_735 = arith.maximumf %min3A_706, %get3A_733 : vector<16xf32>
      %broadcast_in_dim3A_736 = arith.constant 20 : i32
      %broadcast_in_dim3A_737 = vector.broadcast %broadcast_in_dim3A_736 : i32 to vector<16xi32>
      %select_n3A_738 = arith.select %gt3A_734, %broadcast_in_dim3A_737, %select_n3A_708 : vector<16xi1>, vector<16xi32>
      %gt3A_739 = arith.cmpf ogt, %max3A_735, %min3A_711 : vector<16xf32>
      %max3A_740 = arith.maximumf %min3A_711, %max3A_735 : vector<16xf32>
      %min3A_741 = arith.minimumf %min3A_711, %max3A_735 : vector<16xf32>
      %select_n3A_742 = arith.select %gt3A_739, %select_n3A_738, %select_n3A_713 : vector<16xi1>, vector<16xi32>
      %select_n3A_743 = arith.select %gt3A_739, %select_n3A_713, %select_n3A_738 : vector<16xi1>, vector<16xi32>
      %gt3A_744 = arith.cmpf ogt, %max3A_740, %min3A_716 : vector<16xf32>
      %max3A_745 = arith.maximumf %min3A_716, %max3A_740 : vector<16xf32>
      %min3A_746 = arith.minimumf %min3A_716, %max3A_740 : vector<16xf32>
      %select_n3A_747 = arith.select %gt3A_744, %select_n3A_742, %select_n3A_718 : vector<16xi1>, vector<16xi32>
      %select_n3A_748 = arith.select %gt3A_744, %select_n3A_718, %select_n3A_742 : vector<16xi1>, vector<16xi32>
      %gt3A_749 = arith.cmpf ogt, %max3A_745, %min3A_721 : vector<16xf32>
      %max3A_750 = arith.maximumf %min3A_721, %max3A_745 : vector<16xf32>
      %min3A_751 = arith.minimumf %min3A_721, %max3A_745 : vector<16xf32>
      %select_n3A_752 = arith.select %gt3A_749, %select_n3A_747, %select_n3A_723 : vector<16xi1>, vector<16xi32>
      %select_n3A_753 = arith.select %gt3A_749, %select_n3A_723, %select_n3A_747 : vector<16xi1>, vector<16xi32>
      %gt3A_754 = arith.cmpf ogt, %max3A_750, %min3A_726 : vector<16xf32>
      %max3A_755 = arith.maximumf %min3A_726, %max3A_750 : vector<16xf32>
      %min3A_756 = arith.minimumf %min3A_726, %max3A_750 : vector<16xf32>
      %select_n3A_757 = arith.select %gt3A_754, %select_n3A_752, %select_n3A_728 : vector<16xi1>, vector<16xi32>
      %select_n3A_758 = arith.select %gt3A_754, %select_n3A_728, %select_n3A_752 : vector<16xi1>, vector<16xi32>
      %gt3A_759 = arith.cmpf ogt, %max3A_755, %max3A_725 : vector<16xf32>
      %max3A_760 = arith.maximumf %max3A_725, %max3A_755 : vector<16xf32>
      %min3A_761 = arith.minimumf %max3A_725, %max3A_755 : vector<16xf32>
      %select_n3A_762 = arith.select %gt3A_759, %select_n3A_757, %select_n3A_727 : vector<16xi1>, vector<16xi32>
      %select_n3A_763 = arith.select %gt3A_759, %select_n3A_727, %select_n3A_757 : vector<16xi1>, vector<16xi32>
      %get3A_764 = arith.constant 21 : i32
      %get3A_765 = arith.index_cast %get3A_764 : i32 to index
      %get3A_766 = arith.index_cast %mul3A_10 : i32 to index
      %get3A_767 = tpu.vector_load %arg5[%get3A_765, %get3A_766] {strides = array<i32>} : memref<64x1024xf32, #tpu.memory_space<vmem>>, vector<1x16xf32>,
      %get3A_768 = vector.shape_cast %get3A_767 : vector<1x16xf32> to vector<16xf32>
      %gt3A_769 = arith.cmpf ogt, %get3A_768, %min3A_741 : vector<16xf32>
      %max3A_770 = arith.maximumf %min3A_741, %get3A_768 : vector<16xf32>
      %broadcast_in_dim3A_771 = arith.constant 21 : i32
      %broadcast_in_dim3A_772 = vector.broadcast %broadcast_in_dim3A_771 : i32 to vector<16xi32>
      %select_n3A_773 = arith.select %gt3A_769, %broadcast_in_dim3A_772, %select_n3A_743 : vector<16xi1>, vector<16xi32>
      %gt3A_774 = arith.cmpf ogt, %max3A_770, %min3A_746 : vector<16xf32>
      %max3A_775 = arith.maximumf %min3A_746, %max3A_770 : vector<16xf32>
      %min3A_776 = arith.minimumf %min3A_746, %max3A_770 : vector<16xf32>
      %select_n3A_777 = arith.select %gt3A_774, %select_n3A_773, %select_n3A_748 : vector<16xi1>, vector<16xi32>
      %select_n3A_778 = arith.select %gt3A_774, %select_n3A_748, %select_n3A_773 : vector<16xi1>, vector<16xi32>
      %gt3A_779 = arith.cmpf ogt, %max3A_775, %min3A_751 : vector<16xf32>
      %max3A_780 = arith.maximumf %min3A_751, %max3A_775 : vector<16xf32>
      %min3A_781 = arith.minimumf %min3A_751, %max3A_775 : vector<16xf32>
      %select_n3A_782 = arith.select %gt3A_779, %select_n3A_777, %select_n3A_753 : vector<16xi1>, vector<16xi32>
      %select_n3A_783 = arith.select %gt3A_779, %select_n3A_753, %select_n3A_777 : vector<16xi1>, vector<16xi32>
      %gt3A_784 = arith.cmpf ogt, %max3A_780, %min3A_756 : vector<16xf32>
      %max3A_785 = arith.maximumf %min3A_756, %max3A_780 : vector<16xf32>
      %min3A_786 = arith.minimumf %min3A_756, %max3A_780 : vector<16xf32>
      %select_n3A_787 = arith.select %gt3A_784, %select_n3A_782, %select_n3A_758 : vector<16xi1>, vector<16xi32>
      %select_n3A_788 = arith.select %gt3A_784, %select_n3A_758, %select_n3A_782 : vector<16xi1>, vector<16xi32>
      %gt3A_789 = arith.cmpf ogt, %max3A_785, %min3A_761 : vector<16xf32>
      %max3A_790 = arith.maximumf %min3A_761, %max3A_785 : vector<16xf32>
      %min3A_791 = arith.minimumf %min3A_761, %max3A_785 : vector<16xf32>
      %select_n3A_792 = arith.select %gt3A_789, %select_n3A_787, %select_n3A_763 : vector<16xi1>, vector<16xi32>
      %select_n3A_793 = arith.select %gt3A_789, %select_n3A_763, %select_n3A_787 : vector<16xi1>, vector<16xi32>
      %gt3A_794 = arith.cmpf ogt, %max3A_790, %max3A_760 : vector<16xf32>
      %max3A_795 = arith.maximumf %max3A_760, %max3A_790 : vector<16xf32>
      %min3A_796 = arith.minimumf %max3A_760, %max3A_790 : vector<16xf32>
      %select_n3A_797 = arith.select %gt3A_794, %select_n3A_792, %select_n3A_762 : vector<16xi1>, vector<16xi32>
      %select_n3A_798 = arith.select %gt3A_794, %select_n3A_762, %select_n3A_792 : vector<16xi1>, vector<16xi32>
      %get3A_799 = arith.constant 22 : i32
      %get3A_800 = arith.index_cast %get3A_799 : i32 to index
      %get3A_801 = arith.index_cast %mul3A_10 : i32 to index
      %get3A_802 = tpu.vector_load %arg5[%get3A_800, %get3A_801] {strides = array<i32>} : memref<64x1024xf32, #tpu.memory_space<vmem>>, vector<1x16xf32>,
      %get3A_803 = vector.shape_cast %get3A_802 : vector<1x16xf32> to vector<16xf32>
      %gt3A_804 = arith.cmpf ogt, %get3A_803, %min3A_776 : vector<16xf32>
      %max3A_805 = arith.maximumf %min3A_776, %get3A_803 : vector<16xf32>
      %broadcast_in_dim3A_806 = arith.constant 22 : i32
      %broadcast_in_dim3A_807 = vector.broadcast %broadcast_in_dim3A_806 : i32 to vector<16xi32>
      %select_n3A_808 = arith.select %gt3A_804, %broadcast_in_dim3A_807, %select_n3A_778 : vector<16xi1>, vector<16xi32>
      %gt3A_809 = arith.cmpf ogt, %max3A_805, %min3A_781 : vector<16xf32>
      %max3A_810 = arith.maximumf %min3A_781, %max3A_805 : vector<16xf32>
      %min3A_811 = arith.minimumf %min3A_781, %max3A_805 : vector<16xf32>
      %select_n3A_812 = arith.select %gt3A_809, %select_n3A_808, %select_n3A_783 : vector<16xi1>, vector<16xi32>
      %select_n3A_813 = arith.select %gt3A_809, %select_n3A_783, %select_n3A_808 : vector<16xi1>, vector<16xi32>
      %gt3A_814 = arith.cmpf ogt, %max3A_810, %min3A_786 : vector<16xf32>
      %max3A_815 = arith.maximumf %min3A_786, %max3A_810 : vector<16xf32>
      %min3A_816 = arith.minimumf %min3A_786, %max3A_810 : vector<16xf32>
      %select_n3A_817 = arith.select %gt3A_814, %select_n3A_812, %select_n3A_788 : vector<16xi1>, vector<16xi32>
      %select_n3A_818 = arith.select %gt3A_814, %select_n3A_788, %select_n3A_812 : vector<16xi1>, vector<16xi32>
      %gt3A_819 = arith.cmpf ogt, %max3A_815, %min3A_791 : vector<16xf32>
      %max3A_820 = arith.maximumf %min3A_791, %max3A_815 : vector<16xf32>
      %min3A_821 = arith.minimumf %min3A_791, %max3A_815 : vector<16xf32>
      %select_n3A_822 = arith.select %gt3A_819, %select_n3A_817, %select_n3A_793 : vector<16xi1>, vector<16xi32>
      %select_n3A_823 = arith.select %gt3A_819, %select_n3A_793, %select_n3A_817 : vector<16xi1>, vector<16xi32>
      %gt3A_824 = arith.cmpf ogt, %max3A_820, %min3A_796 : vector<16xf32>
      %max3A_825 = arith.maximumf %min3A_796, %max3A_820 : vector<16xf32>
      %min3A_826 = arith.minimumf %min3A_796, %max3A_820 : vector<16xf32>
      %select_n3A_827 = arith.select %gt3A_824, %select_n3A_822, %select_n3A_798 : vector<16xi1>, vector<16xi32>
      %select_n3A_828 = arith.select %gt3A_824, %select_n3A_798, %select_n3A_822 : vector<16xi1>, vector<16xi32>
      %gt3A_829 = arith.cmpf ogt, %max3A_825, %max3A_795 : vector<16xf32>
      %max3A_830 = arith.maximumf %max3A_795, %max3A_825 : vector<16xf32>
      %min3A_831 = arith.minimumf %max3A_795, %max3A_825 : vector<16xf32>
      %select_n3A_832 = arith.select %gt3A_829, %select_n3A_827, %select_n3A_797 : vector<16xi1>, vector<16xi32>
      %select_n3A_833 = arith.select %gt3A_829, %select_n3A_797, %select_n3A_827 : vector<16xi1>, vector<16xi32>
      %get3A_834 = arith.constant 23 : i32
      %get3A_835 = arith.index_cast %get3A_834 : i32 to index
      %get3A_836 = arith.index_cast %mul3A_10 : i32 to index
      %get3A_837 = tpu.vector_load %arg5[%get3A_835, %get3A_836] {strides = array<i32>} : memref<64x1024xf32, #tpu.memory_space<vmem>>, vector<1x16xf32>,
      %get3A_838 = vector.shape_cast %get3A_837 : vector<1x16xf32> to vector<16xf32>
      %gt3A_839 = arith.cmpf ogt, %get3A_838, %min3A_811 : vector<16xf32>
      %max3A_840 = arith.maximumf %min3A_811, %get3A_838 : vector<16xf32>
      %broadcast_in_dim3A_841 = arith.constant 23 : i32
      %broadcast_in_dim3A_842 = vector.broadcast %broadcast_in_dim3A_841 : i32 to vector<16xi32>
      %select_n3A_843 = arith.select %gt3A_839, %broadcast_in_dim3A_842, %select_n3A_813 : vector<16xi1>, vector<16xi32>
      %gt3A_844 = arith.cmpf ogt, %max3A_840, %min3A_816 : vector<16xf32>
      %max3A_845 = arith.maximumf %min3A_816, %max3A_840 : vector<16xf32>
      %min3A_846 = arith.minimumf %min3A_816, %max3A_840 : vector<16xf32>
      %select_n3A_847 = arith.select %gt3A_844, %select_n3A_843, %select_n3A_818 : vector<16xi1>, vector<16xi32>
      %select_n3A_848 = arith.select %gt3A_844, %select_n3A_818, %select_n3A_843 : vector<16xi1>, vector<16xi32>
      %gt3A_849 = arith.cmpf ogt, %max3A_845, %min3A_821 : vector<16xf32>
      %max3A_850 = arith.maximumf %min3A_821, %max3A_845 : vector<16xf32>
      %min3A_851 = arith.minimumf %min3A_821, %max3A_845 : vector<16xf32>
      %select_n3A_852 = arith.select %gt3A_849, %select_n3A_847, %select_n3A_823 : vector<16xi1>, vector<16xi32>
      %select_n3A_853 = arith.select %gt3A_849, %select_n3A_823, %select_n3A_847 : vector<16xi1>, vector<16xi32>
      %gt3A_854 = arith.cmpf ogt, %max3A_850, %min3A_826 : vector<16xf32>
      %max3A_855 = arith.maximumf %min3A_826, %max3A_850 : vector<16xf32>
      %min3A_856 = arith.minimumf %min3A_826, %max3A_850 : vector<16xf32>
      %select_n3A_857 = arith.select %gt3A_854, %select_n3A_852, %select_n3A_828 : vector<16xi1>, vector<16xi32>
      %select_n3A_858 = arith.select %gt3A_854, %select_n3A_828, %select_n3A_852 : vector<16xi1>, vector<16xi32>
      %gt3A_859 = arith.cmpf ogt, %max3A_855, %min3A_831 : vector<16xf32>
      %max3A_860 = arith.maximumf %min3A_831, %max3A_855 : vector<16xf32>
      %min3A_861 = arith.minimumf %min3A_831, %max3A_855 : vector<16xf32>
      %select_n3A_862 = arith.select %gt3A_859, %select_n3A_857, %select_n3A_833 : vector<16xi1>, vector<16xi32>
      %select_n3A_863 = arith.select %gt3A_859, %select_n3A_833, %select_n3A_857 : vector<16xi1>, vector<16xi32>
      %gt3A_864 = arith.cmpf ogt, %max3A_860, %max3A_830 : vector<16xf32>
      %max3A_865 = arith.maximumf %max3A_830, %max3A_860 : vector<16xf32>
      %min3A_866 = arith.minimumf %max3A_830, %max3A_860 : vector<16xf32>
      %select_n3A_867 = arith.select %gt3A_864, %select_n3A_862, %select_n3A_832 : vector<16xi1>, vector<16xi32>
      %select_n3A_868 = arith.select %gt3A_864, %select_n3A_832, %select_n3A_862 : vector<16xi1>, vector<16xi32>
      %get3A_869 = arith.constant 24 : i32
      %get3A_870 = arith.index_cast %get3A_869 : i32 to index
      %get3A_871 = arith.index_cast %mul3A_10 : i32 to index
      %get3A_872 = tpu.vector_load %arg5[%get3A_870, %get3A_871] {strides = array<i32>} : memref<64x1024xf32, #tpu.memory_space<vmem>>, vector<1x16xf32>,
      %get3A_873 = vector.shape_cast %get3A_872 : vector<1x16xf32> to vector<16xf32>
      %gt3A_874 = arith.cmpf ogt, %get3A_873, %min3A_846 : vector<16xf32>
      %max3A_875 = arith.maximumf %min3A_846, %get3A_873 : vector<16xf32>
      %broadcast_in_dim3A_876 = arith.constant 24 : i32
      %broadcast_in_dim3A_877 = vector.broadcast %broadcast_in_dim3A_876 : i32 to vector<16xi32>
      %select_n3A_878 = arith.select %gt3A_874, %broadcast_in_dim3A_877, %select_n3A_848 : vector<16xi1>, vector<16xi32>
      %gt3A_879 = arith.cmpf ogt, %max3A_875, %min3A_851 : vector<16xf32>
      %max3A_880 = arith.maximumf %min3A_851, %max3A_875 : vector<16xf32>
      %min3A_881 = arith.minimumf %min3A_851, %max3A_875 : vector<16xf32>
      %select_n3A_882 = arith.select %gt3A_879, %select_n3A_878, %select_n3A_853 : vector<16xi1>, vector<16xi32>
      %select_n3A_883 = arith.select %gt3A_879, %select_n3A_853, %select_n3A_878 : vector<16xi1>, vector<16xi32>
      %gt3A_884 = arith.cmpf ogt, %max3A_880, %min3A_856 : vector<16xf32>
      %max3A_885 = arith.maximumf %min3A_856, %max3A_880 : vector<16xf32>
      %min3A_886 = arith.minimumf %min3A_856, %max3A_880 : vector<16xf32>
      %select_n3A_887 = arith.select %gt3A_884, %select_n3A_882, %select_n3A_858 : vector<16xi1>, vector<16xi32>
      %select_n3A_888 = arith.select %gt3A_884, %select_n3A_858, %select_n3A_882 : vector<16xi1>, vector<16xi32>
      %gt3A_889 = arith.cmpf ogt, %max3A_885, %min3A_861 : vector<16xf32>
      %max3A_890 = arith.maximumf %min3A_861, %max3A_885 : vector<16xf32>
      %min3A_891 = arith.minimumf %min3A_861, %max3A_885 : vector<16xf32>
      %select_n3A_892 = arith.select %gt3A_889, %select_n3A_887, %select_n3A_863 : vector<16xi1>, vector<16xi32>
      %select_n3A_893 = arith.select %gt3A_889, %select_n3A_863, %select_n3A_887 : vector<16xi1>, vector<16xi32>
      %gt3A_894 = arith.cmpf ogt, %max3A_890, %min3A_866 : vector<16xf32>
      %max3A_895 = arith.maximumf %min3A_866, %max3A_890 : vector<16xf32>
      %min3A_896 = arith.minimumf %min3A_866, %max3A_890 : vector<16xf32>
      %select_n3A_897 = arith.select %gt3A_894, %select_n3A_892, %select_n3A_868 : vector<16xi1>, vector<16xi32>
      %select_n3A_898 = arith.select %gt3A_894, %select_n3A_868, %select_n3A_892 : vector<16xi1>, vector<16xi32>
      %gt3A_899 = arith.cmpf ogt, %max3A_895, %max3A_865 : vector<16xf32>
      %max3A_900 = arith.maximumf %max3A_865, %max3A_895 : vector<16xf32>
      %min3A_901 = arith.minimumf %max3A_865, %max3A_895 : vector<16xf32>
      %select_n3A_902 = arith.select %gt3A_899, %select_n3A_897, %select_n3A_867 : vector<16xi1>, vector<16xi32>
      %select_n3A_903 = arith.select %gt3A_899, %select_n3A_867, %select_n3A_897 : vector<16xi1>, vector<16xi32>
      %get3A_904 = arith.constant 25 : i32
      %get3A_905 = arith.index_cast %get3A_904 : i32 to index
      %get3A_906 = arith.index_cast %mul3A_10 : i32 to index
      %get3A_907 = tpu.vector_load %arg5[%get3A_905, %get3A_906] {strides = array<i32>} : memref<64x1024xf32, #tpu.memory_space<vmem>>, vector<1x16xf32>,
      %get3A_908 = vector.shape_cast %get3A_907 : vector<1x16xf32> to vector<16xf32>
      %gt3A_909 = arith.cmpf ogt, %get3A_908, %min3A_881 : vector<16xf32>
      %max3A_910 = arith.maximumf %min3A_881, %get3A_908 : vector<16xf32>
      %broadcast_in_dim3A_911 = arith.constant 25 : i32
      %broadcast_in_dim3A_912 = vector.broadcast %broadcast_in_dim3A_911 : i32 to vector<16xi32>
      %select_n3A_913 = arith.select %gt3A_909, %broadcast_in_dim3A_912, %select_n3A_883 : vector<16xi1>, vector<16xi32>
      %gt3A_914 = arith.cmpf ogt, %max3A_910, %min3A_886 : vector<16xf32>
      %max3A_915 = arith.maximumf %min3A_886, %max3A_910 : vector<16xf32>
      %min3A_916 = arith.minimumf %min3A_886, %max3A_910 : vector<16xf32>
      %select_n3A_917 = arith.select %gt3A_914, %select_n3A_913, %select_n3A_888 : vector<16xi1>, vector<16xi32>
      %select_n3A_918 = arith.select %gt3A_914, %select_n3A_888, %select_n3A_913 : vector<16xi1>, vector<16xi32>
      %gt3A_919 = arith.cmpf ogt, %max3A_915, %min3A_891 : vector<16xf32>
      %max3A_920 = arith.maximumf %min3A_891, %max3A_915 : vector<16xf32>
      %min3A_921 = arith.minimumf %min3A_891, %max3A_915 : vector<16xf32>
      %select_n3A_922 = arith.select %gt3A_919, %select_n3A_917, %select_n3A_893 : vector<16xi1>, vector<16xi32>
      %select_n3A_923 = arith.select %gt3A_919, %select_n3A_893, %select_n3A_917 : vector<16xi1>, vector<16xi32>
      %gt3A_924 = arith.cmpf ogt, %max3A_920, %min3A_896 : vector<16xf32>
      %max3A_925 = arith.maximumf %min3A_896, %max3A_920 : vector<16xf32>
      %min3A_926 = arith.minimumf %min3A_896, %max3A_920 : vector<16xf32>
      %select_n3A_927 = arith.select %gt3A_924, %select_n3A_922, %select_n3A_898 : vector<16xi1>, vector<16xi32>
      %select_n3A_928 = arith.select %gt3A_924, %select_n3A_898, %select_n3A_922 : vector<16xi1>, vector<16xi32>
      %gt3A_929 = arith.cmpf ogt, %max3A_925, %min3A_901 : vector<16xf32>
      %max3A_930 = arith.maximumf %min3A_901, %max3A_925 : vector<16xf32>
      %min3A_931 = arith.minimumf %min3A_901, %max3A_925 : vector<16xf32>
      %select_n3A_932 = arith.select %gt3A_929, %select_n3A_927, %select_n3A_903 : vector<16xi1>, vector<16xi32>
      %select_n3A_933 = arith.select %gt3A_929, %select_n3A_903, %select_n3A_927 : vector<16xi1>, vector<16xi32>
      %gt3A_934 = arith.cmpf ogt, %max3A_930, %max3A_900 : vector<16xf32>
      %max3A_935 = arith.maximumf %max3A_900, %max3A_930 : vector<16xf32>
      %min3A_936 = arith.minimumf %max3A_900, %max3A_930 : vector<16xf32>
      %select_n3A_937 = arith.select %gt3A_934, %select_n3A_932, %select_n3A_902 : vector<16xi1>, vector<16xi32>
      %select_n3A_938 = arith.select %gt3A_934, %select_n3A_902, %select_n3A_932 : vector<16xi1>, vector<16xi32>
      %get3A_939 = arith.constant 26 : i32
      %get3A_940 = arith.index_cast %get3A_939 : i32 to index
      %get3A_941 = arith.index_cast %mul3A_10 : i32 to index
      %get3A_942 = tpu.vector_load %arg5[%get3A_940, %get3A_941] {strides = array<i32>} : memref<64x1024xf32, #tpu.memory_space<vmem>>, vector<1x16xf32>,
      %get3A_943 = vector.shape_cast %get3A_942 : vector<1x16xf32> to vector<16xf32>
      %gt3A_944 = arith.cmpf ogt, %get3A_943, %min3A_916 : vector<16xf32>
      %max3A_945 = arith.maximumf %min3A_916, %get3A_943 : vector<16xf32>
      %broadcast_in_dim3A_946 = arith.constant 26 : i32
      %broadcast_in_dim3A_947 = vector.broadcast %broadcast_in_dim3A_946 : i32 to vector<16xi32>
      %select_n3A_948 = arith.select %gt3A_944, %broadcast_in_dim3A_947, %select_n3A_918 : vector<16xi1>, vector<16xi32>
      %gt3A_949 = arith.cmpf ogt, %max3A_945, %min3A_921 : vector<16xf32>
      %max3A_950 = arith.maximumf %min3A_921, %max3A_945 : vector<16xf32>
      %min3A_951 = arith.minimumf %min3A_921, %max3A_945 : vector<16xf32>
      %select_n3A_952 = arith.select %gt3A_949, %select_n3A_948, %select_n3A_923 : vector<16xi1>, vector<16xi32>
      %select_n3A_953 = arith.select %gt3A_949, %select_n3A_923, %select_n3A_948 : vector<16xi1>, vector<16xi32>
      %gt3A_954 = arith.cmpf ogt, %max3A_950, %min3A_926 : vector<16xf32>
      %max3A_955 = arith.maximumf %min3A_926, %max3A_950 : vector<16xf32>
      %min3A_956 = arith.minimumf %min3A_926, %max3A_950 : vector<16xf32>
      %select_n3A_957 = arith.select %gt3A_954, %select_n3A_952, %select_n3A_928 : vector<16xi1>, vector<16xi32>
      %select_n3A_958 = arith.select %gt3A_954, %select_n3A_928, %select_n3A_952 : vector<16xi1>, vector<16xi32>
      %gt3A_959 = arith.cmpf ogt, %max3A_955, %min3A_931 : vector<16xf32>
      %max3A_960 = arith.maximumf %min3A_931, %max3A_955 : vector<16xf32>
      %min3A_961 = arith.minimumf %min3A_931, %max3A_955 : vector<16xf32>
      %select_n3A_962 = arith.select %gt3A_959, %select_n3A_957, %select_n3A_933 : vector<16xi1>, vector<16xi32>
      %select_n3A_963 = arith.select %gt3A_959, %select_n3A_933, %select_n3A_957 : vector<16xi1>, vector<16xi32>
      %gt3A_964 = arith.cmpf ogt, %max3A_960, %min3A_936 : vector<16xf32>
      %max3A_965 = arith.maximumf %min3A_936, %max3A_960 : vector<16xf32>
      %min3A_966 = arith.minimumf %min3A_936, %max3A_960 : vector<16xf32>
      %select_n3A_967 = arith.select %gt3A_964, %select_n3A_962, %select_n3A_938 : vector<16xi1>, vector<16xi32>
      %select_n3A_968 = arith.select %gt3A_964, %select_n3A_938, %select_n3A_962 : vector<16xi1>, vector<16xi32>
      %gt3A_969 = arith.cmpf ogt, %max3A_965, %max3A_935 : vector<16xf32>
      %max3A_970 = arith.maximumf %max3A_935, %max3A_965 : vector<16xf32>
      %min3A_971 = arith.minimumf %max3A_935, %max3A_965 : vector<16xf32>
      %select_n3A_972 = arith.select %gt3A_969, %select_n3A_967, %select_n3A_937 : vector<16xi1>, vector<16xi32>
      %select_n3A_973 = arith.select %gt3A_969, %select_n3A_937, %select_n3A_967 : vector<16xi1>, vector<16xi32>
      %get3A_974 = arith.constant 27 : i32
      %get3A_975 = arith.index_cast %get3A_974 : i32 to index
      %get3A_976 = arith.index_cast %mul3A_10 : i32 to index
      %get3A_977 = tpu.vector_load %arg5[%get3A_975, %get3A_976] {strides = array<i32>} : memref<64x1024xf32, #tpu.memory_space<vmem>>, vector<1x16xf32>,
      %get3A_978 = vector.shape_cast %get3A_977 : vector<1x16xf32> to vector<16xf32>
      %gt3A_979 = arith.cmpf ogt, %get3A_978, %min3A_951 : vector<16xf32>
      %max3A_980 = arith.maximumf %min3A_951, %get3A_978 : vector<16xf32>
      %broadcast_in_dim3A_981 = arith.constant 27 : i32
      %broadcast_in_dim3A_982 = vector.broadcast %broadcast_in_dim3A_981 : i32 to vector<16xi32>
      %select_n3A_983 = arith.select %gt3A_979, %broadcast_in_dim3A_982, %select_n3A_953 : vector<16xi1>, vector<16xi32>
      %gt3A_984 = arith.cmpf ogt, %max3A_980, %min3A_956 : vector<16xf32>
      %max3A_985 = arith.maximumf %min3A_956, %max3A_980 : vector<16xf32>
      %min3A_986 = arith.minimumf %min3A_956, %max3A_980 : vector<16xf32>
      %select_n3A_987 = arith.select %gt3A_984, %select_n3A_983, %select_n3A_958 : vector<16xi1>, vector<16xi32>
      %select_n3A_988 = arith.select %gt3A_984, %select_n3A_958, %select_n3A_983 : vector<16xi1>, vector<16xi32>
      %gt3A_989 = arith.cmpf ogt, %max3A_985, %min3A_961 : vector<16xf32>
      %max3A_990 = arith.maximumf %min3A_961, %max3A_985 : vector<16xf32>
      %min3A_991 = arith.minimumf %min3A_961, %max3A_985 : vector<16xf32>
      %select_n3A_992 = arith.select %gt3A_989, %select_n3A_987, %select_n3A_963 : vector<16xi1>, vector<16xi32>
      %select_n3A_993 = arith.select %gt3A_989, %select_n3A_963, %select_n3A_987 : vector<16xi1>, vector<16xi32>
      %gt3A_994 = arith.cmpf ogt, %max3A_990, %min3A_966 : vector<16xf32>
      %max3A_995 = arith.maximumf %min3A_966, %max3A_990 : vector<16xf32>
      %min3A_996 = arith.minimumf %min3A_966, %max3A_990 : vector<16xf32>
      %select_n3A_997 = arith.select %gt3A_994, %select_n3A_992, %select_n3A_968 : vector<16xi1>, vector<16xi32>
      %select_n3A_998 = arith.select %gt3A_994, %select_n3A_968, %select_n3A_992 : vector<16xi1>, vector<16xi32>
      %gt3A_999 = arith.cmpf ogt, %max3A_995, %min3A_971 : vector<16xf32>
      %max3A_1000 = arith.maximumf %min3A_971, %max3A_995 : vector<16xf32>
      %min3A_1001 = arith.minimumf %min3A_971, %max3A_995 : vector<16xf32>
      %select_n3A_1002 = arith.select %gt3A_999, %select_n3A_997, %select_n3A_973 : vector<16xi1>, vector<16xi32>
      %select_n3A_1003 = arith.select %gt3A_999, %select_n3A_973, %select_n3A_997 : vector<16xi1>, vector<16xi32>
      %gt3A_1004 = arith.cmpf ogt, %max3A_1000, %max3A_970 : vector<16xf32>
      %max3A_1005 = arith.maximumf %max3A_970, %max3A_1000 : vector<16xf32>
      %min3A_1006 = arith.minimumf %max3A_970, %max3A_1000 : vector<16xf32>
      %select_n3A_1007 = arith.select %gt3A_1004, %select_n3A_1002, %select_n3A_972 : vector<16xi1>, vector<16xi32>
      %select_n3A_1008 = arith.select %gt3A_1004, %select_n3A_972, %select_n3A_1002 : vector<16xi1>, vector<16xi32>
      %get3A_1009 = arith.constant 28 : i32
      %get3A_1010 = arith.index_cast %get3A_1009 : i32 to index
      %get3A_1011 = arith.index_cast %mul3A_10 : i32 to index
      %get3A_1012 = tpu.vector_load %arg5[%get3A_1010, %get3A_1011] {strides = array<i32>} : memref<64x1024xf32, #tpu.memory_space<vmem>>, vector<1x16xf32>,
      %get3A_1013 = vector.shape_cast %get3A_1012 : vector<1x16xf32> to vector<16xf32>
      %gt3A_1014 = arith.cmpf ogt, %get3A_1013, %min3A_986 : vector<16xf32>
      %max3A_1015 = arith.maximumf %min3A_986, %get3A_1013 : vector<16xf32>
      %broadcast_in_dim3A_1016 = arith.constant 28 : i32
      %broadcast_in_dim3A_1017 = vector.broadcast %broadcast_in_dim3A_1016 : i32 to vector<16xi32>
      %select_n3A_1018 = arith.select %gt3A_1014, %broadcast_in_dim3A_1017, %select_n3A_988 : vector<16xi1>, vector<16xi32>
      %gt3A_1019 = arith.cmpf ogt, %max3A_1015, %min3A_991 : vector<16xf32>
      %max3A_1020 = arith.maximumf %min3A_991, %max3A_1015 : vector<16xf32>
      %min3A_1021 = arith.minimumf %min3A_991, %max3A_1015 : vector<16xf32>
      %select_n3A_1022 = arith.select %gt3A_1019, %select_n3A_1018, %select_n3A_993 : vector<16xi1>, vector<16xi32>
      %select_n3A_1023 = arith.select %gt3A_1019, %select_n3A_993, %select_n3A_1018 : vector<16xi1>, vector<16xi32>
      %gt3A_1024 = arith.cmpf ogt, %max3A_1020, %min3A_996 : vector<16xf32>
      %max3A_1025 = arith.maximumf %min3A_996, %max3A_1020 : vector<16xf32>
      %min3A_1026 = arith.minimumf %min3A_996, %max3A_1020 : vector<16xf32>
      %select_n3A_1027 = arith.select %gt3A_1024, %select_n3A_1022, %select_n3A_998 : vector<16xi1>, vector<16xi32>
      %select_n3A_1028 = arith.select %gt3A_1024, %select_n3A_998, %select_n3A_1022 : vector<16xi1>, vector<16xi32>
      %gt3A_1029 = arith.cmpf ogt, %max3A_1025, %min3A_1001 : vector<16xf32>
      %max3A_1030 = arith.maximumf %min3A_1001, %max3A_1025 : vector<16xf32>
      %min3A_1031 = arith.minimumf %min3A_1001, %max3A_1025 : vector<16xf32>
      %select_n3A_1032 = arith.select %gt3A_1029, %select_n3A_1027, %select_n3A_1003 : vector<16xi1>, vector<16xi32>
      %select_n3A_1033 = arith.select %gt3A_1029, %select_n3A_1003, %select_n3A_1027 : vector<16xi1>, vector<16xi32>
      %gt3A_1034 = arith.cmpf ogt, %max3A_1030, %min3A_1006 : vector<16xf32>
      %max3A_1035 = arith.maximumf %min3A_1006, %max3A_1030 : vector<16xf32>
      %min3A_1036 = arith.minimumf %min3A_1006, %max3A_1030 : vector<16xf32>
      %select_n3A_1037 = arith.select %gt3A_1034, %select_n3A_1032, %select_n3A_1008 : vector<16xi1>, vector<16xi32>
      %select_n3A_1038 = arith.select %gt3A_1034, %select_n3A_1008, %select_n3A_1032 : vector<16xi1>, vector<16xi32>
      %gt3A_1039 = arith.cmpf ogt, %max3A_1035, %max3A_1005 : vector<16xf32>
      %max3A_1040 = arith.maximumf %max3A_1005, %max3A_1035 : vector<16xf32>
      %min3A_1041 = arith.minimumf %max3A_1005, %max3A_1035 : vector<16xf32>
      %select_n3A_1042 = arith.select %gt3A_1039, %select_n3A_1037, %select_n3A_1007 : vector<16xi1>, vector<16xi32>
      %select_n3A_1043 = arith.select %gt3A_1039, %select_n3A_1007, %select_n3A_1037 : vector<16xi1>, vector<16xi32>
      %get3A_1044 = arith.constant 29 : i32
      %get3A_1045 = arith.index_cast %get3A_1044 : i32 to index
      %get3A_1046 = arith.index_cast %mul3A_10 : i32 to index
      %get3A_1047 = tpu.vector_load %arg5[%get3A_1045, %get3A_1046] {strides = array<i32>} : memref<64x1024xf32, #tpu.memory_space<vmem>>, vector<1x16xf32>,
      %get3A_1048 = vector.shape_cast %get3A_1047 : vector<1x16xf32> to vector<16xf32>
      %gt3A_1049 = arith.cmpf ogt, %get3A_1048, %min3A_1021 : vector<16xf32>
      %max3A_1050 = arith.maximumf %min3A_1021, %get3A_1048 : vector<16xf32>
      %broadcast_in_dim3A_1051 = arith.constant 29 : i32
      %broadcast_in_dim3A_1052 = vector.broadcast %broadcast_in_dim3A_1051 : i32 to vector<16xi32>
      %select_n3A_1053 = arith.select %gt3A_1049, %broadcast_in_dim3A_1052, %select_n3A_1023 : vector<16xi1>, vector<16xi32>
      %gt3A_1054 = arith.cmpf ogt, %max3A_1050, %min3A_1026 : vector<16xf32>
      %max3A_1055 = arith.maximumf %min3A_1026, %max3A_1050 : vector<16xf32>
      %min3A_1056 = arith.minimumf %min3A_1026, %max3A_1050 : vector<16xf32>
      %select_n3A_1057 = arith.select %gt3A_1054, %select_n3A_1053, %select_n3A_1028 : vector<16xi1>, vector<16xi32>
      %select_n3A_1058 = arith.select %gt3A_1054, %select_n3A_1028, %select_n3A_1053 : vector<16xi1>, vector<16xi32>
      %gt3A_1059 = arith.cmpf ogt, %max3A_1055, %min3A_1031 : vector<16xf32>
      %max3A_1060 = arith.maximumf %min3A_1031, %max3A_1055 : vector<16xf32>
      %min3A_1061 = arith.minimumf %min3A_1031, %max3A_1055 : vector<16xf32>
      %select_n3A_1062 = arith.select %gt3A_1059, %select_n3A_1057, %select_n3A_1033 : vector<16xi1>, vector<16xi32>
      %select_n3A_1063 = arith.select %gt3A_1059, %select_n3A_1033, %select_n3A_1057 : vector<16xi1>, vector<16xi32>
      %gt3A_1064 = arith.cmpf ogt, %max3A_1060, %min3A_1036 : vector<16xf32>
      %max3A_1065 = arith.maximumf %min3A_1036, %max3A_1060 : vector<16xf32>
      %min3A_1066 = arith.minimumf %min3A_1036, %max3A_1060 : vector<16xf32>
      %select_n3A_1067 = arith.select %gt3A_1064, %select_n3A_1062, %select_n3A_1038 : vector<16xi1>, vector<16xi32>
      %select_n3A_1068 = arith.select %gt3A_1064, %select_n3A_1038, %select_n3A_1062 : vector<16xi1>, vector<16xi32>
      %gt3A_1069 = arith.cmpf ogt, %max3A_1065, %min3A_1041 : vector<16xf32>
      %max3A_1070 = arith.maximumf %min3A_1041, %max3A_1065 : vector<16xf32>
      %min3A_1071 = arith.minimumf %min3A_1041, %max3A_1065 : vector<16xf32>
      %select_n3A_1072 = arith.select %gt3A_1069, %select_n3A_1067, %select_n3A_1043 : vector<16xi1>, vector<16xi32>
      %select_n3A_1073 = arith.select %gt3A_1069, %select_n3A_1043, %select_n3A_1067 : vector<16xi1>, vector<16xi32>
      %gt3A_1074 = arith.cmpf ogt, %max3A_1070, %max3A_1040 : vector<16xf32>
      %max3A_1075 = arith.maximumf %max3A_1040, %max3A_1070 : vector<16xf32>
      %min3A_1076 = arith.minimumf %max3A_1040, %max3A_1070 : vector<16xf32>
      %select_n3A_1077 = arith.select %gt3A_1074, %select_n3A_1072, %select_n3A_1042 : vector<16xi1>, vector<16xi32>
      %select_n3A_1078 = arith.select %gt3A_1074, %select_n3A_1042, %select_n3A_1072 : vector<16xi1>, vector<16xi32>
      %get3A_1079 = arith.constant 30 : i32
      %get3A_1080 = arith.index_cast %get3A_1079 : i32 to index
      %get3A_1081 = arith.index_cast %mul3A_10 : i32 to index
      %get3A_1082 = tpu.vector_load %arg5[%get3A_1080, %get3A_1081] {strides = array<i32>} : memref<64x1024xf32, #tpu.memory_space<vmem>>, vector<1x16xf32>,
      %get3A_1083 = vector.shape_cast %get3A_1082 : vector<1x16xf32> to vector<16xf32>
      %gt3A_1084 = arith.cmpf ogt, %get3A_1083, %min3A_1056 : vector<16xf32>
      %max3A_1085 = arith.maximumf %min3A_1056, %get3A_1083 : vector<16xf32>
      %broadcast_in_dim3A_1086 = arith.constant 30 : i32
      %broadcast_in_dim3A_1087 = vector.broadcast %broadcast_in_dim3A_1086 : i32 to vector<16xi32>
      %select_n3A_1088 = arith.select %gt3A_1084, %broadcast_in_dim3A_1087, %select_n3A_1058 : vector<16xi1>, vector<16xi32>
      %gt3A_1089 = arith.cmpf ogt, %max3A_1085, %min3A_1061 : vector<16xf32>
      %max3A_1090 = arith.maximumf %min3A_1061, %max3A_1085 : vector<16xf32>
      %min3A_1091 = arith.minimumf %min3A_1061, %max3A_1085 : vector<16xf32>
      %select_n3A_1092 = arith.select %gt3A_1089, %select_n3A_1088, %select_n3A_1063 : vector<16xi1>, vector<16xi32>
      %select_n3A_1093 = arith.select %gt3A_1089, %select_n3A_1063, %select_n3A_1088 : vector<16xi1>, vector<16xi32>
      %gt3A_1094 = arith.cmpf ogt, %max3A_1090, %min3A_1066 : vector<16xf32>
      %max3A_1095 = arith.maximumf %min3A_1066, %max3A_1090 : vector<16xf32>
      %min3A_1096 = arith.minimumf %min3A_1066, %max3A_1090 : vector<16xf32>
      %select_n3A_1097 = arith.select %gt3A_1094, %select_n3A_1092, %select_n3A_1068 : vector<16xi1>, vector<16xi32>
      %select_n3A_1098 = arith.select %gt3A_1094, %select_n3A_1068, %select_n3A_1092 : vector<16xi1>, vector<16xi32>
      %gt3A_1099 = arith.cmpf ogt, %max3A_1095, %min3A_1071 : vector<16xf32>
      %max3A_1100 = arith.maximumf %min3A_1071, %max3A_1095 : vector<16xf32>
      %min3A_1101 = arith.minimumf %min3A_1071, %max3A_1095 : vector<16xf32>
      %select_n3A_1102 = arith.select %gt3A_1099, %select_n3A_1097, %select_n3A_1073 : vector<16xi1>, vector<16xi32>
      %select_n3A_1103 = arith.select %gt3A_1099, %select_n3A_1073, %select_n3A_1097 : vector<16xi1>, vector<16xi32>
      %gt3A_1104 = arith.cmpf ogt, %max3A_1100, %min3A_1076 : vector<16xf32>
      %max3A_1105 = arith.maximumf %min3A_1076, %max3A_1100 : vector<16xf32>
      %min3A_1106 = arith.minimumf %min3A_1076, %max3A_1100 : vector<16xf32>
      %select_n3A_1107 = arith.select %gt3A_1104, %select_n3A_1102, %select_n3A_1078 : vector<16xi1>, vector<16xi32>
      %select_n3A_1108 = arith.select %gt3A_1104, %select_n3A_1078, %select_n3A_1102 : vector<16xi1>, vector<16xi32>
      %gt3A_1109 = arith.cmpf ogt, %max3A_1105, %max3A_1075 : vector<16xf32>
      %max3A_1110 = arith.maximumf %max3A_1075, %max3A_1105 : vector<16xf32>
      %min3A_1111 = arith.minimumf %max3A_1075, %max3A_1105 : vector<16xf32>
      %select_n3A_1112 = arith.select %gt3A_1109, %select_n3A_1107, %select_n3A_1077 : vector<16xi1>, vector<16xi32>
      %select_n3A_1113 = arith.select %gt3A_1109, %select_n3A_1077, %select_n3A_1107 : vector<16xi1>, vector<16xi32>
      %get3A_1114 = arith.constant 31 : i32
      %get3A_1115 = arith.index_cast %get3A_1114 : i32 to index
      %get3A_1116 = arith.index_cast %mul3A_10 : i32 to index
      %get3A_1117 = tpu.vector_load %arg5[%get3A_1115, %get3A_1116] {strides = array<i32>} : memref<64x1024xf32, #tpu.memory_space<vmem>>, vector<1x16xf32>,
      %get3A_1118 = vector.shape_cast %get3A_1117 : vector<1x16xf32> to vector<16xf32>
      %gt3A_1119 = arith.cmpf ogt, %get3A_1118, %min3A_1091 : vector<16xf32>
      %max3A_1120 = arith.maximumf %min3A_1091, %get3A_1118 : vector<16xf32>
      %broadcast_in_dim3A_1121 = arith.constant 31 : i32
      %broadcast_in_dim3A_1122 = vector.broadcast %broadcast_in_dim3A_1121 : i32 to vector<16xi32>
      %select_n3A_1123 = arith.select %gt3A_1119, %broadcast_in_dim3A_1122, %select_n3A_1093 : vector<16xi1>, vector<16xi32>
      %gt3A_1124 = arith.cmpf ogt, %max3A_1120, %min3A_1096 : vector<16xf32>
      %max3A_1125 = arith.maximumf %min3A_1096, %max3A_1120 : vector<16xf32>
      %min3A_1126 = arith.minimumf %min3A_1096, %max3A_1120 : vector<16xf32>
      %select_n3A_1127 = arith.select %gt3A_1124, %select_n3A_1123, %select_n3A_1098 : vector<16xi1>, vector<16xi32>
      %select_n3A_1128 = arith.select %gt3A_1124, %select_n3A_1098, %select_n3A_1123 : vector<16xi1>, vector<16xi32>
      %gt3A_1129 = arith.cmpf ogt, %max3A_1125, %min3A_1101 : vector<16xf32>
      %max3A_1130 = arith.maximumf %min3A_1101, %max3A_1125 : vector<16xf32>
      %min3A_1131 = arith.minimumf %min3A_1101, %max3A_1125 : vector<16xf32>
      %select_n3A_1132 = arith.select %gt3A_1129, %select_n3A_1127, %select_n3A_1103 : vector<16xi1>, vector<16xi32>
      %select_n3A_1133 = arith.select %gt3A_1129, %select_n3A_1103, %select_n3A_1127 : vector<16xi1>, vector<16xi32>
      %gt3A_1134 = arith.cmpf ogt, %max3A_1130, %min3A_1106 : vector<16xf32>
      %max3A_1135 = arith.maximumf %min3A_1106, %max3A_1130 : vector<16xf32>
      %min3A_1136 = arith.minimumf %min3A_1106, %max3A_1130 : vector<16xf32>
      %select_n3A_1137 = arith.select %gt3A_1134, %select_n3A_1132, %select_n3A_1108 : vector<16xi1>, vector<16xi32>
      %select_n3A_1138 = arith.select %gt3A_1134, %select_n3A_1108, %select_n3A_1132 : vector<16xi1>, vector<16xi32>
      %gt3A_1139 = arith.cmpf ogt, %max3A_1135, %min3A_1111 : vector<16xf32>
      %max3A_1140 = arith.maximumf %min3A_1111, %max3A_1135 : vector<16xf32>
      %min3A_1141 = arith.minimumf %min3A_1111, %max3A_1135 : vector<16xf32>
      %select_n3A_1142 = arith.select %gt3A_1139, %select_n3A_1137, %select_n3A_1113 : vector<16xi1>, vector<16xi32>
      %select_n3A_1143 = arith.select %gt3A_1139, %select_n3A_1113, %select_n3A_1137 : vector<16xi1>, vector<16xi32>
      %gt3A_1144 = arith.cmpf ogt, %max3A_1140, %max3A_1110 : vector<16xf32>
      %max3A_1145 = arith.maximumf %max3A_1110, %max3A_1140 : vector<16xf32>
      %min3A_1146 = arith.minimumf %max3A_1110, %max3A_1140 : vector<16xf32>
      %select_n3A_1147 = arith.select %gt3A_1144, %select_n3A_1142, %select_n3A_1112 : vector<16xi1>, vector<16xi32>
      %select_n3A_1148 = arith.select %gt3A_1144, %select_n3A_1112, %select_n3A_1142 : vector<16xi1>, vector<16xi32>
      %get3A_1149 = arith.constant 32 : i32
      %get3A_1150 = arith.index_cast %get3A_1149 : i32 to index
      %get3A_1151 = arith.index_cast %mul3A_10 : i32 to index
      %get3A_1152 = tpu.vector_load %arg5[%get3A_1150, %get3A_1151] {strides = array<i32>} : memref<64x1024xf32, #tpu.memory_space<vmem>>, vector<1x16xf32>,
      %get3A_1153 = vector.shape_cast %get3A_1152 : vector<1x16xf32> to vector<16xf32>
      %gt3A_1154 = arith.cmpf ogt, %get3A_1153, %min3A_1126 : vector<16xf32>
      %max3A_1155 = arith.maximumf %min3A_1126, %get3A_1153 : vector<16xf32>
      %broadcast_in_dim3A_1156 = arith.constant 32 : i32
      %broadcast_in_dim3A_1157 = vector.broadcast %broadcast_in_dim3A_1156 : i32 to vector<16xi32>
      %select_n3A_1158 = arith.select %gt3A_1154, %broadcast_in_dim3A_1157, %select_n3A_1128 : vector<16xi1>, vector<16xi32>
      %gt3A_1159 = arith.cmpf ogt, %max3A_1155, %min3A_1131 : vector<16xf32>
      %max3A_1160 = arith.maximumf %min3A_1131, %max3A_1155 : vector<16xf32>
      %min3A_1161 = arith.minimumf %min3A_1131, %max3A_1155 : vector<16xf32>
      %select_n3A_1162 = arith.select %gt3A_1159, %select_n3A_1158, %select_n3A_1133 : vector<16xi1>, vector<16xi32>
      %select_n3A_1163 = arith.select %gt3A_1159, %select_n3A_1133, %select_n3A_1158 : vector<16xi1>, vector<16xi32>
      %gt3A_1164 = arith.cmpf ogt, %max3A_1160, %min3A_1136 : vector<16xf32>
      %max3A_1165 = arith.maximumf %min3A_1136, %max3A_1160 : vector<16xf32>
      %min3A_1166 = arith.minimumf %min3A_1136, %max3A_1160 : vector<16xf32>
      %select_n3A_1167 = arith.select %gt3A_1164, %select_n3A_1162, %select_n3A_1138 : vector<16xi1>, vector<16xi32>
      %select_n3A_1168 = arith.select %gt3A_1164, %select_n3A_1138, %select_n3A_1162 : vector<16xi1>, vector<16xi32>
      %gt3A_1169 = arith.cmpf ogt, %max3A_1165, %min3A_1141 : vector<16xf32>
      %max3A_1170 = arith.maximumf %min3A_1141, %max3A_1165 : vector<16xf32>
      %min3A_1171 = arith.minimumf %min3A_1141, %max3A_1165 : vector<16xf32>
      %select_n3A_1172 = arith.select %gt3A_1169, %select_n3A_1167, %select_n3A_1143 : vector<16xi1>, vector<16xi32>
      %select_n3A_1173 = arith.select %gt3A_1169, %select_n3A_1143, %select_n3A_1167 : vector<16xi1>, vector<16xi32>
      %gt3A_1174 = arith.cmpf ogt, %max3A_1170, %min3A_1146 : vector<16xf32>
      %max3A_1175 = arith.maximumf %min3A_1146, %max3A_1170 : vector<16xf32>
      %min3A_1176 = arith.minimumf %min3A_1146, %max3A_1170 : vector<16xf32>
      %select_n3A_1177 = arith.select %gt3A_1174, %select_n3A_1172, %select_n3A_1148 : vector<16xi1>, vector<16xi32>
      %select_n3A_1178 = arith.select %gt3A_1174, %select_n3A_1148, %select_n3A_1172 : vector<16xi1>, vector<16xi32>
      %gt3A_1179 = arith.cmpf ogt, %max3A_1175, %max3A_1145 : vector<16xf32>
      %max3A_1180 = arith.maximumf %max3A_1145, %max3A_1175 : vector<16xf32>
      %min3A_1181 = arith.minimumf %max3A_1145, %max3A_1175 : vector<16xf32>
      %select_n3A_1182 = arith.select %gt3A_1179, %select_n3A_1177, %select_n3A_1147 : vector<16xi1>, vector<16xi32>
      %select_n3A_1183 = arith.select %gt3A_1179, %select_n3A_1147, %select_n3A_1177 : vector<16xi1>, vector<16xi32>
      %get3A_1184 = arith.constant 33 : i32
      %get3A_1185 = arith.index_cast %get3A_1184 : i32 to index
      %get3A_1186 = arith.index_cast %mul3A_10 : i32 to index
      %get3A_1187 = tpu.vector_load %arg5[%get3A_1185, %get3A_1186] {strides = array<i32>} : memref<64x1024xf32, #tpu.memory_space<vmem>>, vector<1x16xf32>,
      %get3A_1188 = vector.shape_cast %get3A_1187 : vector<1x16xf32> to vector<16xf32>
      %gt3A_1189 = arith.cmpf ogt, %get3A_1188, %min3A_1161 : vector<16xf32>
      %max3A_1190 = arith.maximumf %min3A_1161, %get3A_1188 : vector<16xf32>
      %broadcast_in_dim3A_1191 = arith.constant 33 : i32
      %broadcast_in_dim3A_1192 = vector.broadcast %broadcast_in_dim3A_1191 : i32 to vector<16xi32>
      %select_n3A_1193 = arith.select %gt3A_1189, %broadcast_in_dim3A_1192, %select_n3A_1163 : vector<16xi1>, vector<16xi32>
      %gt3A_1194 = arith.cmpf ogt, %max3A_1190, %min3A_1166 : vector<16xf32>
      %max3A_1195 = arith.maximumf %min3A_1166, %max3A_1190 : vector<16xf32>
      %min3A_1196 = arith.minimumf %min3A_1166, %max3A_1190 : vector<16xf32>
      %select_n3A_1197 = arith.select %gt3A_1194, %select_n3A_1193, %select_n3A_1168 : vector<16xi1>, vector<16xi32>
      %select_n3A_1198 = arith.select %gt3A_1194, %select_n3A_1168, %select_n3A_1193 : vector<16xi1>, vector<16xi32>
      %gt3A_1199 = arith.cmpf ogt, %max3A_1195, %min3A_1171 : vector<16xf32>
      %max3A_1200 = arith.maximumf %min3A_1171, %max3A_1195 : vector<16xf32>
      %min3A_1201 = arith.minimumf %min3A_1171, %max3A_1195 : vector<16xf32>
      %select_n3A_1202 = arith.select %gt3A_1199, %select_n3A_1197, %select_n3A_1173 : vector<16xi1>, vector<16xi32>
      %select_n3A_1203 = arith.select %gt3A_1199, %select_n3A_1173, %select_n3A_1197 : vector<16xi1>, vector<16xi32>
      %gt3A_1204 = arith.cmpf ogt, %max3A_1200, %min3A_1176 : vector<16xf32>
      %max3A_1205 = arith.maximumf %min3A_1176, %max3A_1200 : vector<16xf32>
      %min3A_1206 = arith.minimumf %min3A_1176, %max3A_1200 : vector<16xf32>
      %select_n3A_1207 = arith.select %gt3A_1204, %select_n3A_1202, %select_n3A_1178 : vector<16xi1>, vector<16xi32>
      %select_n3A_1208 = arith.select %gt3A_1204, %select_n3A_1178, %select_n3A_1202 : vector<16xi1>, vector<16xi32>
      %gt3A_1209 = arith.cmpf ogt, %max3A_1205, %min3A_1181 : vector<16xf32>
      %max3A_1210 = arith.maximumf %min3A_1181, %max3A_1205 : vector<16xf32>
      %min3A_1211 = arith.minimumf %min3A_1181, %max3A_1205 : vector<16xf32>
      %select_n3A_1212 = arith.select %gt3A_1209, %select_n3A_1207, %select_n3A_1183 : vector<16xi1>, vector<16xi32>
      %select_n3A_1213 = arith.select %gt3A_1209, %select_n3A_1183, %select_n3A_1207 : vector<16xi1>, vector<16xi32>
      %gt3A_1214 = arith.cmpf ogt, %max3A_1210, %max3A_1180 : vector<16xf32>
      %max3A_1215 = arith.maximumf %max3A_1180, %max3A_1210 : vector<16xf32>
      %min3A_1216 = arith.minimumf %max3A_1180, %max3A_1210 : vector<16xf32>
      %select_n3A_1217 = arith.select %gt3A_1214, %select_n3A_1212, %select_n3A_1182 : vector<16xi1>, vector<16xi32>
      %select_n3A_1218 = arith.select %gt3A_1214, %select_n3A_1182, %select_n3A_1212 : vector<16xi1>, vector<16xi32>
      %get3A_1219 = arith.constant 34 : i32
      %get3A_1220 = arith.index_cast %get3A_1219 : i32 to index
      %get3A_1221 = arith.index_cast %mul3A_10 : i32 to index
      %get3A_1222 = tpu.vector_load %arg5[%get3A_1220, %get3A_1221] {strides = array<i32>} : memref<64x1024xf32, #tpu.memory_space<vmem>>, vector<1x16xf32>,
      %get3A_1223 = vector.shape_cast %get3A_1222 : vector<1x16xf32> to vector<16xf32>
      %gt3A_1224 = arith.cmpf ogt, %get3A_1223, %min3A_1196 : vector<16xf32>
      %max3A_1225 = arith.maximumf %min3A_1196, %get3A_1223 : vector<16xf32>
      %broadcast_in_dim3A_1226 = arith.constant 34 : i32
      %broadcast_in_dim3A_1227 = vector.broadcast %broadcast_in_dim3A_1226 : i32 to vector<16xi32>
      %select_n3A_1228 = arith.select %gt3A_1224, %broadcast_in_dim3A_1227, %select_n3A_1198 : vector<16xi1>, vector<16xi32>
      %gt3A_1229 = arith.cmpf ogt, %max3A_1225, %min3A_1201 : vector<16xf32>
      %max3A_1230 = arith.maximumf %min3A_1201, %max3A_1225 : vector<16xf32>
      %min3A_1231 = arith.minimumf %min3A_1201, %max3A_1225 : vector<16xf32>
      %select_n3A_1232 = arith.select %gt3A_1229, %select_n3A_1228, %select_n3A_1203 : vector<16xi1>, vector<16xi32>
      %select_n3A_1233 = arith.select %gt3A_1229, %select_n3A_1203, %select_n3A_1228 : vector<16xi1>, vector<16xi32>
      %gt3A_1234 = arith.cmpf ogt, %max3A_1230, %min3A_1206 : vector<16xf32>
      %max3A_1235 = arith.maximumf %min3A_1206, %max3A_1230 : vector<16xf32>
      %min3A_1236 = arith.minimumf %min3A_1206, %max3A_1230 : vector<16xf32>
      %select_n3A_1237 = arith.select %gt3A_1234, %select_n3A_1232, %select_n3A_1208 : vector<16xi1>, vector<16xi32>
      %select_n3A_1238 = arith.select %gt3A_1234, %select_n3A_1208, %select_n3A_1232 : vector<16xi1>, vector<16xi32>
      %gt3A_1239 = arith.cmpf ogt, %max3A_1235, %min3A_1211 : vector<16xf32>
      %max3A_1240 = arith.maximumf %min3A_1211, %max3A_1235 : vector<16xf32>
      %min3A_1241 = arith.minimumf %min3A_1211, %max3A_1235 : vector<16xf32>
      %select_n3A_1242 = arith.select %gt3A_1239, %select_n3A_1237, %select_n3A_1213 : vector<16xi1>, vector<16xi32>
      %select_n3A_1243 = arith.select %gt3A_1239, %select_n3A_1213, %select_n3A_1237 : vector<16xi1>, vector<16xi32>
      %gt3A_1244 = arith.cmpf ogt, %max3A_1240, %min3A_1216 : vector<16xf32>
      %max3A_1245 = arith.maximumf %min3A_1216, %max3A_1240 : vector<16xf32>
      %min3A_1246 = arith.minimumf %min3A_1216, %max3A_1240 : vector<16xf32>
      %select_n3A_1247 = arith.select %gt3A_1244, %select_n3A_1242, %select_n3A_1218 : vector<16xi1>, vector<16xi32>
      %select_n3A_1248 = arith.select %gt3A_1244, %select_n3A_1218, %select_n3A_1242 : vector<16xi1>, vector<16xi32>
      %gt3A_1249 = arith.cmpf ogt, %max3A_1245, %max3A_1215 : vector<16xf32>
      %max3A_1250 = arith.maximumf %max3A_1215, %max3A_1245 : vector<16xf32>
      %min3A_1251 = arith.minimumf %max3A_1215, %max3A_1245 : vector<16xf32>
      %select_n3A_1252 = arith.select %gt3A_1249, %select_n3A_1247, %select_n3A_1217 : vector<16xi1>, vector<16xi32>
      %select_n3A_1253 = arith.select %gt3A_1249, %select_n3A_1217, %select_n3A_1247 : vector<16xi1>, vector<16xi32>
      %get3A_1254 = arith.constant 35 : i32
      %get3A_1255 = arith.index_cast %get3A_1254 : i32 to index
      %get3A_1256 = arith.index_cast %mul3A_10 : i32 to index
      %get3A_1257 = tpu.vector_load %arg5[%get3A_1255, %get3A_1256] {strides = array<i32>} : memref<64x1024xf32, #tpu.memory_space<vmem>>, vector<1x16xf32>,
      %get3A_1258 = vector.shape_cast %get3A_1257 : vector<1x16xf32> to vector<16xf32>
      %gt3A_1259 = arith.cmpf ogt, %get3A_1258, %min3A_1231 : vector<16xf32>
      %max3A_1260 = arith.maximumf %min3A_1231, %get3A_1258 : vector<16xf32>
      %broadcast_in_dim3A_1261 = arith.constant 35 : i32
      %broadcast_in_dim3A_1262 = vector.broadcast %broadcast_in_dim3A_1261 : i32 to vector<16xi32>
      %select_n3A_1263 = arith.select %gt3A_1259, %broadcast_in_dim3A_1262, %select_n3A_1233 : vector<16xi1>, vector<16xi32>
      %gt3A_1264 = arith.cmpf ogt, %max3A_1260, %min3A_1236 : vector<16xf32>
      %max3A_1265 = arith.maximumf %min3A_1236, %max3A_1260 : vector<16xf32>
      %min3A_1266 = arith.minimumf %min3A_1236, %max3A_1260 : vector<16xf32>
      %select_n3A_1267 = arith.select %gt3A_1264, %select_n3A_1263, %select_n3A_1238 : vector<16xi1>, vector<16xi32>
      %select_n3A_1268 = arith.select %gt3A_1264, %select_n3A_1238, %select_n3A_1263 : vector<16xi1>, vector<16xi32>
      %gt3A_1269 = arith.cmpf ogt, %max3A_1265, %min3A_1241 : vector<16xf32>
      %max3A_1270 = arith.maximumf %min3A_1241, %max3A_1265 : vector<16xf32>
      %min3A_1271 = arith.minimumf %min3A_1241, %max3A_1265 : vector<16xf32>
      %select_n3A_1272 = arith.select %gt3A_1269, %select_n3A_1267, %select_n3A_1243 : vector<16xi1>, vector<16xi32>
      %select_n3A_1273 = arith.select %gt3A_1269, %select_n3A_1243, %select_n3A_1267 : vector<16xi1>, vector<16xi32>
      %gt3A_1274 = arith.cmpf ogt, %max3A_1270, %min3A_1246 : vector<16xf32>
      %max3A_1275 = arith.maximumf %min3A_1246, %max3A_1270 : vector<16xf32>
      %min3A_1276 = arith.minimumf %min3A_1246, %max3A_1270 : vector<16xf32>
      %select_n3A_1277 = arith.select %gt3A_1274, %select_n3A_1272, %select_n3A_1248 : vector<16xi1>, vector<16xi32>
      %select_n3A_1278 = arith.select %gt3A_1274, %select_n3A_1248, %select_n3A_1272 : vector<16xi1>, vector<16xi32>
      %gt3A_1279 = arith.cmpf ogt, %max3A_1275, %min3A_1251 : vector<16xf32>
      %max3A_1280 = arith.maximumf %min3A_1251, %max3A_1275 : vector<16xf32>
      %min3A_1281 = arith.minimumf %min3A_1251, %max3A_1275 : vector<16xf32>
      %select_n3A_1282 = arith.select %gt3A_1279, %select_n3A_1277, %select_n3A_1253 : vector<16xi1>, vector<16xi32>
      %select_n3A_1283 = arith.select %gt3A_1279, %select_n3A_1253, %select_n3A_1277 : vector<16xi1>, vector<16xi32>
      %gt3A_1284 = arith.cmpf ogt, %max3A_1280, %max3A_1250 : vector<16xf32>
      %max3A_1285 = arith.maximumf %max3A_1250, %max3A_1280 : vector<16xf32>
      %min3A_1286 = arith.minimumf %max3A_1250, %max3A_1280 : vector<16xf32>
      %select_n3A_1287 = arith.select %gt3A_1284, %select_n3A_1282, %select_n3A_1252 : vector<16xi1>, vector<16xi32>
      %select_n3A_1288 = arith.select %gt3A_1284, %select_n3A_1252, %select_n3A_1282 : vector<16xi1>, vector<16xi32>
      %get3A_1289 = arith.constant 36 : i32
      %get3A_1290 = arith.index_cast %get3A_1289 : i32 to index
      %get3A_1291 = arith.index_cast %mul3A_10 : i32 to index
      %get3A_1292 = tpu.vector_load %arg5[%get3A_1290, %get3A_1291] {strides = array<i32>} : memref<64x1024xf32, #tpu.memory_space<vmem>>, vector<1x16xf32>,
      %get3A_1293 = vector.shape_cast %get3A_1292 : vector<1x16xf32> to vector<16xf32>
      %gt3A_1294 = arith.cmpf ogt, %get3A_1293, %min3A_1266 : vector<16xf32>
      %max3A_1295 = arith.maximumf %min3A_1266, %get3A_1293 : vector<16xf32>
      %broadcast_in_dim3A_1296 = arith.constant 36 : i32
      %broadcast_in_dim3A_1297 = vector.broadcast %broadcast_in_dim3A_1296 : i32 to vector<16xi32>
      %select_n3A_1298 = arith.select %gt3A_1294, %broadcast_in_dim3A_1297, %select_n3A_1268 : vector<16xi1>, vector<16xi32>
      %gt3A_1299 = arith.cmpf ogt, %max3A_1295, %min3A_1271 : vector<16xf32>
      %max3A_1300 = arith.maximumf %min3A_1271, %max3A_1295 : vector<16xf32>
      %min3A_1301 = arith.minimumf %min3A_1271, %max3A_1295 : vector<16xf32>
      %select_n3A_1302 = arith.select %gt3A_1299, %select_n3A_1298, %select_n3A_1273 : vector<16xi1>, vector<16xi32>
      %select_n3A_1303 = arith.select %gt3A_1299, %select_n3A_1273, %select_n3A_1298 : vector<16xi1>, vector<16xi32>
      %gt3A_1304 = arith.cmpf ogt, %max3A_1300, %min3A_1276 : vector<16xf32>
      %max3A_1305 = arith.maximumf %min3A_1276, %max3A_1300 : vector<16xf32>
      %min3A_1306 = arith.minimumf %min3A_1276, %max3A_1300 : vector<16xf32>
      %select_n3A_1307 = arith.select %gt3A_1304, %select_n3A_1302, %select_n3A_1278 : vector<16xi1>, vector<16xi32>
      %select_n3A_1308 = arith.select %gt3A_1304, %select_n3A_1278, %select_n3A_1302 : vector<16xi1>, vector<16xi32>
      %gt3A_1309 = arith.cmpf ogt, %max3A_1305, %min3A_1281 : vector<16xf32>
      %max3A_1310 = arith.maximumf %min3A_1281, %max3A_1305 : vector<16xf32>
      %min3A_1311 = arith.minimumf %min3A_1281, %max3A_1305 : vector<16xf32>
      %select_n3A_1312 = arith.select %gt3A_1309, %select_n3A_1307, %select_n3A_1283 : vector<16xi1>, vector<16xi32>
      %select_n3A_1313 = arith.select %gt3A_1309, %select_n3A_1283, %select_n3A_1307 : vector<16xi1>, vector<16xi32>
      %gt3A_1314 = arith.cmpf ogt, %max3A_1310, %min3A_1286 : vector<16xf32>
      %max3A_1315 = arith.maximumf %min3A_1286, %max3A_1310 : vector<16xf32>
      %min3A_1316 = arith.minimumf %min3A_1286, %max3A_1310 : vector<16xf32>
      %select_n3A_1317 = arith.select %gt3A_1314, %select_n3A_1312, %select_n3A_1288 : vector<16xi1>, vector<16xi32>
      %select_n3A_1318 = arith.select %gt3A_1314, %select_n3A_1288, %select_n3A_1312 : vector<16xi1>, vector<16xi32>
      %gt3A_1319 = arith.cmpf ogt, %max3A_1315, %max3A_1285 : vector<16xf32>
      %max3A_1320 = arith.maximumf %max3A_1285, %max3A_1315 : vector<16xf32>
      %min3A_1321 = arith.minimumf %max3A_1285, %max3A_1315 : vector<16xf32>
      %select_n3A_1322 = arith.select %gt3A_1319, %select_n3A_1317, %select_n3A_1287 : vector<16xi1>, vector<16xi32>
      %select_n3A_1323 = arith.select %gt3A_1319, %select_n3A_1287, %select_n3A_1317 : vector<16xi1>, vector<16xi32>
      %get3A_1324 = arith.constant 37 : i32
      %get3A_1325 = arith.index_cast %get3A_1324 : i32 to index
      %get3A_1326 = arith.index_cast %mul3A_10 : i32 to index
      %get3A_1327 = tpu.vector_load %arg5[%get3A_1325, %get3A_1326] {strides = array<i32>} : memref<64x1024xf32, #tpu.memory_space<vmem>>, vector<1x16xf32>,
      %get3A_1328 = vector.shape_cast %get3A_1327 : vector<1x16xf32> to vector<16xf32>
      %gt3A_1329 = arith.cmpf ogt, %get3A_1328, %min3A_1301 : vector<16xf32>
      %max3A_1330 = arith.maximumf %min3A_1301, %get3A_1328 : vector<16xf32>
      %broadcast_in_dim3A_1331 = arith.constant 37 : i32
      %broadcast_in_dim3A_1332 = vector.broadcast %broadcast_in_dim3A_1331 : i32 to vector<16xi32>
      %select_n3A_1333 = arith.select %gt3A_1329, %broadcast_in_dim3A_1332, %select_n3A_1303 : vector<16xi1>, vector<16xi32>
      %gt3A_1334 = arith.cmpf ogt, %max3A_1330, %min3A_1306 : vector<16xf32>
      %max3A_1335 = arith.maximumf %min3A_1306, %max3A_1330 : vector<16xf32>
      %min3A_1336 = arith.minimumf %min3A_1306, %max3A_1330 : vector<16xf32>
      %select_n3A_1337 = arith.select %gt3A_1334, %select_n3A_1333, %select_n3A_1308 : vector<16xi1>, vector<16xi32>
      %select_n3A_1338 = arith.select %gt3A_1334, %select_n3A_1308, %select_n3A_1333 : vector<16xi1>, vector<16xi32>
      %gt3A_1339 = arith.cmpf ogt, %max3A_1335, %min3A_1311 : vector<16xf32>
      %max3A_1340 = arith.maximumf %min3A_1311, %max3A_1335 : vector<16xf32>
      %min3A_1341 = arith.minimumf %min3A_1311, %max3A_1335 : vector<16xf32>
      %select_n3A_1342 = arith.select %gt3A_1339, %select_n3A_1337, %select_n3A_1313 : vector<16xi1>, vector<16xi32>
      %select_n3A_1343 = arith.select %gt3A_1339, %select_n3A_1313, %select_n3A_1337 : vector<16xi1>, vector<16xi32>
      %gt3A_1344 = arith.cmpf ogt, %max3A_1340, %min3A_1316 : vector<16xf32>
      %max3A_1345 = arith.maximumf %min3A_1316, %max3A_1340 : vector<16xf32>
      %min3A_1346 = arith.minimumf %min3A_1316, %max3A_1340 : vector<16xf32>
      %select_n3A_1347 = arith.select %gt3A_1344, %select_n3A_1342, %select_n3A_1318 : vector<16xi1>, vector<16xi32>
      %select_n3A_1348 = arith.select %gt3A_1344, %select_n3A_1318, %select_n3A_1342 : vector<16xi1>, vector<16xi32>
      %gt3A_1349 = arith.cmpf ogt, %max3A_1345, %min3A_1321 : vector<16xf32>
      %max3A_1350 = arith.maximumf %min3A_1321, %max3A_1345 : vector<16xf32>
      %min3A_1351 = arith.minimumf %min3A_1321, %max3A_1345 : vector<16xf32>
      %select_n3A_1352 = arith.select %gt3A_1349, %select_n3A_1347, %select_n3A_1323 : vector<16xi1>, vector<16xi32>
      %select_n3A_1353 = arith.select %gt3A_1349, %select_n3A_1323, %select_n3A_1347 : vector<16xi1>, vector<16xi32>
      %gt3A_1354 = arith.cmpf ogt, %max3A_1350, %max3A_1320 : vector<16xf32>
      %max3A_1355 = arith.maximumf %max3A_1320, %max3A_1350 : vector<16xf32>
      %min3A_1356 = arith.minimumf %max3A_1320, %max3A_1350 : vector<16xf32>
      %select_n3A_1357 = arith.select %gt3A_1354, %select_n3A_1352, %select_n3A_1322 : vector<16xi1>, vector<16xi32>
      %select_n3A_1358 = arith.select %gt3A_1354, %select_n3A_1322, %select_n3A_1352 : vector<16xi1>, vector<16xi32>
      %get3A_1359 = arith.constant 38 : i32
      %get3A_1360 = arith.index_cast %get3A_1359 : i32 to index
      %get3A_1361 = arith.index_cast %mul3A_10 : i32 to index
      %get3A_1362 = tpu.vector_load %arg5[%get3A_1360, %get3A_1361] {strides = array<i32>} : memref<64x1024xf32, #tpu.memory_space<vmem>>, vector<1x16xf32>,
      %get3A_1363 = vector.shape_cast %get3A_1362 : vector<1x16xf32> to vector<16xf32>
      %gt3A_1364 = arith.cmpf ogt, %get3A_1363, %min3A_1336 : vector<16xf32>
      %max3A_1365 = arith.maximumf %min3A_1336, %get3A_1363 : vector<16xf32>
      %broadcast_in_dim3A_1366 = arith.constant 38 : i32
      %broadcast_in_dim3A_1367 = vector.broadcast %broadcast_in_dim3A_1366 : i32 to vector<16xi32>
      %select_n3A_1368 = arith.select %gt3A_1364, %broadcast_in_dim3A_1367, %select_n3A_1338 : vector<16xi1>, vector<16xi32>
      %gt3A_1369 = arith.cmpf ogt, %max3A_1365, %min3A_1341 : vector<16xf32>
      %max3A_1370 = arith.maximumf %min3A_1341, %max3A_1365 : vector<16xf32>
      %min3A_1371 = arith.minimumf %min3A_1341, %max3A_1365 : vector<16xf32>
      %select_n3A_1372 = arith.select %gt3A_1369, %select_n3A_1368, %select_n3A_1343 : vector<16xi1>, vector<16xi32>
      %select_n3A_1373 = arith.select %gt3A_1369, %select_n3A_1343, %select_n3A_1368 : vector<16xi1>, vector<16xi32>
      %gt3A_1374 = arith.cmpf ogt, %max3A_1370, %min3A_1346 : vector<16xf32>
      %max3A_1375 = arith.maximumf %min3A_1346, %max3A_1370 : vector<16xf32>
      %min3A_1376 = arith.minimumf %min3A_1346, %max3A_1370 : vector<16xf32>
      %select_n3A_1377 = arith.select %gt3A_1374, %select_n3A_1372, %select_n3A_1348 : vector<16xi1>, vector<16xi32>
      %select_n3A_1378 = arith.select %gt3A_1374, %select_n3A_1348, %select_n3A_1372 : vector<16xi1>, vector<16xi32>
      %gt3A_1379 = arith.cmpf ogt, %max3A_1375, %min3A_1351 : vector<16xf32>
      %max3A_1380 = arith.maximumf %min3A_1351, %max3A_1375 : vector<16xf32>
      %min3A_1381 = arith.minimumf %min3A_1351, %max3A_1375 : vector<16xf32>
      %select_n3A_1382 = arith.select %gt3A_1379, %select_n3A_1377, %select_n3A_1353 : vector<16xi1>, vector<16xi32>
      %select_n3A_1383 = arith.select %gt3A_1379, %select_n3A_1353, %select_n3A_1377 : vector<16xi1>, vector<16xi32>
      %gt3A_1384 = arith.cmpf ogt, %max3A_1380, %min3A_1356 : vector<16xf32>
      %max3A_1385 = arith.maximumf %min3A_1356, %max3A_1380 : vector<16xf32>
      %min3A_1386 = arith.minimumf %min3A_1356, %max3A_1380 : vector<16xf32>
      %select_n3A_1387 = arith.select %gt3A_1384, %select_n3A_1382, %select_n3A_1358 : vector<16xi1>, vector<16xi32>
      %select_n3A_1388 = arith.select %gt3A_1384, %select_n3A_1358, %select_n3A_1382 : vector<16xi1>, vector<16xi32>
      %gt3A_1389 = arith.cmpf ogt, %max3A_1385, %max3A_1355 : vector<16xf32>
      %max3A_1390 = arith.maximumf %max3A_1355, %max3A_1385 : vector<16xf32>
      %min3A_1391 = arith.minimumf %max3A_1355, %max3A_1385 : vector<16xf32>
      %select_n3A_1392 = arith.select %gt3A_1389, %select_n3A_1387, %select_n3A_1357 : vector<16xi1>, vector<16xi32>
      %select_n3A_1393 = arith.select %gt3A_1389, %select_n3A_1357, %select_n3A_1387 : vector<16xi1>, vector<16xi32>
      %get3A_1394 = arith.constant 39 : i32
      %get3A_1395 = arith.index_cast %get3A_1394 : i32 to index
      %get3A_1396 = arith.index_cast %mul3A_10 : i32 to index
      %get3A_1397 = tpu.vector_load %arg5[%get3A_1395, %get3A_1396] {strides = array<i32>} : memref<64x1024xf32, #tpu.memory_space<vmem>>, vector<1x16xf32>,
      %get3A_1398 = vector.shape_cast %get3A_1397 : vector<1x16xf32> to vector<16xf32>
      %gt3A_1399 = arith.cmpf ogt, %get3A_1398, %min3A_1371 : vector<16xf32>
      %max3A_1400 = arith.maximumf %min3A_1371, %get3A_1398 : vector<16xf32>
      %broadcast_in_dim3A_1401 = arith.constant 39 : i32
      %broadcast_in_dim3A_1402 = vector.broadcast %broadcast_in_dim3A_1401 : i32 to vector<16xi32>
      %select_n3A_1403 = arith.select %gt3A_1399, %broadcast_in_dim3A_1402, %select_n3A_1373 : vector<16xi1>, vector<16xi32>
      %gt3A_1404 = arith.cmpf ogt, %max3A_1400, %min3A_1376 : vector<16xf32>
      %max3A_1405 = arith.maximumf %min3A_1376, %max3A_1400 : vector<16xf32>
      %min3A_1406 = arith.minimumf %min3A_1376, %max3A_1400 : vector<16xf32>
      %select_n3A_1407 = arith.select %gt3A_1404, %select_n3A_1403, %select_n3A_1378 : vector<16xi1>, vector<16xi32>
      %select_n3A_1408 = arith.select %gt3A_1404, %select_n3A_1378, %select_n3A_1403 : vector<16xi1>, vector<16xi32>
      %gt3A_1409 = arith.cmpf ogt, %max3A_1405, %min3A_1381 : vector<16xf32>
      %max3A_1410 = arith.maximumf %min3A_1381, %max3A_1405 : vector<16xf32>
      %min3A_1411 = arith.minimumf %min3A_1381, %max3A_1405 : vector<16xf32>
      %select_n3A_1412 = arith.select %gt3A_1409, %select_n3A_1407, %select_n3A_1383 : vector<16xi1>, vector<16xi32>
      %select_n3A_1413 = arith.select %gt3A_1409, %select_n3A_1383, %select_n3A_1407 : vector<16xi1>, vector<16xi32>
      %gt3A_1414 = arith.cmpf ogt, %max3A_1410, %min3A_1386 : vector<16xf32>
      %max3A_1415 = arith.maximumf %min3A_1386, %max3A_1410 : vector<16xf32>
      %min3A_1416 = arith.minimumf %min3A_1386, %max3A_1410 : vector<16xf32>
      %select_n3A_1417 = arith.select %gt3A_1414, %select_n3A_1412, %select_n3A_1388 : vector<16xi1>, vector<16xi32>
      %select_n3A_1418 = arith.select %gt3A_1414, %select_n3A_1388, %select_n3A_1412 : vector<16xi1>, vector<16xi32>
      %gt3A_1419 = arith.cmpf ogt, %max3A_1415, %min3A_1391 : vector<16xf32>
      %max3A_1420 = arith.maximumf %min3A_1391, %max3A_1415 : vector<16xf32>
      %min3A_1421 = arith.minimumf %min3A_1391, %max3A_1415 : vector<16xf32>
      %select_n3A_1422 = arith.select %gt3A_1419, %select_n3A_1417, %select_n3A_1393 : vector<16xi1>, vector<16xi32>
      %select_n3A_1423 = arith.select %gt3A_1419, %select_n3A_1393, %select_n3A_1417 : vector<16xi1>, vector<16xi32>
      %gt3A_1424 = arith.cmpf ogt, %max3A_1420, %max3A_1390 : vector<16xf32>
      %max3A_1425 = arith.maximumf %max3A_1390, %max3A_1420 : vector<16xf32>
      %min3A_1426 = arith.minimumf %max3A_1390, %max3A_1420 : vector<16xf32>
      %select_n3A_1427 = arith.select %gt3A_1424, %select_n3A_1422, %select_n3A_1392 : vector<16xi1>, vector<16xi32>
      %select_n3A_1428 = arith.select %gt3A_1424, %select_n3A_1392, %select_n3A_1422 : vector<16xi1>, vector<16xi32>
      %get3A_1429 = arith.constant 40 : i32
      %get3A_1430 = arith.index_cast %get3A_1429 : i32 to index
      %get3A_1431 = arith.index_cast %mul3A_10 : i32 to index
      %get3A_1432 = tpu.vector_load %arg5[%get3A_1430, %get3A_1431] {strides = array<i32>} : memref<64x1024xf32, #tpu.memory_space<vmem>>, vector<1x16xf32>,
      %get3A_1433 = vector.shape_cast %get3A_1432 : vector<1x16xf32> to vector<16xf32>
      %gt3A_1434 = arith.cmpf ogt, %get3A_1433, %min3A_1406 : vector<16xf32>
      %max3A_1435 = arith.maximumf %min3A_1406, %get3A_1433 : vector<16xf32>
      %broadcast_in_dim3A_1436 = arith.constant 40 : i32
      %broadcast_in_dim3A_1437 = vector.broadcast %broadcast_in_dim3A_1436 : i32 to vector<16xi32>
      %select_n3A_1438 = arith.select %gt3A_1434, %broadcast_in_dim3A_1437, %select_n3A_1408 : vector<16xi1>, vector<16xi32>
      %gt3A_1439 = arith.cmpf ogt, %max3A_1435, %min3A_1411 : vector<16xf32>
      %max3A_1440 = arith.maximumf %min3A_1411, %max3A_1435 : vector<16xf32>
      %min3A_1441 = arith.minimumf %min3A_1411, %max3A_1435 : vector<16xf32>
      %select_n3A_1442 = arith.select %gt3A_1439, %select_n3A_1438, %select_n3A_1413 : vector<16xi1>, vector<16xi32>
      %select_n3A_1443 = arith.select %gt3A_1439, %select_n3A_1413, %select_n3A_1438 : vector<16xi1>, vector<16xi32>
      %gt3A_1444 = arith.cmpf ogt, %max3A_1440, %min3A_1416 : vector<16xf32>
      %max3A_1445 = arith.maximumf %min3A_1416, %max3A_1440 : vector<16xf32>
      %min3A_1446 = arith.minimumf %min3A_1416, %max3A_1440 : vector<16xf32>
      %select_n3A_1447 = arith.select %gt3A_1444, %select_n3A_1442, %select_n3A_1418 : vector<16xi1>, vector<16xi32>
      %select_n3A_1448 = arith.select %gt3A_1444, %select_n3A_1418, %select_n3A_1442 : vector<16xi1>, vector<16xi32>
      %gt3A_1449 = arith.cmpf ogt, %max3A_1445, %min3A_1421 : vector<16xf32>
      %max3A_1450 = arith.maximumf %min3A_1421, %max3A_1445 : vector<16xf32>
      %min3A_1451 = arith.minimumf %min3A_1421, %max3A_1445 : vector<16xf32>
      %select_n3A_1452 = arith.select %gt3A_1449, %select_n3A_1447, %select_n3A_1423 : vector<16xi1>, vector<16xi32>
      %select_n3A_1453 = arith.select %gt3A_1449, %select_n3A_1423, %select_n3A_1447 : vector<16xi1>, vector<16xi32>
      %gt3A_1454 = arith.cmpf ogt, %max3A_1450, %min3A_1426 : vector<16xf32>
      %max3A_1455 = arith.maximumf %min3A_1426, %max3A_1450 : vector<16xf32>
      %min3A_1456 = arith.minimumf %min3A_1426, %max3A_1450 : vector<16xf32>
      %select_n3A_1457 = arith.select %gt3A_1454, %select_n3A_1452, %select_n3A_1428 : vector<16xi1>, vector<16xi32>
      %select_n3A_1458 = arith.select %gt3A_1454, %select_n3A_1428, %select_n3A_1452 : vector<16xi1>, vector<16xi32>
      %gt3A_1459 = arith.cmpf ogt, %max3A_1455, %max3A_1425 : vector<16xf32>
      %max3A_1460 = arith.maximumf %max3A_1425, %max3A_1455 : vector<16xf32>
      %min3A_1461 = arith.minimumf %max3A_1425, %max3A_1455 : vector<16xf32>
      %select_n3A_1462 = arith.select %gt3A_1459, %select_n3A_1457, %select_n3A_1427 : vector<16xi1>, vector<16xi32>
      %select_n3A_1463 = arith.select %gt3A_1459, %select_n3A_1427, %select_n3A_1457 : vector<16xi1>, vector<16xi32>
      %get3A_1464 = arith.constant 41 : i32
      %get3A_1465 = arith.index_cast %get3A_1464 : i32 to index
      %get3A_1466 = arith.index_cast %mul3A_10 : i32 to index
      %get3A_1467 = tpu.vector_load %arg5[%get3A_1465, %get3A_1466] {strides = array<i32>} : memref<64x1024xf32, #tpu.memory_space<vmem>>, vector<1x16xf32>,
      %get3A_1468 = vector.shape_cast %get3A_1467 : vector<1x16xf32> to vector<16xf32>
      %gt3A_1469 = arith.cmpf ogt, %get3A_1468, %min3A_1441 : vector<16xf32>
      %max3A_1470 = arith.maximumf %min3A_1441, %get3A_1468 : vector<16xf32>
      %broadcast_in_dim3A_1471 = arith.constant 41 : i32
      %broadcast_in_dim3A_1472 = vector.broadcast %broadcast_in_dim3A_1471 : i32 to vector<16xi32>
      %select_n3A_1473 = arith.select %gt3A_1469, %broadcast_in_dim3A_1472, %select_n3A_1443 : vector<16xi1>, vector<16xi32>
      %gt3A_1474 = arith.cmpf ogt, %max3A_1470, %min3A_1446 : vector<16xf32>
      %max3A_1475 = arith.maximumf %min3A_1446, %max3A_1470 : vector<16xf32>
      %min3A_1476 = arith.minimumf %min3A_1446, %max3A_1470 : vector<16xf32>
      %select_n3A_1477 = arith.select %gt3A_1474, %select_n3A_1473, %select_n3A_1448 : vector<16xi1>, vector<16xi32>
      %select_n3A_1478 = arith.select %gt3A_1474, %select_n3A_1448, %select_n3A_1473 : vector<16xi1>, vector<16xi32>
      %gt3A_1479 = arith.cmpf ogt, %max3A_1475, %min3A_1451 : vector<16xf32>
      %max3A_1480 = arith.maximumf %min3A_1451, %max3A_1475 : vector<16xf32>
      %min3A_1481 = arith.minimumf %min3A_1451, %max3A_1475 : vector<16xf32>
      %select_n3A_1482 = arith.select %gt3A_1479, %select_n3A_1477, %select_n3A_1453 : vector<16xi1>, vector<16xi32>
      %select_n3A_1483 = arith.select %gt3A_1479, %select_n3A_1453, %select_n3A_1477 : vector<16xi1>, vector<16xi32>
      %gt3A_1484 = arith.cmpf ogt, %max3A_1480, %min3A_1456 : vector<16xf32>
      %max3A_1485 = arith.maximumf %min3A_1456, %max3A_1480 : vector<16xf32>
      %min3A_1486 = arith.minimumf %min3A_1456, %max3A_1480 : vector<16xf32>
      %select_n3A_1487 = arith.select %gt3A_1484, %select_n3A_1482, %select_n3A_1458 : vector<16xi1>, vector<16xi32>
      %select_n3A_1488 = arith.select %gt3A_1484, %select_n3A_1458, %select_n3A_1482 : vector<16xi1>, vector<16xi32>
      %gt3A_1489 = arith.cmpf ogt, %max3A_1485, %min3A_1461 : vector<16xf32>
      %max3A_1490 = arith.maximumf %min3A_1461, %max3A_1485 : vector<16xf32>
      %min3A_1491 = arith.minimumf %min3A_1461, %max3A_1485 : vector<16xf32>
      %select_n3A_1492 = arith.select %gt3A_1489, %select_n3A_1487, %select_n3A_1463 : vector<16xi1>, vector<16xi32>
      %select_n3A_1493 = arith.select %gt3A_1489, %select_n3A_1463, %select_n3A_1487 : vector<16xi1>, vector<16xi32>
      %gt3A_1494 = arith.cmpf ogt, %max3A_1490, %max3A_1460 : vector<16xf32>
      %max3A_1495 = arith.maximumf %max3A_1460, %max3A_1490 : vector<16xf32>
      %min3A_1496 = arith.minimumf %max3A_1460, %max3A_1490 : vector<16xf32>
      %select_n3A_1497 = arith.select %gt3A_1494, %select_n3A_1492, %select_n3A_1462 : vector<16xi1>, vector<16xi32>
      %select_n3A_1498 = arith.select %gt3A_1494, %select_n3A_1462, %select_n3A_1492 : vector<16xi1>, vector<16xi32>
      %get3A_1499 = arith.constant 42 : i32
      %get3A_1500 = arith.index_cast %get3A_1499 : i32 to index
      %get3A_1501 = arith.index_cast %mul3A_10 : i32 to index
      %get3A_1502 = tpu.vector_load %arg5[%get3A_1500, %get3A_1501] {strides = array<i32>} : memref<64x1024xf32, #tpu.memory_space<vmem>>, vector<1x16xf32>,
      %get3A_1503 = vector.shape_cast %get3A_1502 : vector<1x16xf32> to vector<16xf32>
      %gt3A_1504 = arith.cmpf ogt, %get3A_1503, %min3A_1476 : vector<16xf32>
      %max3A_1505 = arith.maximumf %min3A_1476, %get3A_1503 : vector<16xf32>
      %broadcast_in_dim3A_1506 = arith.constant 42 : i32
      %broadcast_in_dim3A_1507 = vector.broadcast %broadcast_in_dim3A_1506 : i32 to vector<16xi32>
      %select_n3A_1508 = arith.select %gt3A_1504, %broadcast_in_dim3A_1507, %select_n3A_1478 : vector<16xi1>, vector<16xi32>
      %gt3A_1509 = arith.cmpf ogt, %max3A_1505, %min3A_1481 : vector<16xf32>
      %max3A_1510 = arith.maximumf %min3A_1481, %max3A_1505 : vector<16xf32>
      %min3A_1511 = arith.minimumf %min3A_1481, %max3A_1505 : vector<16xf32>
      %select_n3A_1512 = arith.select %gt3A_1509, %select_n3A_1508, %select_n3A_1483 : vector<16xi1>, vector<16xi32>
      %select_n3A_1513 = arith.select %gt3A_1509, %select_n3A_1483, %select_n3A_1508 : vector<16xi1>, vector<16xi32>
      %gt3A_1514 = arith.cmpf ogt, %max3A_1510, %min3A_1486 : vector<16xf32>
      %max3A_1515 = arith.maximumf %min3A_1486, %max3A_1510 : vector<16xf32>
      %min3A_1516 = arith.minimumf %min3A_1486, %max3A_1510 : vector<16xf32>
      %select_n3A_1517 = arith.select %gt3A_1514, %select_n3A_1512, %select_n3A_1488 : vector<16xi1>, vector<16xi32>
      %select_n3A_1518 = arith.select %gt3A_1514, %select_n3A_1488, %select_n3A_1512 : vector<16xi1>, vector<16xi32>
      %gt3A_1519 = arith.cmpf ogt, %max3A_1515, %min3A_1491 : vector<16xf32>
      %max3A_1520 = arith.maximumf %min3A_1491, %max3A_1515 : vector<16xf32>
      %min3A_1521 = arith.minimumf %min3A_1491, %max3A_1515 : vector<16xf32>
      %select_n3A_1522 = arith.select %gt3A_1519, %select_n3A_1517, %select_n3A_1493 : vector<16xi1>, vector<16xi32>
      %select_n3A_1523 = arith.select %gt3A_1519, %select_n3A_1493, %select_n3A_1517 : vector<16xi1>, vector<16xi32>
      %gt3A_1524 = arith.cmpf ogt, %max3A_1520, %min3A_1496 : vector<16xf32>
      %max3A_1525 = arith.maximumf %min3A_1496, %max3A_1520 : vector<16xf32>
      %min3A_1526 = arith.minimumf %min3A_1496, %max3A_1520 : vector<16xf32>
      %select_n3A_1527 = arith.select %gt3A_1524, %select_n3A_1522, %select_n3A_1498 : vector<16xi1>, vector<16xi32>
      %select_n3A_1528 = arith.select %gt3A_1524, %select_n3A_1498, %select_n3A_1522 : vector<16xi1>, vector<16xi32>
      %gt3A_1529 = arith.cmpf ogt, %max3A_1525, %max3A_1495 : vector<16xf32>
      %max3A_1530 = arith.maximumf %max3A_1495, %max3A_1525 : vector<16xf32>
      %min3A_1531 = arith.minimumf %max3A_1495, %max3A_1525 : vector<16xf32>
      %select_n3A_1532 = arith.select %gt3A_1529, %select_n3A_1527, %select_n3A_1497 : vector<16xi1>, vector<16xi32>
      %select_n3A_1533 = arith.select %gt3A_1529, %select_n3A_1497, %select_n3A_1527 : vector<16xi1>, vector<16xi32>
      %get3A_1534 = arith.constant 43 : i32
      %get3A_1535 = arith.index_cast %get3A_1534 : i32 to index
      %get3A_1536 = arith.index_cast %mul3A_10 : i32 to index
      %get3A_1537 = tpu.vector_load %arg5[%get3A_1535, %get3A_1536] {strides = array<i32>} : memref<64x1024xf32, #tpu.memory_space<vmem>>, vector<1x16xf32>,
      %get3A_1538 = vector.shape_cast %get3A_1537 : vector<1x16xf32> to vector<16xf32>
      %gt3A_1539 = arith.cmpf ogt, %get3A_1538, %min3A_1511 : vector<16xf32>
      %max3A_1540 = arith.maximumf %min3A_1511, %get3A_1538 : vector<16xf32>
      %broadcast_in_dim3A_1541 = arith.constant 43 : i32
      %broadcast_in_dim3A_1542 = vector.broadcast %broadcast_in_dim3A_1541 : i32 to vector<16xi32>
      %select_n3A_1543 = arith.select %gt3A_1539, %broadcast_in_dim3A_1542, %select_n3A_1513 : vector<16xi1>, vector<16xi32>
      %gt3A_1544 = arith.cmpf ogt, %max3A_1540, %min3A_1516 : vector<16xf32>
      %max3A_1545 = arith.maximumf %min3A_1516, %max3A_1540 : vector<16xf32>
      %min3A_1546 = arith.minimumf %min3A_1516, %max3A_1540 : vector<16xf32>
      %select_n3A_1547 = arith.select %gt3A_1544, %select_n3A_1543, %select_n3A_1518 : vector<16xi1>, vector<16xi32>
      %select_n3A_1548 = arith.select %gt3A_1544, %select_n3A_1518, %select_n3A_1543 : vector<16xi1>, vector<16xi32>
      %gt3A_1549 = arith.cmpf ogt, %max3A_1545, %min3A_1521 : vector<16xf32>
      %max3A_1550 = arith.maximumf %min3A_1521, %max3A_1545 : vector<16xf32>
      %min3A_1551 = arith.minimumf %min3A_1521, %max3A_1545 : vector<16xf32>
      %select_n3A_1552 = arith.select %gt3A_1549, %select_n3A_1547, %select_n3A_1523 : vector<16xi1>, vector<16xi32>
      %select_n3A_1553 = arith.select %gt3A_1549, %select_n3A_1523, %select_n3A_1547 : vector<16xi1>, vector<16xi32>
      %gt3A_1554 = arith.cmpf ogt, %max3A_1550, %min3A_1526 : vector<16xf32>
      %max3A_1555 = arith.maximumf %min3A_1526, %max3A_1550 : vector<16xf32>
      %min3A_1556 = arith.minimumf %min3A_1526, %max3A_1550 : vector<16xf32>
      %select_n3A_1557 = arith.select %gt3A_1554, %select_n3A_1552, %select_n3A_1528 : vector<16xi1>, vector<16xi32>
      %select_n3A_1558 = arith.select %gt3A_1554, %select_n3A_1528, %select_n3A_1552 : vector<16xi1>, vector<16xi32>
      %gt3A_1559 = arith.cmpf ogt, %max3A_1555, %min3A_1531 : vector<16xf32>
      %max3A_1560 = arith.maximumf %min3A_1531, %max3A_1555 : vector<16xf32>
      %min3A_1561 = arith.minimumf %min3A_1531, %max3A_1555 : vector<16xf32>
      %select_n3A_1562 = arith.select %gt3A_1559, %select_n3A_1557, %select_n3A_1533 : vector<16xi1>, vector<16xi32>
      %select_n3A_1563 = arith.select %gt3A_1559, %select_n3A_1533, %select_n3A_1557 : vector<16xi1>, vector<16xi32>
      %gt3A_1564 = arith.cmpf ogt, %max3A_1560, %max3A_1530 : vector<16xf32>
      %max3A_1565 = arith.maximumf %max3A_1530, %max3A_1560 : vector<16xf32>
      %min3A_1566 = arith.minimumf %max3A_1530, %max3A_1560 : vector<16xf32>
      %select_n3A_1567 = arith.select %gt3A_1564, %select_n3A_1562, %select_n3A_1532 : vector<16xi1>, vector<16xi32>
      %select_n3A_1568 = arith.select %gt3A_1564, %select_n3A_1532, %select_n3A_1562 : vector<16xi1>, vector<16xi32>
      %get3A_1569 = arith.constant 44 : i32
      %get3A_1570 = arith.index_cast %get3A_1569 : i32 to index
      %get3A_1571 = arith.index_cast %mul3A_10 : i32 to index
      %get3A_1572 = tpu.vector_load %arg5[%get3A_1570, %get3A_1571] {strides = array<i32>} : memref<64x1024xf32, #tpu.memory_space<vmem>>, vector<1x16xf32>,
      %get3A_1573 = vector.shape_cast %get3A_1572 : vector<1x16xf32> to vector<16xf32>
      %gt3A_1574 = arith.cmpf ogt, %get3A_1573, %min3A_1546 : vector<16xf32>
      %max3A_1575 = arith.maximumf %min3A_1546, %get3A_1573 : vector<16xf32>
      %broadcast_in_dim3A_1576 = arith.constant 44 : i32
      %broadcast_in_dim3A_1577 = vector.broadcast %broadcast_in_dim3A_1576 : i32 to vector<16xi32>
      %select_n3A_1578 = arith.select %gt3A_1574, %broadcast_in_dim3A_1577, %select_n3A_1548 : vector<16xi1>, vector<16xi32>
      %gt3A_1579 = arith.cmpf ogt, %max3A_1575, %min3A_1551 : vector<16xf32>
      %max3A_1580 = arith.maximumf %min3A_1551, %max3A_1575 : vector<16xf32>
      %min3A_1581 = arith.minimumf %min3A_1551, %max3A_1575 : vector<16xf32>
      %select_n3A_1582 = arith.select %gt3A_1579, %select_n3A_1578, %select_n3A_1553 : vector<16xi1>, vector<16xi32>
      %select_n3A_1583 = arith.select %gt3A_1579, %select_n3A_1553, %select_n3A_1578 : vector<16xi1>, vector<16xi32>
      %gt3A_1584 = arith.cmpf ogt, %max3A_1580, %min3A_1556 : vector<16xf32>
      %max3A_1585 = arith.maximumf %min3A_1556, %max3A_1580 : vector<16xf32>
      %min3A_1586 = arith.minimumf %min3A_1556, %max3A_1580 : vector<16xf32>
      %select_n3A_1587 = arith.select %gt3A_1584, %select_n3A_1582, %select_n3A_1558 : vector<16xi1>, vector<16xi32>
      %select_n3A_1588 = arith.select %gt3A_1584, %select_n3A_1558, %select_n3A_1582 : vector<16xi1>, vector<16xi32>
      %gt3A_1589 = arith.cmpf ogt, %max3A_1585, %min3A_1561 : vector<16xf32>
      %max3A_1590 = arith.maximumf %min3A_1561, %max3A_1585 : vector<16xf32>
      %min3A_1591 = arith.minimumf %min3A_1561, %max3A_1585 : vector<16xf32>
      %select_n3A_1592 = arith.select %gt3A_1589, %select_n3A_1587, %select_n3A_1563 : vector<16xi1>, vector<16xi32>
      %select_n3A_1593 = arith.select %gt3A_1589, %select_n3A_1563, %select_n3A_1587 : vector<16xi1>, vector<16xi32>
      %gt3A_1594 = arith.cmpf ogt, %max3A_1590, %min3A_1566 : vector<16xf32>
      %max3A_1595 = arith.maximumf %min3A_1566, %max3A_1590 : vector<16xf32>
      %min3A_1596 = arith.minimumf %min3A_1566, %max3A_1590 : vector<16xf32>
      %select_n3A_1597 = arith.select %gt3A_1594, %select_n3A_1592, %select_n3A_1568 : vector<16xi1>, vector<16xi32>
      %select_n3A_1598 = arith.select %gt3A_1594, %select_n3A_1568, %select_n3A_1592 : vector<16xi1>, vector<16xi32>
      %gt3A_1599 = arith.cmpf ogt, %max3A_1595, %max3A_1565 : vector<16xf32>
      %max3A_1600 = arith.maximumf %max3A_1565, %max3A_1595 : vector<16xf32>
      %min3A_1601 = arith.minimumf %max3A_1565, %max3A_1595 : vector<16xf32>
      %select_n3A_1602 = arith.select %gt3A_1599, %select_n3A_1597, %select_n3A_1567 : vector<16xi1>, vector<16xi32>
      %select_n3A_1603 = arith.select %gt3A_1599, %select_n3A_1567, %select_n3A_1597 : vector<16xi1>, vector<16xi32>
      %get3A_1604 = arith.constant 45 : i32
      %get3A_1605 = arith.index_cast %get3A_1604 : i32 to index
      %get3A_1606 = arith.index_cast %mul3A_10 : i32 to index
      %get3A_1607 = tpu.vector_load %arg5[%get3A_1605, %get3A_1606] {strides = array<i32>} : memref<64x1024xf32, #tpu.memory_space<vmem>>, vector<1x16xf32>,
      %get3A_1608 = vector.shape_cast %get3A_1607 : vector<1x16xf32> to vector<16xf32>
      %gt3A_1609 = arith.cmpf ogt, %get3A_1608, %min3A_1581 : vector<16xf32>
      %max3A_1610 = arith.maximumf %min3A_1581, %get3A_1608 : vector<16xf32>
      %broadcast_in_dim3A_1611 = arith.constant 45 : i32
      %broadcast_in_dim3A_1612 = vector.broadcast %broadcast_in_dim3A_1611 : i32 to vector<16xi32>
      %select_n3A_1613 = arith.select %gt3A_1609, %broadcast_in_dim3A_1612, %select_n3A_1583 : vector<16xi1>, vector<16xi32>
      %gt3A_1614 = arith.cmpf ogt, %max3A_1610, %min3A_1586 : vector<16xf32>
      %max3A_1615 = arith.maximumf %min3A_1586, %max3A_1610 : vector<16xf32>
      %min3A_1616 = arith.minimumf %min3A_1586, %max3A_1610 : vector<16xf32>
      %select_n3A_1617 = arith.select %gt3A_1614, %select_n3A_1613, %select_n3A_1588 : vector<16xi1>, vector<16xi32>
      %select_n3A_1618 = arith.select %gt3A_1614, %select_n3A_1588, %select_n3A_1613 : vector<16xi1>, vector<16xi32>
      %gt3A_1619 = arith.cmpf ogt, %max3A_1615, %min3A_1591 : vector<16xf32>
      %max3A_1620 = arith.maximumf %min3A_1591, %max3A_1615 : vector<16xf32>
      %min3A_1621 = arith.minimumf %min3A_1591, %max3A_1615 : vector<16xf32>
      %select_n3A_1622 = arith.select %gt3A_1619, %select_n3A_1617, %select_n3A_1593 : vector<16xi1>, vector<16xi32>
      %select_n3A_1623 = arith.select %gt3A_1619, %select_n3A_1593, %select_n3A_1617 : vector<16xi1>, vector<16xi32>
      %gt3A_1624 = arith.cmpf ogt, %max3A_1620, %min3A_1596 : vector<16xf32>
      %max3A_1625 = arith.maximumf %min3A_1596, %max3A_1620 : vector<16xf32>
      %min3A_1626 = arith.minimumf %min3A_1596, %max3A_1620 : vector<16xf32>
      %select_n3A_1627 = arith.select %gt3A_1624, %select_n3A_1622, %select_n3A_1598 : vector<16xi1>, vector<16xi32>
      %select_n3A_1628 = arith.select %gt3A_1624, %select_n3A_1598, %select_n3A_1622 : vector<16xi1>, vector<16xi32>
      %gt3A_1629 = arith.cmpf ogt, %max3A_1625, %min3A_1601 : vector<16xf32>
      %max3A_1630 = arith.maximumf %min3A_1601, %max3A_1625 : vector<16xf32>
      %min3A_1631 = arith.minimumf %min3A_1601, %max3A_1625 : vector<16xf32>
      %select_n3A_1632 = arith.select %gt3A_1629, %select_n3A_1627, %select_n3A_1603 : vector<16xi1>, vector<16xi32>
      %select_n3A_1633 = arith.select %gt3A_1629, %select_n3A_1603, %select_n3A_1627 : vector<16xi1>, vector<16xi32>
      %gt3A_1634 = arith.cmpf ogt, %max3A_1630, %max3A_1600 : vector<16xf32>
      %max3A_1635 = arith.maximumf %max3A_1600, %max3A_1630 : vector<16xf32>
      %min3A_1636 = arith.minimumf %max3A_1600, %max3A_1630 : vector<16xf32>
      %select_n3A_1637 = arith.select %gt3A_1634, %select_n3A_1632, %select_n3A_1602 : vector<16xi1>, vector<16xi32>
      %select_n3A_1638 = arith.select %gt3A_1634, %select_n3A_1602, %select_n3A_1632 : vector<16xi1>, vector<16xi32>
      %get3A_1639 = arith.constant 46 : i32
      %get3A_1640 = arith.index_cast %get3A_1639 : i32 to index
      %get3A_1641 = arith.index_cast %mul3A_10 : i32 to index
      %get3A_1642 = tpu.vector_load %arg5[%get3A_1640, %get3A_1641] {strides = array<i32>} : memref<64x1024xf32, #tpu.memory_space<vmem>>, vector<1x16xf32>,
      %get3A_1643 = vector.shape_cast %get3A_1642 : vector<1x16xf32> to vector<16xf32>
      %gt3A_1644 = arith.cmpf ogt, %get3A_1643, %min3A_1616 : vector<16xf32>
      %max3A_1645 = arith.maximumf %min3A_1616, %get3A_1643 : vector<16xf32>
      %broadcast_in_dim3A_1646 = arith.constant 46 : i32
      %broadcast_in_dim3A_1647 = vector.broadcast %broadcast_in_dim3A_1646 : i32 to vector<16xi32>
      %select_n3A_1648 = arith.select %gt3A_1644, %broadcast_in_dim3A_1647, %select_n3A_1618 : vector<16xi1>, vector<16xi32>
      %gt3A_1649 = arith.cmpf ogt, %max3A_1645, %min3A_1621 : vector<16xf32>
      %max3A_1650 = arith.maximumf %min3A_1621, %max3A_1645 : vector<16xf32>
      %min3A_1651 = arith.minimumf %min3A_1621, %max3A_1645 : vector<16xf32>
      %select_n3A_1652 = arith.select %gt3A_1649, %select_n3A_1648, %select_n3A_1623 : vector<16xi1>, vector<16xi32>
      %select_n3A_1653 = arith.select %gt3A_1649, %select_n3A_1623, %select_n3A_1648 : vector<16xi1>, vector<16xi32>
      %gt3A_1654 = arith.cmpf ogt, %max3A_1650, %min3A_1626 : vector<16xf32>
      %max3A_1655 = arith.maximumf %min3A_1626, %max3A_1650 : vector<16xf32>
      %min3A_1656 = arith.minimumf %min3A_1626, %max3A_1650 : vector<16xf32>
      %select_n3A_1657 = arith.select %gt3A_1654, %select_n3A_1652, %select_n3A_1628 : vector<16xi1>, vector<16xi32>
      %select_n3A_1658 = arith.select %gt3A_1654, %select_n3A_1628, %select_n3A_1652 : vector<16xi1>, vector<16xi32>
      %gt3A_1659 = arith.cmpf ogt, %max3A_1655, %min3A_1631 : vector<16xf32>
      %max3A_1660 = arith.maximumf %min3A_1631, %max3A_1655 : vector<16xf32>
      %min3A_1661 = arith.minimumf %min3A_1631, %max3A_1655 : vector<16xf32>
      %select_n3A_1662 = arith.select %gt3A_1659, %select_n3A_1657, %select_n3A_1633 : vector<16xi1>, vector<16xi32>
      %select_n3A_1663 = arith.select %gt3A_1659, %select_n3A_1633, %select_n3A_1657 : vector<16xi1>, vector<16xi32>
      %gt3A_1664 = arith.cmpf ogt, %max3A_1660, %min3A_1636 : vector<16xf32>
      %max3A_1665 = arith.maximumf %min3A_1636, %max3A_1660 : vector<16xf32>
      %min3A_1666 = arith.minimumf %min3A_1636, %max3A_1660 : vector<16xf32>
      %select_n3A_1667 = arith.select %gt3A_1664, %select_n3A_1662, %select_n3A_1638 : vector<16xi1>, vector<16xi32>
      %select_n3A_1668 = arith.select %gt3A_1664, %select_n3A_1638, %select_n3A_1662 : vector<16xi1>, vector<16xi32>
      %gt3A_1669 = arith.cmpf ogt, %max3A_1665, %max3A_1635 : vector<16xf32>
      %max3A_1670 = arith.maximumf %max3A_1635, %max3A_1665 : vector<16xf32>
      %min3A_1671 = arith.minimumf %max3A_1635, %max3A_1665 : vector<16xf32>
      %select_n3A_1672 = arith.select %gt3A_1669, %select_n3A_1667, %select_n3A_1637 : vector<16xi1>, vector<16xi32>
      %select_n3A_1673 = arith.select %gt3A_1669, %select_n3A_1637, %select_n3A_1667 : vector<16xi1>, vector<16xi32>
      %get3A_1674 = arith.constant 47 : i32
      %get3A_1675 = arith.index_cast %get3A_1674 : i32 to index
      %get3A_1676 = arith.index_cast %mul3A_10 : i32 to index
      %get3A_1677 = tpu.vector_load %arg5[%get3A_1675, %get3A_1676] {strides = array<i32>} : memref<64x1024xf32, #tpu.memory_space<vmem>>, vector<1x16xf32>,
      %get3A_1678 = vector.shape_cast %get3A_1677 : vector<1x16xf32> to vector<16xf32>
      %gt3A_1679 = arith.cmpf ogt, %get3A_1678, %min3A_1651 : vector<16xf32>
      %max3A_1680 = arith.maximumf %min3A_1651, %get3A_1678 : vector<16xf32>
      %broadcast_in_dim3A_1681 = arith.constant 47 : i32
      %broadcast_in_dim3A_1682 = vector.broadcast %broadcast_in_dim3A_1681 : i32 to vector<16xi32>
      %select_n3A_1683 = arith.select %gt3A_1679, %broadcast_in_dim3A_1682, %select_n3A_1653 : vector<16xi1>, vector<16xi32>
      %gt3A_1684 = arith.cmpf ogt, %max3A_1680, %min3A_1656 : vector<16xf32>
      %max3A_1685 = arith.maximumf %min3A_1656, %max3A_1680 : vector<16xf32>
      %min3A_1686 = arith.minimumf %min3A_1656, %max3A_1680 : vector<16xf32>
      %select_n3A_1687 = arith.select %gt3A_1684, %select_n3A_1683, %select_n3A_1658 : vector<16xi1>, vector<16xi32>
      %select_n3A_1688 = arith.select %gt3A_1684, %select_n3A_1658, %select_n3A_1683 : vector<16xi1>, vector<16xi32>
      %gt3A_1689 = arith.cmpf ogt, %max3A_1685, %min3A_1661 : vector<16xf32>
      %max3A_1690 = arith.maximumf %min3A_1661, %max3A_1685 : vector<16xf32>
      %min3A_1691 = arith.minimumf %min3A_1661, %max3A_1685 : vector<16xf32>
      %select_n3A_1692 = arith.select %gt3A_1689, %select_n3A_1687, %select_n3A_1663 : vector<16xi1>, vector<16xi32>
      %select_n3A_1693 = arith.select %gt3A_1689, %select_n3A_1663, %select_n3A_1687 : vector<16xi1>, vector<16xi32>
      %gt3A_1694 = arith.cmpf ogt, %max3A_1690, %min3A_1666 : vector<16xf32>
      %max3A_1695 = arith.maximumf %min3A_1666, %max3A_1690 : vector<16xf32>
      %min3A_1696 = arith.minimumf %min3A_1666, %max3A_1690 : vector<16xf32>
      %select_n3A_1697 = arith.select %gt3A_1694, %select_n3A_1692, %select_n3A_1668 : vector<16xi1>, vector<16xi32>
      %select_n3A_1698 = arith.select %gt3A_1694, %select_n3A_1668, %select_n3A_1692 : vector<16xi1>, vector<16xi32>
      %gt3A_1699 = arith.cmpf ogt, %max3A_1695, %min3A_1671 : vector<16xf32>
      %max3A_1700 = arith.maximumf %min3A_1671, %max3A_1695 : vector<16xf32>
      %min3A_1701 = arith.minimumf %min3A_1671, %max3A_1695 : vector<16xf32>
      %select_n3A_1702 = arith.select %gt3A_1699, %select_n3A_1697, %select_n3A_1673 : vector<16xi1>, vector<16xi32>
      %select_n3A_1703 = arith.select %gt3A_1699, %select_n3A_1673, %select_n3A_1697 : vector<16xi1>, vector<16xi32>
      %gt3A_1704 = arith.cmpf ogt, %max3A_1700, %max3A_1670 : vector<16xf32>
      %max3A_1705 = arith.maximumf %max3A_1670, %max3A_1700 : vector<16xf32>
      %min3A_1706 = arith.minimumf %max3A_1670, %max3A_1700 : vector<16xf32>
      %select_n3A_1707 = arith.select %gt3A_1704, %select_n3A_1702, %select_n3A_1672 : vector<16xi1>, vector<16xi32>
      %select_n3A_1708 = arith.select %gt3A_1704, %select_n3A_1672, %select_n3A_1702 : vector<16xi1>, vector<16xi32>
      %get3A_1709 = arith.constant 48 : i32
      %get3A_1710 = arith.index_cast %get3A_1709 : i32 to index
      %get3A_1711 = arith.index_cast %mul3A_10 : i32 to index
      %get3A_1712 = tpu.vector_load %arg5[%get3A_1710, %get3A_1711] {strides = array<i32>} : memref<64x1024xf32, #tpu.memory_space<vmem>>, vector<1x16xf32>,
      %get3A_1713 = vector.shape_cast %get3A_1712 : vector<1x16xf32> to vector<16xf32>
      %gt3A_1714 = arith.cmpf ogt, %get3A_1713, %min3A_1686 : vector<16xf32>
      %max3A_1715 = arith.maximumf %min3A_1686, %get3A_1713 : vector<16xf32>
      %broadcast_in_dim3A_1716 = arith.constant 48 : i32
      %broadcast_in_dim3A_1717 = vector.broadcast %broadcast_in_dim3A_1716 : i32 to vector<16xi32>
      %select_n3A_1718 = arith.select %gt3A_1714, %broadcast_in_dim3A_1717, %select_n3A_1688 : vector<16xi1>, vector<16xi32>
      %gt3A_1719 = arith.cmpf ogt, %max3A_1715, %min3A_1691 : vector<16xf32>
      %max3A_1720 = arith.maximumf %min3A_1691, %max3A_1715 : vector<16xf32>
      %min3A_1721 = arith.minimumf %min3A_1691, %max3A_1715 : vector<16xf32>
      %select_n3A_1722 = arith.select %gt3A_1719, %select_n3A_1718, %select_n3A_1693 : vector<16xi1>, vector<16xi32>
      %select_n3A_1723 = arith.select %gt3A_1719, %select_n3A_1693, %select_n3A_1718 : vector<16xi1>, vector<16xi32>
      %gt3A_1724 = arith.cmpf ogt, %max3A_1720, %min3A_1696 : vector<16xf32>
      %max3A_1725 = arith.maximumf %min3A_1696, %max3A_1720 : vector<16xf32>
      %min3A_1726 = arith.minimumf %min3A_1696, %max3A_1720 : vector<16xf32>
      %select_n3A_1727 = arith.select %gt3A_1724, %select_n3A_1722, %select_n3A_1698 : vector<16xi1>, vector<16xi32>
      %select_n3A_1728 = arith.select %gt3A_1724, %select_n3A_1698, %select_n3A_1722 : vector<16xi1>, vector<16xi32>
      %gt3A_1729 = arith.cmpf ogt, %max3A_1725, %min3A_1701 : vector<16xf32>
      %max3A_1730 = arith.maximumf %min3A_1701, %max3A_1725 : vector<16xf32>
      %min3A_1731 = arith.minimumf %min3A_1701, %max3A_1725 : vector<16xf32>
      %select_n3A_1732 = arith.select %gt3A_1729, %select_n3A_1727, %select_n3A_1703 : vector<16xi1>, vector<16xi32>
      %select_n3A_1733 = arith.select %gt3A_1729, %select_n3A_1703, %select_n3A_1727 : vector<16xi1>, vector<16xi32>
      %gt3A_1734 = arith.cmpf ogt, %max3A_1730, %min3A_1706 : vector<16xf32>
      %max3A_1735 = arith.maximumf %min3A_1706, %max3A_1730 : vector<16xf32>
      %min3A_1736 = arith.minimumf %min3A_1706, %max3A_1730 : vector<16xf32>
      %select_n3A_1737 = arith.select %gt3A_1734, %select_n3A_1732, %select_n3A_1708 : vector<16xi1>, vector<16xi32>
      %select_n3A_1738 = arith.select %gt3A_1734, %select_n3A_1708, %select_n3A_1732 : vector<16xi1>, vector<16xi32>
      %gt3A_1739 = arith.cmpf ogt, %max3A_1735, %max3A_1705 : vector<16xf32>
      %max3A_1740 = arith.maximumf %max3A_1705, %max3A_1735 : vector<16xf32>
      %min3A_1741 = arith.minimumf %max3A_1705, %max3A_1735 : vector<16xf32>
      %select_n3A_1742 = arith.select %gt3A_1739, %select_n3A_1737, %select_n3A_1707 : vector<16xi1>, vector<16xi32>
      %select_n3A_1743 = arith.select %gt3A_1739, %select_n3A_1707, %select_n3A_1737 : vector<16xi1>, vector<16xi32>
      %get3A_1744 = arith.constant 49 : i32
      %get3A_1745 = arith.index_cast %get3A_1744 : i32 to index
      %get3A_1746 = arith.index_cast %mul3A_10 : i32 to index
      %get3A_1747 = tpu.vector_load %arg5[%get3A_1745, %get3A_1746] {strides = array<i32>} : memref<64x1024xf32, #tpu.memory_space<vmem>>, vector<1x16xf32>,
      %get3A_1748 = vector.shape_cast %get3A_1747 : vector<1x16xf32> to vector<16xf32>
      %gt3A_1749 = arith.cmpf ogt, %get3A_1748, %min3A_1721 : vector<16xf32>
      %max3A_1750 = arith.maximumf %min3A_1721, %get3A_1748 : vector<16xf32>
      %broadcast_in_dim3A_1751 = arith.constant 49 : i32
      %broadcast_in_dim3A_1752 = vector.broadcast %broadcast_in_dim3A_1751 : i32 to vector<16xi32>
      %select_n3A_1753 = arith.select %gt3A_1749, %broadcast_in_dim3A_1752, %select_n3A_1723 : vector<16xi1>, vector<16xi32>
      %gt3A_1754 = arith.cmpf ogt, %max3A_1750, %min3A_1726 : vector<16xf32>
      %max3A_1755 = arith.maximumf %min3A_1726, %max3A_1750 : vector<16xf32>
      %min3A_1756 = arith.minimumf %min3A_1726, %max3A_1750 : vector<16xf32>
      %select_n3A_1757 = arith.select %gt3A_1754, %select_n3A_1753, %select_n3A_1728 : vector<16xi1>, vector<16xi32>
      %select_n3A_1758 = arith.select %gt3A_1754, %select_n3A_1728, %select_n3A_1753 : vector<16xi1>, vector<16xi32>
      %gt3A_1759 = arith.cmpf ogt, %max3A_1755, %min3A_1731 : vector<16xf32>
      %max3A_1760 = arith.maximumf %min3A_1731, %max3A_1755 : vector<16xf32>
      %min3A_1761 = arith.minimumf %min3A_1731, %max3A_1755 : vector<16xf32>
      %select_n3A_1762 = arith.select %gt3A_1759, %select_n3A_1757, %select_n3A_1733 : vector<16xi1>, vector<16xi32>
      %select_n3A_1763 = arith.select %gt3A_1759, %select_n3A_1733, %select_n3A_1757 : vector<16xi1>, vector<16xi32>
      %gt3A_1764 = arith.cmpf ogt, %max3A_1760, %min3A_1736 : vector<16xf32>
      %max3A_1765 = arith.maximumf %min3A_1736, %max3A_1760 : vector<16xf32>
      %min3A_1766 = arith.minimumf %min3A_1736, %max3A_1760 : vector<16xf32>
      %select_n3A_1767 = arith.select %gt3A_1764, %select_n3A_1762, %select_n3A_1738 : vector<16xi1>, vector<16xi32>
      %select_n3A_1768 = arith.select %gt3A_1764, %select_n3A_1738, %select_n3A_1762 : vector<16xi1>, vector<16xi32>
      %gt3A_1769 = arith.cmpf ogt, %max3A_1765, %min3A_1741 : vector<16xf32>
      %max3A_1770 = arith.maximumf %min3A_1741, %max3A_1765 : vector<16xf32>
      %min3A_1771 = arith.minimumf %min3A_1741, %max3A_1765 : vector<16xf32>
      %select_n3A_1772 = arith.select %gt3A_1769, %select_n3A_1767, %select_n3A_1743 : vector<16xi1>, vector<16xi32>
      %select_n3A_1773 = arith.select %gt3A_1769, %select_n3A_1743, %select_n3A_1767 : vector<16xi1>, vector<16xi32>
      %gt3A_1774 = arith.cmpf ogt, %max3A_1770, %max3A_1740 : vector<16xf32>
      %max3A_1775 = arith.maximumf %max3A_1740, %max3A_1770 : vector<16xf32>
      %min3A_1776 = arith.minimumf %max3A_1740, %max3A_1770 : vector<16xf32>
      %select_n3A_1777 = arith.select %gt3A_1774, %select_n3A_1772, %select_n3A_1742 : vector<16xi1>, vector<16xi32>
      %select_n3A_1778 = arith.select %gt3A_1774, %select_n3A_1742, %select_n3A_1772 : vector<16xi1>, vector<16xi32>
      %get3A_1779 = arith.constant 50 : i32
      %get3A_1780 = arith.index_cast %get3A_1779 : i32 to index
      %get3A_1781 = arith.index_cast %mul3A_10 : i32 to index
      %get3A_1782 = tpu.vector_load %arg5[%get3A_1780, %get3A_1781] {strides = array<i32>} : memref<64x1024xf32, #tpu.memory_space<vmem>>, vector<1x16xf32>,
      %get3A_1783 = vector.shape_cast %get3A_1782 : vector<1x16xf32> to vector<16xf32>
      %gt3A_1784 = arith.cmpf ogt, %get3A_1783, %min3A_1756 : vector<16xf32>
      %max3A_1785 = arith.maximumf %min3A_1756, %get3A_1783 : vector<16xf32>
      %broadcast_in_dim3A_1786 = arith.constant 50 : i32
      %broadcast_in_dim3A_1787 = vector.broadcast %broadcast_in_dim3A_1786 : i32 to vector<16xi32>
      %select_n3A_1788 = arith.select %gt3A_1784, %broadcast_in_dim3A_1787, %select_n3A_1758 : vector<16xi1>, vector<16xi32>
      %gt3A_1789 = arith.cmpf ogt, %max3A_1785, %min3A_1761 : vector<16xf32>
      %max3A_1790 = arith.maximumf %min3A_1761, %max3A_1785 : vector<16xf32>
      %min3A_1791 = arith.minimumf %min3A_1761, %max3A_1785 : vector<16xf32>
      %select_n3A_1792 = arith.select %gt3A_1789, %select_n3A_1788, %select_n3A_1763 : vector<16xi1>, vector<16xi32>
      %select_n3A_1793 = arith.select %gt3A_1789, %select_n3A_1763, %select_n3A_1788 : vector<16xi1>, vector<16xi32>
      %gt3A_1794 = arith.cmpf ogt, %max3A_1790, %min3A_1766 : vector<16xf32>
      %max3A_1795 = arith.maximumf %min3A_1766, %max3A_1790 : vector<16xf32>
      %min3A_1796 = arith.minimumf %min3A_1766, %max3A_1790 : vector<16xf32>
      %select_n3A_1797 = arith.select %gt3A_1794, %select_n3A_1792, %select_n3A_1768 : vector<16xi1>, vector<16xi32>
      %select_n3A_1798 = arith.select %gt3A_1794, %select_n3A_1768, %select_n3A_1792 : vector<16xi1>, vector<16xi32>
      %gt3A_1799 = arith.cmpf ogt, %max3A_1795, %min3A_1771 : vector<16xf32>
      %max3A_1800 = arith.maximumf %min3A_1771, %max3A_1795 : vector<16xf32>
      %min3A_1801 = arith.minimumf %min3A_1771, %max3A_1795 : vector<16xf32>
      %select_n3A_1802 = arith.select %gt3A_1799, %select_n3A_1797, %select_n3A_1773 : vector<16xi1>, vector<16xi32>
      %select_n3A_1803 = arith.select %gt3A_1799, %select_n3A_1773, %select_n3A_1797 : vector<16xi1>, vector<16xi32>
      %gt3A_1804 = arith.cmpf ogt, %max3A_1800, %min3A_1776 : vector<16xf32>
      %max3A_1805 = arith.maximumf %min3A_1776, %max3A_1800 : vector<16xf32>
      %min3A_1806 = arith.minimumf %min3A_1776, %max3A_1800 : vector<16xf32>
      %select_n3A_1807 = arith.select %gt3A_1804, %select_n3A_1802, %select_n3A_1778 : vector<16xi1>, vector<16xi32>
      %select_n3A_1808 = arith.select %gt3A_1804, %select_n3A_1778, %select_n3A_1802 : vector<16xi1>, vector<16xi32>
      %gt3A_1809 = arith.cmpf ogt, %max3A_1805, %max3A_1775 : vector<16xf32>
      %max3A_1810 = arith.maximumf %max3A_1775, %max3A_1805 : vector<16xf32>
      %min3A_1811 = arith.minimumf %max3A_1775, %max3A_1805 : vector<16xf32>
      %select_n3A_1812 = arith.select %gt3A_1809, %select_n3A_1807, %select_n3A_1777 : vector<16xi1>, vector<16xi32>
      %select_n3A_1813 = arith.select %gt3A_1809, %select_n3A_1777, %select_n3A_1807 : vector<16xi1>, vector<16xi32>
      %get3A_1814 = arith.constant 51 : i32
      %get3A_1815 = arith.index_cast %get3A_1814 : i32 to index
      %get3A_1816 = arith.index_cast %mul3A_10 : i32 to index
      %get3A_1817 = tpu.vector_load %arg5[%get3A_1815, %get3A_1816] {strides = array<i32>} : memref<64x1024xf32, #tpu.memory_space<vmem>>, vector<1x16xf32>,
      %get3A_1818 = vector.shape_cast %get3A_1817 : vector<1x16xf32> to vector<16xf32>
      %gt3A_1819 = arith.cmpf ogt, %get3A_1818, %min3A_1791 : vector<16xf32>
      %max3A_1820 = arith.maximumf %min3A_1791, %get3A_1818 : vector<16xf32>
      %broadcast_in_dim3A_1821 = arith.constant 51 : i32
      %broadcast_in_dim3A_1822 = vector.broadcast %broadcast_in_dim3A_1821 : i32 to vector<16xi32>
      %select_n3A_1823 = arith.select %gt3A_1819, %broadcast_in_dim3A_1822, %select_n3A_1793 : vector<16xi1>, vector<16xi32>
      %gt3A_1824 = arith.cmpf ogt, %max3A_1820, %min3A_1796 : vector<16xf32>
      %max3A_1825 = arith.maximumf %min3A_1796, %max3A_1820 : vector<16xf32>
      %min3A_1826 = arith.minimumf %min3A_1796, %max3A_1820 : vector<16xf32>
      %select_n3A_1827 = arith.select %gt3A_1824, %select_n3A_1823, %select_n3A_1798 : vector<16xi1>, vector<16xi32>
      %select_n3A_1828 = arith.select %gt3A_1824, %select_n3A_1798, %select_n3A_1823 : vector<16xi1>, vector<16xi32>
      %gt3A_1829 = arith.cmpf ogt, %max3A_1825, %min3A_1801 : vector<16xf32>
      %max3A_1830 = arith.maximumf %min3A_1801, %max3A_1825 : vector<16xf32>
      %min3A_1831 = arith.minimumf %min3A_1801, %max3A_1825 : vector<16xf32>
      %select_n3A_1832 = arith.select %gt3A_1829, %select_n3A_1827, %select_n3A_1803 : vector<16xi1>, vector<16xi32>
      %select_n3A_1833 = arith.select %gt3A_1829, %select_n3A_1803, %select_n3A_1827 : vector<16xi1>, vector<16xi32>
      %gt3A_1834 = arith.cmpf ogt, %max3A_1830, %min3A_1806 : vector<16xf32>
      %max3A_1835 = arith.maximumf %min3A_1806, %max3A_1830 : vector<16xf32>
      %min3A_1836 = arith.minimumf %min3A_1806, %max3A_1830 : vector<16xf32>
      %select_n3A_1837 = arith.select %gt3A_1834, %select_n3A_1832, %select_n3A_1808 : vector<16xi1>, vector<16xi32>
      %select_n3A_1838 = arith.select %gt3A_1834, %select_n3A_1808, %select_n3A_1832 : vector<16xi1>, vector<16xi32>
      %gt3A_1839 = arith.cmpf ogt, %max3A_1835, %min3A_1811 : vector<16xf32>
      %max3A_1840 = arith.maximumf %min3A_1811, %max3A_1835 : vector<16xf32>
      %min3A_1841 = arith.minimumf %min3A_1811, %max3A_1835 : vector<16xf32>
      %select_n3A_1842 = arith.select %gt3A_1839, %select_n3A_1837, %select_n3A_1813 : vector<16xi1>, vector<16xi32>
      %select_n3A_1843 = arith.select %gt3A_1839, %select_n3A_1813, %select_n3A_1837 : vector<16xi1>, vector<16xi32>
      %gt3A_1844 = arith.cmpf ogt, %max3A_1840, %max3A_1810 : vector<16xf32>
      %max3A_1845 = arith.maximumf %max3A_1810, %max3A_1840 : vector<16xf32>
      %min3A_1846 = arith.minimumf %max3A_1810, %max3A_1840 : vector<16xf32>
      %select_n3A_1847 = arith.select %gt3A_1844, %select_n3A_1842, %select_n3A_1812 : vector<16xi1>, vector<16xi32>
      %select_n3A_1848 = arith.select %gt3A_1844, %select_n3A_1812, %select_n3A_1842 : vector<16xi1>, vector<16xi32>
      %get3A_1849 = arith.constant 52 : i32
      %get3A_1850 = arith.index_cast %get3A_1849 : i32 to index
      %get3A_1851 = arith.index_cast %mul3A_10 : i32 to index
      %get3A_1852 = tpu.vector_load %arg5[%get3A_1850, %get3A_1851] {strides = array<i32>} : memref<64x1024xf32, #tpu.memory_space<vmem>>, vector<1x16xf32>,
      %get3A_1853 = vector.shape_cast %get3A_1852 : vector<1x16xf32> to vector<16xf32>
      %gt3A_1854 = arith.cmpf ogt, %get3A_1853, %min3A_1826 : vector<16xf32>
      %max3A_1855 = arith.maximumf %min3A_1826, %get3A_1853 : vector<16xf32>
      %broadcast_in_dim3A_1856 = arith.constant 52 : i32
      %broadcast_in_dim3A_1857 = vector.broadcast %broadcast_in_dim3A_1856 : i32 to vector<16xi32>
      %select_n3A_1858 = arith.select %gt3A_1854, %broadcast_in_dim3A_1857, %select_n3A_1828 : vector<16xi1>, vector<16xi32>
      %gt3A_1859 = arith.cmpf ogt, %max3A_1855, %min3A_1831 : vector<16xf32>
      %max3A_1860 = arith.maximumf %min3A_1831, %max3A_1855 : vector<16xf32>
      %min3A_1861 = arith.minimumf %min3A_1831, %max3A_1855 : vector<16xf32>
      %select_n3A_1862 = arith.select %gt3A_1859, %select_n3A_1858, %select_n3A_1833 : vector<16xi1>, vector<16xi32>
      %select_n3A_1863 = arith.select %gt3A_1859, %select_n3A_1833, %select_n3A_1858 : vector<16xi1>, vector<16xi32>
      %gt3A_1864 = arith.cmpf ogt, %max3A_1860, %min3A_1836 : vector<16xf32>
      %max3A_1865 = arith.maximumf %min3A_1836, %max3A_1860 : vector<16xf32>
      %min3A_1866 = arith.minimumf %min3A_1836, %max3A_1860 : vector<16xf32>
      %select_n3A_1867 = arith.select %gt3A_1864, %select_n3A_1862, %select_n3A_1838 : vector<16xi1>, vector<16xi32>
      %select_n3A_1868 = arith.select %gt3A_1864, %select_n3A_1838, %select_n3A_1862 : vector<16xi1>, vector<16xi32>
      %gt3A_1869 = arith.cmpf ogt, %max3A_1865, %min3A_1841 : vector<16xf32>
      %max3A_1870 = arith.maximumf %min3A_1841, %max3A_1865 : vector<16xf32>
      %min3A_1871 = arith.minimumf %min3A_1841, %max3A_1865 : vector<16xf32>
      %select_n3A_1872 = arith.select %gt3A_1869, %select_n3A_1867, %select_n3A_1843 : vector<16xi1>, vector<16xi32>
      %select_n3A_1873 = arith.select %gt3A_1869, %select_n3A_1843, %select_n3A_1867 : vector<16xi1>, vector<16xi32>
      %gt3A_1874 = arith.cmpf ogt, %max3A_1870, %min3A_1846 : vector<16xf32>
      %max3A_1875 = arith.maximumf %min3A_1846, %max3A_1870 : vector<16xf32>
      %min3A_1876 = arith.minimumf %min3A_1846, %max3A_1870 : vector<16xf32>
      %select_n3A_1877 = arith.select %gt3A_1874, %select_n3A_1872, %select_n3A_1848 : vector<16xi1>, vector<16xi32>
      %select_n3A_1878 = arith.select %gt3A_1874, %select_n3A_1848, %select_n3A_1872 : vector<16xi1>, vector<16xi32>
      %gt3A_1879 = arith.cmpf ogt, %max3A_1875, %max3A_1845 : vector<16xf32>
      %max3A_1880 = arith.maximumf %max3A_1845, %max3A_1875 : vector<16xf32>
      %min3A_1881 = arith.minimumf %max3A_1845, %max3A_1875 : vector<16xf32>
      %select_n3A_1882 = arith.select %gt3A_1879, %select_n3A_1877, %select_n3A_1847 : vector<16xi1>, vector<16xi32>
      %select_n3A_1883 = arith.select %gt3A_1879, %select_n3A_1847, %select_n3A_1877 : vector<16xi1>, vector<16xi32>
      %get3A_1884 = arith.constant 53 : i32
      %get3A_1885 = arith.index_cast %get3A_1884 : i32 to index
      %get3A_1886 = arith.index_cast %mul3A_10 : i32 to index
      %get3A_1887 = tpu.vector_load %arg5[%get3A_1885, %get3A_1886] {strides = array<i32>} : memref<64x1024xf32, #tpu.memory_space<vmem>>, vector<1x16xf32>,
      %get3A_1888 = vector.shape_cast %get3A_1887 : vector<1x16xf32> to vector<16xf32>
      %gt3A_1889 = arith.cmpf ogt, %get3A_1888, %min3A_1861 : vector<16xf32>
      %max3A_1890 = arith.maximumf %min3A_1861, %get3A_1888 : vector<16xf32>
      %broadcast_in_dim3A_1891 = arith.constant 53 : i32
      %broadcast_in_dim3A_1892 = vector.broadcast %broadcast_in_dim3A_1891 : i32 to vector<16xi32>
      %select_n3A_1893 = arith.select %gt3A_1889, %broadcast_in_dim3A_1892, %select_n3A_1863 : vector<16xi1>, vector<16xi32>
      %gt3A_1894 = arith.cmpf ogt, %max3A_1890, %min3A_1866 : vector<16xf32>
      %max3A_1895 = arith.maximumf %min3A_1866, %max3A_1890 : vector<16xf32>
      %min3A_1896 = arith.minimumf %min3A_1866, %max3A_1890 : vector<16xf32>
      %select_n3A_1897 = arith.select %gt3A_1894, %select_n3A_1893, %select_n3A_1868 : vector<16xi1>, vector<16xi32>
      %select_n3A_1898 = arith.select %gt3A_1894, %select_n3A_1868, %select_n3A_1893 : vector<16xi1>, vector<16xi32>
      %gt3A_1899 = arith.cmpf ogt, %max3A_1895, %min3A_1871 : vector<16xf32>
      %max3A_1900 = arith.maximumf %min3A_1871, %max3A_1895 : vector<16xf32>
      %min3A_1901 = arith.minimumf %min3A_1871, %max3A_1895 : vector<16xf32>
      %select_n3A_1902 = arith.select %gt3A_1899, %select_n3A_1897, %select_n3A_1873 : vector<16xi1>, vector<16xi32>
      %select_n3A_1903 = arith.select %gt3A_1899, %select_n3A_1873, %select_n3A_1897 : vector<16xi1>, vector<16xi32>
      %gt3A_1904 = arith.cmpf ogt, %max3A_1900, %min3A_1876 : vector<16xf32>
      %max3A_1905 = arith.maximumf %min3A_1876, %max3A_1900 : vector<16xf32>
      %min3A_1906 = arith.minimumf %min3A_1876, %max3A_1900 : vector<16xf32>
      %select_n3A_1907 = arith.select %gt3A_1904, %select_n3A_1902, %select_n3A_1878 : vector<16xi1>, vector<16xi32>
      %select_n3A_1908 = arith.select %gt3A_1904, %select_n3A_1878, %select_n3A_1902 : vector<16xi1>, vector<16xi32>
      %gt3A_1909 = arith.cmpf ogt, %max3A_1905, %min3A_1881 : vector<16xf32>
      %max3A_1910 = arith.maximumf %min3A_1881, %max3A_1905 : vector<16xf32>
      %min3A_1911 = arith.minimumf %min3A_1881, %max3A_1905 : vector<16xf32>
      %select_n3A_1912 = arith.select %gt3A_1909, %select_n3A_1907, %select_n3A_1883 : vector<16xi1>, vector<16xi32>
      %select_n3A_1913 = arith.select %gt3A_1909, %select_n3A_1883, %select_n3A_1907 : vector<16xi1>, vector<16xi32>
      %gt3A_1914 = arith.cmpf ogt, %max3A_1910, %max3A_1880 : vector<16xf32>
      %max3A_1915 = arith.maximumf %max3A_1880, %max3A_1910 : vector<16xf32>
      %min3A_1916 = arith.minimumf %max3A_1880, %max3A_1910 : vector<16xf32>
      %select_n3A_1917 = arith.select %gt3A_1914, %select_n3A_1912, %select_n3A_1882 : vector<16xi1>, vector<16xi32>
      %select_n3A_1918 = arith.select %gt3A_1914, %select_n3A_1882, %select_n3A_1912 : vector<16xi1>, vector<16xi32>
      %get3A_1919 = arith.constant 54 : i32
      %get3A_1920 = arith.index_cast %get3A_1919 : i32 to index
      %get3A_1921 = arith.index_cast %mul3A_10 : i32 to index
      %get3A_1922 = tpu.vector_load %arg5[%get3A_1920, %get3A_1921] {strides = array<i32>} : memref<64x1024xf32, #tpu.memory_space<vmem>>, vector<1x16xf32>,
      %get3A_1923 = vector.shape_cast %get3A_1922 : vector<1x16xf32> to vector<16xf32>
      %gt3A_1924 = arith.cmpf ogt, %get3A_1923, %min3A_1896 : vector<16xf32>
      %max3A_1925 = arith.maximumf %min3A_1896, %get3A_1923 : vector<16xf32>
      %broadcast_in_dim3A_1926 = arith.constant 54 : i32
      %broadcast_in_dim3A_1927 = vector.broadcast %broadcast_in_dim3A_1926 : i32 to vector<16xi32>
      %select_n3A_1928 = arith.select %gt3A_1924, %broadcast_in_dim3A_1927, %select_n3A_1898 : vector<16xi1>, vector<16xi32>
      %gt3A_1929 = arith.cmpf ogt, %max3A_1925, %min3A_1901 : vector<16xf32>
      %max3A_1930 = arith.maximumf %min3A_1901, %max3A_1925 : vector<16xf32>
      %min3A_1931 = arith.minimumf %min3A_1901, %max3A_1925 : vector<16xf32>
      %select_n3A_1932 = arith.select %gt3A_1929, %select_n3A_1928, %select_n3A_1903 : vector<16xi1>, vector<16xi32>
      %select_n3A_1933 = arith.select %gt3A_1929, %select_n3A_1903, %select_n3A_1928 : vector<16xi1>, vector<16xi32>
      %gt3A_1934 = arith.cmpf ogt, %max3A_1930, %min3A_1906 : vector<16xf32>
      %max3A_1935 = arith.maximumf %min3A_1906, %max3A_1930 : vector<16xf32>
      %min3A_1936 = arith.minimumf %min3A_1906, %max3A_1930 : vector<16xf32>
      %select_n3A_1937 = arith.select %gt3A_1934, %select_n3A_1932, %select_n3A_1908 : vector<16xi1>, vector<16xi32>
      %select_n3A_1938 = arith.select %gt3A_1934, %select_n3A_1908, %select_n3A_1932 : vector<16xi1>, vector<16xi32>
      %gt3A_1939 = arith.cmpf ogt, %max3A_1935, %min3A_1911 : vector<16xf32>
      %max3A_1940 = arith.maximumf %min3A_1911, %max3A_1935 : vector<16xf32>
      %min3A_1941 = arith.minimumf %min3A_1911, %max3A_1935 : vector<16xf32>
      %select_n3A_1942 = arith.select %gt3A_1939, %select_n3A_1937, %select_n3A_1913 : vector<16xi1>, vector<16xi32>
      %select_n3A_1943 = arith.select %gt3A_1939, %select_n3A_1913, %select_n3A_1937 : vector<16xi1>, vector<16xi32>
      %gt3A_1944 = arith.cmpf ogt, %max3A_1940, %min3A_1916 : vector<16xf32>
      %max3A_1945 = arith.maximumf %min3A_1916, %max3A_1940 : vector<16xf32>
      %min3A_1946 = arith.minimumf %min3A_1916, %max3A_1940 : vector<16xf32>
      %select_n3A_1947 = arith.select %gt3A_1944, %select_n3A_1942, %select_n3A_1918 : vector<16xi1>, vector<16xi32>
      %select_n3A_1948 = arith.select %gt3A_1944, %select_n3A_1918, %select_n3A_1942 : vector<16xi1>, vector<16xi32>
      %gt3A_1949 = arith.cmpf ogt, %max3A_1945, %max3A_1915 : vector<16xf32>
      %max3A_1950 = arith.maximumf %max3A_1915, %max3A_1945 : vector<16xf32>
      %min3A_1951 = arith.minimumf %max3A_1915, %max3A_1945 : vector<16xf32>
      %select_n3A_1952 = arith.select %gt3A_1949, %select_n3A_1947, %select_n3A_1917 : vector<16xi1>, vector<16xi32>
      %select_n3A_1953 = arith.select %gt3A_1949, %select_n3A_1917, %select_n3A_1947 : vector<16xi1>, vector<16xi32>
      %get3A_1954 = arith.constant 55 : i32
      %get3A_1955 = arith.index_cast %get3A_1954 : i32 to index
      %get3A_1956 = arith.index_cast %mul3A_10 : i32 to index
      %get3A_1957 = tpu.vector_load %arg5[%get3A_1955, %get3A_1956] {strides = array<i32>} : memref<64x1024xf32, #tpu.memory_space<vmem>>, vector<1x16xf32>,
      %get3A_1958 = vector.shape_cast %get3A_1957 : vector<1x16xf32> to vector<16xf32>
      %gt3A_1959 = arith.cmpf ogt, %get3A_1958, %min3A_1931 : vector<16xf32>
      %max3A_1960 = arith.maximumf %min3A_1931, %get3A_1958 : vector<16xf32>
      %broadcast_in_dim3A_1961 = arith.constant 55 : i32
      %broadcast_in_dim3A_1962 = vector.broadcast %broadcast_in_dim3A_1961 : i32 to vector<16xi32>
      %select_n3A_1963 = arith.select %gt3A_1959, %broadcast_in_dim3A_1962, %select_n3A_1933 : vector<16xi1>, vector<16xi32>
      %gt3A_1964 = arith.cmpf ogt, %max3A_1960, %min3A_1936 : vector<16xf32>
      %max3A_1965 = arith.maximumf %min3A_1936, %max3A_1960 : vector<16xf32>
      %min3A_1966 = arith.minimumf %min3A_1936, %max3A_1960 : vector<16xf32>
      %select_n3A_1967 = arith.select %gt3A_1964, %select_n3A_1963, %select_n3A_1938 : vector<16xi1>, vector<16xi32>
      %select_n3A_1968 = arith.select %gt3A_1964, %select_n3A_1938, %select_n3A_1963 : vector<16xi1>, vector<16xi32>
      %gt3A_1969 = arith.cmpf ogt, %max3A_1965, %min3A_1941 : vector<16xf32>
      %max3A_1970 = arith.maximumf %min3A_1941, %max3A_1965 : vector<16xf32>
      %min3A_1971 = arith.minimumf %min3A_1941, %max3A_1965 : vector<16xf32>
      %select_n3A_1972 = arith.select %gt3A_1969, %select_n3A_1967, %select_n3A_1943 : vector<16xi1>, vector<16xi32>
      %select_n3A_1973 = arith.select %gt3A_1969, %select_n3A_1943, %select_n3A_1967 : vector<16xi1>, vector<16xi32>
      %gt3A_1974 = arith.cmpf ogt, %max3A_1970, %min3A_1946 : vector<16xf32>
      %max3A_1975 = arith.maximumf %min3A_1946, %max3A_1970 : vector<16xf32>
      %min3A_1976 = arith.minimumf %min3A_1946, %max3A_1970 : vector<16xf32>
      %select_n3A_1977 = arith.select %gt3A_1974, %select_n3A_1972, %select_n3A_1948 : vector<16xi1>, vector<16xi32>
      %select_n3A_1978 = arith.select %gt3A_1974, %select_n3A_1948, %select_n3A_1972 : vector<16xi1>, vector<16xi32>
      %gt3A_1979 = arith.cmpf ogt, %max3A_1975, %min3A_1951 : vector<16xf32>
      %max3A_1980 = arith.maximumf %min3A_1951, %max3A_1975 : vector<16xf32>
      %min3A_1981 = arith.minimumf %min3A_1951, %max3A_1975 : vector<16xf32>
      %select_n3A_1982 = arith.select %gt3A_1979, %select_n3A_1977, %select_n3A_1953 : vector<16xi1>, vector<16xi32>
      %select_n3A_1983 = arith.select %gt3A_1979, %select_n3A_1953, %select_n3A_1977 : vector<16xi1>, vector<16xi32>
      %gt3A_1984 = arith.cmpf ogt, %max3A_1980, %max3A_1950 : vector<16xf32>
      %max3A_1985 = arith.maximumf %max3A_1950, %max3A_1980 : vector<16xf32>
      %min3A_1986 = arith.minimumf %max3A_1950, %max3A_1980 : vector<16xf32>
      %select_n3A_1987 = arith.select %gt3A_1984, %select_n3A_1982, %select_n3A_1952 : vector<16xi1>, vector<16xi32>
      %select_n3A_1988 = arith.select %gt3A_1984, %select_n3A_1952, %select_n3A_1982 : vector<16xi1>, vector<16xi32>
      %get3A_1989 = arith.constant 56 : i32
      %get3A_1990 = arith.index_cast %get3A_1989 : i32 to index
      %get3A_1991 = arith.index_cast %mul3A_10 : i32 to index
      %get3A_1992 = tpu.vector_load %arg5[%get3A_1990, %get3A_1991] {strides = array<i32>} : memref<64x1024xf32, #tpu.memory_space<vmem>>, vector<1x16xf32>,
      %get3A_1993 = vector.shape_cast %get3A_1992 : vector<1x16xf32> to vector<16xf32>
      %gt3A_1994 = arith.cmpf ogt, %get3A_1993, %min3A_1966 : vector<16xf32>
      %max3A_1995 = arith.maximumf %min3A_1966, %get3A_1993 : vector<16xf32>
      %broadcast_in_dim3A_1996 = arith.constant 56 : i32
      %broadcast_in_dim3A_1997 = vector.broadcast %broadcast_in_dim3A_1996 : i32 to vector<16xi32>
      %select_n3A_1998 = arith.select %gt3A_1994, %broadcast_in_dim3A_1997, %select_n3A_1968 : vector<16xi1>, vector<16xi32>
      %gt3A_1999 = arith.cmpf ogt, %max3A_1995, %min3A_1971 : vector<16xf32>
      %max3A_2000 = arith.maximumf %min3A_1971, %max3A_1995 : vector<16xf32>
      %min3A_2001 = arith.minimumf %min3A_1971, %max3A_1995 : vector<16xf32>
      %select_n3A_2002 = arith.select %gt3A_1999, %select_n3A_1998, %select_n3A_1973 : vector<16xi1>, vector<16xi32>
      %select_n3A_2003 = arith.select %gt3A_1999, %select_n3A_1973, %select_n3A_1998 : vector<16xi1>, vector<16xi32>
      %gt3A_2004 = arith.cmpf ogt, %max3A_2000, %min3A_1976 : vector<16xf32>
      %max3A_2005 = arith.maximumf %min3A_1976, %max3A_2000 : vector<16xf32>
      %min3A_2006 = arith.minimumf %min3A_1976, %max3A_2000 : vector<16xf32>
      %select_n3A_2007 = arith.select %gt3A_2004, %select_n3A_2002, %select_n3A_1978 : vector<16xi1>, vector<16xi32>
      %select_n3A_2008 = arith.select %gt3A_2004, %select_n3A_1978, %select_n3A_2002 : vector<16xi1>, vector<16xi32>
      %gt3A_2009 = arith.cmpf ogt, %max3A_2005, %min3A_1981 : vector<16xf32>
      %max3A_2010 = arith.maximumf %min3A_1981, %max3A_2005 : vector<16xf32>
      %min3A_2011 = arith.minimumf %min3A_1981, %max3A_2005 : vector<16xf32>
      %select_n3A_2012 = arith.select %gt3A_2009, %select_n3A_2007, %select_n3A_1983 : vector<16xi1>, vector<16xi32>
      %select_n3A_2013 = arith.select %gt3A_2009, %select_n3A_1983, %select_n3A_2007 : vector<16xi1>, vector<16xi32>
      %gt3A_2014 = arith.cmpf ogt, %max3A_2010, %min3A_1986 : vector<16xf32>
      %max3A_2015 = arith.maximumf %min3A_1986, %max3A_2010 : vector<16xf32>
      %min3A_2016 = arith.minimumf %min3A_1986, %max3A_2010 : vector<16xf32>
      %select_n3A_2017 = arith.select %gt3A_2014, %select_n3A_2012, %select_n3A_1988 : vector<16xi1>, vector<16xi32>
      %select_n3A_2018 = arith.select %gt3A_2014, %select_n3A_1988, %select_n3A_2012 : vector<16xi1>, vector<16xi32>
      %gt3A_2019 = arith.cmpf ogt, %max3A_2015, %max3A_1985 : vector<16xf32>
      %max3A_2020 = arith.maximumf %max3A_1985, %max3A_2015 : vector<16xf32>
      %min3A_2021 = arith.minimumf %max3A_1985, %max3A_2015 : vector<16xf32>
      %select_n3A_2022 = arith.select %gt3A_2019, %select_n3A_2017, %select_n3A_1987 : vector<16xi1>, vector<16xi32>
      %select_n3A_2023 = arith.select %gt3A_2019, %select_n3A_1987, %select_n3A_2017 : vector<16xi1>, vector<16xi32>
      %get3A_2024 = arith.constant 57 : i32
      %get3A_2025 = arith.index_cast %get3A_2024 : i32 to index
      %get3A_2026 = arith.index_cast %mul3A_10 : i32 to index
      %get3A_2027 = tpu.vector_load %arg5[%get3A_2025, %get3A_2026] {strides = array<i32>} : memref<64x1024xf32, #tpu.memory_space<vmem>>, vector<1x16xf32>,
      %get3A_2028 = vector.shape_cast %get3A_2027 : vector<1x16xf32> to vector<16xf32>
      %gt3A_2029 = arith.cmpf ogt, %get3A_2028, %min3A_2001 : vector<16xf32>
      %max3A_2030 = arith.maximumf %min3A_2001, %get3A_2028 : vector<16xf32>
      %broadcast_in_dim3A_2031 = arith.constant 57 : i32
      %broadcast_in_dim3A_2032 = vector.broadcast %broadcast_in_dim3A_2031 : i32 to vector<16xi32>
      %select_n3A_2033 = arith.select %gt3A_2029, %broadcast_in_dim3A_2032, %select_n3A_2003 : vector<16xi1>, vector<16xi32>
      %gt3A_2034 = arith.cmpf ogt, %max3A_2030, %min3A_2006 : vector<16xf32>
      %max3A_2035 = arith.maximumf %min3A_2006, %max3A_2030 : vector<16xf32>
      %min3A_2036 = arith.minimumf %min3A_2006, %max3A_2030 : vector<16xf32>
      %select_n3A_2037 = arith.select %gt3A_2034, %select_n3A_2033, %select_n3A_2008 : vector<16xi1>, vector<16xi32>
      %select_n3A_2038 = arith.select %gt3A_2034, %select_n3A_2008, %select_n3A_2033 : vector<16xi1>, vector<16xi32>
      %gt3A_2039 = arith.cmpf ogt, %max3A_2035, %min3A_2011 : vector<16xf32>
      %max3A_2040 = arith.maximumf %min3A_2011, %max3A_2035 : vector<16xf32>
      %min3A_2041 = arith.minimumf %min3A_2011, %max3A_2035 : vector<16xf32>
      %select_n3A_2042 = arith.select %gt3A_2039, %select_n3A_2037, %select_n3A_2013 : vector<16xi1>, vector<16xi32>
      %select_n3A_2043 = arith.select %gt3A_2039, %select_n3A_2013, %select_n3A_2037 : vector<16xi1>, vector<16xi32>
      %gt3A_2044 = arith.cmpf ogt, %max3A_2040, %min3A_2016 : vector<16xf32>
      %max3A_2045 = arith.maximumf %min3A_2016, %max3A_2040 : vector<16xf32>
      %min3A_2046 = arith.minimumf %min3A_2016, %max3A_2040 : vector<16xf32>
      %select_n3A_2047 = arith.select %gt3A_2044, %select_n3A_2042, %select_n3A_2018 : vector<16xi1>, vector<16xi32>
      %select_n3A_2048 = arith.select %gt3A_2044, %select_n3A_2018, %select_n3A_2042 : vector<16xi1>, vector<16xi32>
      %gt3A_2049 = arith.cmpf ogt, %max3A_2045, %min3A_2021 : vector<16xf32>
      %max3A_2050 = arith.maximumf %min3A_2021, %max3A_2045 : vector<16xf32>
      %min3A_2051 = arith.minimumf %min3A_2021, %max3A_2045 : vector<16xf32>
      %select_n3A_2052 = arith.select %gt3A_2049, %select_n3A_2047, %select_n3A_2023 : vector<16xi1>, vector<16xi32>
      %select_n3A_2053 = arith.select %gt3A_2049, %select_n3A_2023, %select_n3A_2047 : vector<16xi1>, vector<16xi32>
      %gt3A_2054 = arith.cmpf ogt, %max3A_2050, %max3A_2020 : vector<16xf32>
      %max3A_2055 = arith.maximumf %max3A_2020, %max3A_2050 : vector<16xf32>
      %min3A_2056 = arith.minimumf %max3A_2020, %max3A_2050 : vector<16xf32>
      %select_n3A_2057 = arith.select %gt3A_2054, %select_n3A_2052, %select_n3A_2022 : vector<16xi1>, vector<16xi32>
      %select_n3A_2058 = arith.select %gt3A_2054, %select_n3A_2022, %select_n3A_2052 : vector<16xi1>, vector<16xi32>
      %get3A_2059 = arith.constant 58 : i32
      %get3A_2060 = arith.index_cast %get3A_2059 : i32 to index
      %get3A_2061 = arith.index_cast %mul3A_10 : i32 to index
      %get3A_2062 = tpu.vector_load %arg5[%get3A_2060, %get3A_2061] {strides = array<i32>} : memref<64x1024xf32, #tpu.memory_space<vmem>>, vector<1x16xf32>,
      %get3A_2063 = vector.shape_cast %get3A_2062 : vector<1x16xf32> to vector<16xf32>
      %gt3A_2064 = arith.cmpf ogt, %get3A_2063, %min3A_2036 : vector<16xf32>
      %max3A_2065 = arith.maximumf %min3A_2036, %get3A_2063 : vector<16xf32>
      %broadcast_in_dim3A_2066 = arith.constant 58 : i32
      %broadcast_in_dim3A_2067 = vector.broadcast %broadcast_in_dim3A_2066 : i32 to vector<16xi32>
      %select_n3A_2068 = arith.select %gt3A_2064, %broadcast_in_dim3A_2067, %select_n3A_2038 : vector<16xi1>, vector<16xi32>
      %gt3A_2069 = arith.cmpf ogt, %max3A_2065, %min3A_2041 : vector<16xf32>
      %max3A_2070 = arith.maximumf %min3A_2041, %max3A_2065 : vector<16xf32>
      %min3A_2071 = arith.minimumf %min3A_2041, %max3A_2065 : vector<16xf32>
      %select_n3A_2072 = arith.select %gt3A_2069, %select_n3A_2068, %select_n3A_2043 : vector<16xi1>, vector<16xi32>
      %select_n3A_2073 = arith.select %gt3A_2069, %select_n3A_2043, %select_n3A_2068 : vector<16xi1>, vector<16xi32>
      %gt3A_2074 = arith.cmpf ogt, %max3A_2070, %min3A_2046 : vector<16xf32>
      %max3A_2075 = arith.maximumf %min3A_2046, %max3A_2070 : vector<16xf32>
      %min3A_2076 = arith.minimumf %min3A_2046, %max3A_2070 : vector<16xf32>
      %select_n3A_2077 = arith.select %gt3A_2074, %select_n3A_2072, %select_n3A_2048 : vector<16xi1>, vector<16xi32>
      %select_n3A_2078 = arith.select %gt3A_2074, %select_n3A_2048, %select_n3A_2072 : vector<16xi1>, vector<16xi32>
      %gt3A_2079 = arith.cmpf ogt, %max3A_2075, %min3A_2051 : vector<16xf32>
      %max3A_2080 = arith.maximumf %min3A_2051, %max3A_2075 : vector<16xf32>
      %min3A_2081 = arith.minimumf %min3A_2051, %max3A_2075 : vector<16xf32>
      %select_n3A_2082 = arith.select %gt3A_2079, %select_n3A_2077, %select_n3A_2053 : vector<16xi1>, vector<16xi32>
      %select_n3A_2083 = arith.select %gt3A_2079, %select_n3A_2053, %select_n3A_2077 : vector<16xi1>, vector<16xi32>
      %gt3A_2084 = arith.cmpf ogt, %max3A_2080, %min3A_2056 : vector<16xf32>
      %max3A_2085 = arith.maximumf %min3A_2056, %max3A_2080 : vector<16xf32>
      %min3A_2086 = arith.minimumf %min3A_2056, %max3A_2080 : vector<16xf32>
      %select_n3A_2087 = arith.select %gt3A_2084, %select_n3A_2082, %select_n3A_2058 : vector<16xi1>, vector<16xi32>
      %select_n3A_2088 = arith.select %gt3A_2084, %select_n3A_2058, %select_n3A_2082 : vector<16xi1>, vector<16xi32>
      %gt3A_2089 = arith.cmpf ogt, %max3A_2085, %max3A_2055 : vector<16xf32>
      %max3A_2090 = arith.maximumf %max3A_2055, %max3A_2085 : vector<16xf32>
      %min3A_2091 = arith.minimumf %max3A_2055, %max3A_2085 : vector<16xf32>
      %select_n3A_2092 = arith.select %gt3A_2089, %select_n3A_2087, %select_n3A_2057 : vector<16xi1>, vector<16xi32>
      %select_n3A_2093 = arith.select %gt3A_2089, %select_n3A_2057, %select_n3A_2087 : vector<16xi1>, vector<16xi32>
      %get3A_2094 = arith.constant 59 : i32
      %get3A_2095 = arith.index_cast %get3A_2094 : i32 to index
      %get3A_2096 = arith.index_cast %mul3A_10 : i32 to index
      %get3A_2097 = tpu.vector_load %arg5[%get3A_2095, %get3A_2096] {strides = array<i32>} : memref<64x1024xf32, #tpu.memory_space<vmem>>, vector<1x16xf32>,
      %get3A_2098 = vector.shape_cast %get3A_2097 : vector<1x16xf32> to vector<16xf32>
      %gt3A_2099 = arith.cmpf ogt, %get3A_2098, %min3A_2071 : vector<16xf32>
      %max3A_2100 = arith.maximumf %min3A_2071, %get3A_2098 : vector<16xf32>
      %broadcast_in_dim3A_2101 = arith.constant 59 : i32
      %broadcast_in_dim3A_2102 = vector.broadcast %broadcast_in_dim3A_2101 : i32 to vector<16xi32>
      %select_n3A_2103 = arith.select %gt3A_2099, %broadcast_in_dim3A_2102, %select_n3A_2073 : vector<16xi1>, vector<16xi32>
      %gt3A_2104 = arith.cmpf ogt, %max3A_2100, %min3A_2076 : vector<16xf32>
      %max3A_2105 = arith.maximumf %min3A_2076, %max3A_2100 : vector<16xf32>
      %min3A_2106 = arith.minimumf %min3A_2076, %max3A_2100 : vector<16xf32>
      %select_n3A_2107 = arith.select %gt3A_2104, %select_n3A_2103, %select_n3A_2078 : vector<16xi1>, vector<16xi32>
      %select_n3A_2108 = arith.select %gt3A_2104, %select_n3A_2078, %select_n3A_2103 : vector<16xi1>, vector<16xi32>
      %gt3A_2109 = arith.cmpf ogt, %max3A_2105, %min3A_2081 : vector<16xf32>
      %max3A_2110 = arith.maximumf %min3A_2081, %max3A_2105 : vector<16xf32>
      %min3A_2111 = arith.minimumf %min3A_2081, %max3A_2105 : vector<16xf32>
      %select_n3A_2112 = arith.select %gt3A_2109, %select_n3A_2107, %select_n3A_2083 : vector<16xi1>, vector<16xi32>
      %select_n3A_2113 = arith.select %gt3A_2109, %select_n3A_2083, %select_n3A_2107 : vector<16xi1>, vector<16xi32>
      %gt3A_2114 = arith.cmpf ogt, %max3A_2110, %min3A_2086 : vector<16xf32>
      %max3A_2115 = arith.maximumf %min3A_2086, %max3A_2110 : vector<16xf32>
      %min3A_2116 = arith.minimumf %min3A_2086, %max3A_2110 : vector<16xf32>
      %select_n3A_2117 = arith.select %gt3A_2114, %select_n3A_2112, %select_n3A_2088 : vector<16xi1>, vector<16xi32>
      %select_n3A_2118 = arith.select %gt3A_2114, %select_n3A_2088, %select_n3A_2112 : vector<16xi1>, vector<16xi32>
      %gt3A_2119 = arith.cmpf ogt, %max3A_2115, %min3A_2091 : vector<16xf32>
      %max3A_2120 = arith.maximumf %min3A_2091, %max3A_2115 : vector<16xf32>
      %min3A_2121 = arith.minimumf %min3A_2091, %max3A_2115 : vector<16xf32>
      %select_n3A_2122 = arith.select %gt3A_2119, %select_n3A_2117, %select_n3A_2093 : vector<16xi1>, vector<16xi32>
      %select_n3A_2123 = arith.select %gt3A_2119, %select_n3A_2093, %select_n3A_2117 : vector<16xi1>, vector<16xi32>
      %gt3A_2124 = arith.cmpf ogt, %max3A_2120, %max3A_2090 : vector<16xf32>
      %max3A_2125 = arith.maximumf %max3A_2090, %max3A_2120 : vector<16xf32>
      %min3A_2126 = arith.minimumf %max3A_2090, %max3A_2120 : vector<16xf32>
      %select_n3A_2127 = arith.select %gt3A_2124, %select_n3A_2122, %select_n3A_2092 : vector<16xi1>, vector<16xi32>
      %select_n3A_2128 = arith.select %gt3A_2124, %select_n3A_2092, %select_n3A_2122 : vector<16xi1>, vector<16xi32>
      %get3A_2129 = arith.constant 60 : i32
      %get3A_2130 = arith.index_cast %get3A_2129 : i32 to index
      %get3A_2131 = arith.index_cast %mul3A_10 : i32 to index
      %get3A_2132 = tpu.vector_load %arg5[%get3A_2130, %get3A_2131] {strides = array<i32>} : memref<64x1024xf32, #tpu.memory_space<vmem>>, vector<1x16xf32>,
      %get3A_2133 = vector.shape_cast %get3A_2132 : vector<1x16xf32> to vector<16xf32>
      %gt3A_2134 = arith.cmpf ogt, %get3A_2133, %min3A_2106 : vector<16xf32>
      %max3A_2135 = arith.maximumf %min3A_2106, %get3A_2133 : vector<16xf32>
      %broadcast_in_dim3A_2136 = arith.constant 60 : i32
      %broadcast_in_dim3A_2137 = vector.broadcast %broadcast_in_dim3A_2136 : i32 to vector<16xi32>
      %select_n3A_2138 = arith.select %gt3A_2134, %broadcast_in_dim3A_2137, %select_n3A_2108 : vector<16xi1>, vector<16xi32>
      %gt3A_2139 = arith.cmpf ogt, %max3A_2135, %min3A_2111 : vector<16xf32>
      %max3A_2140 = arith.maximumf %min3A_2111, %max3A_2135 : vector<16xf32>
      %min3A_2141 = arith.minimumf %min3A_2111, %max3A_2135 : vector<16xf32>
      %select_n3A_2142 = arith.select %gt3A_2139, %select_n3A_2138, %select_n3A_2113 : vector<16xi1>, vector<16xi32>
      %select_n3A_2143 = arith.select %gt3A_2139, %select_n3A_2113, %select_n3A_2138 : vector<16xi1>, vector<16xi32>
      %gt3A_2144 = arith.cmpf ogt, %max3A_2140, %min3A_2116 : vector<16xf32>
      %max3A_2145 = arith.maximumf %min3A_2116, %max3A_2140 : vector<16xf32>
      %min3A_2146 = arith.minimumf %min3A_2116, %max3A_2140 : vector<16xf32>
      %select_n3A_2147 = arith.select %gt3A_2144, %select_n3A_2142, %select_n3A_2118 : vector<16xi1>, vector<16xi32>
      %select_n3A_2148 = arith.select %gt3A_2144, %select_n3A_2118, %select_n3A_2142 : vector<16xi1>, vector<16xi32>
      %gt3A_2149 = arith.cmpf ogt, %max3A_2145, %min3A_2121 : vector<16xf32>
      %max3A_2150 = arith.maximumf %min3A_2121, %max3A_2145 : vector<16xf32>
      %min3A_2151 = arith.minimumf %min3A_2121, %max3A_2145 : vector<16xf32>
      %select_n3A_2152 = arith.select %gt3A_2149, %select_n3A_2147, %select_n3A_2123 : vector<16xi1>, vector<16xi32>
      %select_n3A_2153 = arith.select %gt3A_2149, %select_n3A_2123, %select_n3A_2147 : vector<16xi1>, vector<16xi32>
      %gt3A_2154 = arith.cmpf ogt, %max3A_2150, %min3A_2126 : vector<16xf32>
      %max3A_2155 = arith.maximumf %min3A_2126, %max3A_2150 : vector<16xf32>
      %min3A_2156 = arith.minimumf %min3A_2126, %max3A_2150 : vector<16xf32>
      %select_n3A_2157 = arith.select %gt3A_2154, %select_n3A_2152, %select_n3A_2128 : vector<16xi1>, vector<16xi32>
      %select_n3A_2158 = arith.select %gt3A_2154, %select_n3A_2128, %select_n3A_2152 : vector<16xi1>, vector<16xi32>
      %gt3A_2159 = arith.cmpf ogt, %max3A_2155, %max3A_2125 : vector<16xf32>
      %max3A_2160 = arith.maximumf %max3A_2125, %max3A_2155 : vector<16xf32>
      %min3A_2161 = arith.minimumf %max3A_2125, %max3A_2155 : vector<16xf32>
      %select_n3A_2162 = arith.select %gt3A_2159, %select_n3A_2157, %select_n3A_2127 : vector<16xi1>, vector<16xi32>
      %select_n3A_2163 = arith.select %gt3A_2159, %select_n3A_2127, %select_n3A_2157 : vector<16xi1>, vector<16xi32>
      %get3A_2164 = arith.constant 61 : i32
      %get3A_2165 = arith.index_cast %get3A_2164 : i32 to index
      %get3A_2166 = arith.index_cast %mul3A_10 : i32 to index
      %get3A_2167 = tpu.vector_load %arg5[%get3A_2165, %get3A_2166] {strides = array<i32>} : memref<64x1024xf32, #tpu.memory_space<vmem>>, vector<1x16xf32>,
      %get3A_2168 = vector.shape_cast %get3A_2167 : vector<1x16xf32> to vector<16xf32>
      %gt3A_2169 = arith.cmpf ogt, %get3A_2168, %min3A_2141 : vector<16xf32>
      %max3A_2170 = arith.maximumf %min3A_2141, %get3A_2168 : vector<16xf32>
      %broadcast_in_dim3A_2171 = arith.constant 61 : i32
      %broadcast_in_dim3A_2172 = vector.broadcast %broadcast_in_dim3A_2171 : i32 to vector<16xi32>
      %select_n3A_2173 = arith.select %gt3A_2169, %broadcast_in_dim3A_2172, %select_n3A_2143 : vector<16xi1>, vector<16xi32>
      %gt3A_2174 = arith.cmpf ogt, %max3A_2170, %min3A_2146 : vector<16xf32>
      %max3A_2175 = arith.maximumf %min3A_2146, %max3A_2170 : vector<16xf32>
      %min3A_2176 = arith.minimumf %min3A_2146, %max3A_2170 : vector<16xf32>
      %select_n3A_2177 = arith.select %gt3A_2174, %select_n3A_2173, %select_n3A_2148 : vector<16xi1>, vector<16xi32>
      %select_n3A_2178 = arith.select %gt3A_2174, %select_n3A_2148, %select_n3A_2173 : vector<16xi1>, vector<16xi32>
      %gt3A_2179 = arith.cmpf ogt, %max3A_2175, %min3A_2151 : vector<16xf32>
      %max3A_2180 = arith.maximumf %min3A_2151, %max3A_2175 : vector<16xf32>
      %min3A_2181 = arith.minimumf %min3A_2151, %max3A_2175 : vector<16xf32>
      %select_n3A_2182 = arith.select %gt3A_2179, %select_n3A_2177, %select_n3A_2153 : vector<16xi1>, vector<16xi32>
      %select_n3A_2183 = arith.select %gt3A_2179, %select_n3A_2153, %select_n3A_2177 : vector<16xi1>, vector<16xi32>
      %gt3A_2184 = arith.cmpf ogt, %max3A_2180, %min3A_2156 : vector<16xf32>
      %max3A_2185 = arith.maximumf %min3A_2156, %max3A_2180 : vector<16xf32>
      %min3A_2186 = arith.minimumf %min3A_2156, %max3A_2180 : vector<16xf32>
      %select_n3A_2187 = arith.select %gt3A_2184, %select_n3A_2182, %select_n3A_2158 : vector<16xi1>, vector<16xi32>
      %select_n3A_2188 = arith.select %gt3A_2184, %select_n3A_2158, %select_n3A_2182 : vector<16xi1>, vector<16xi32>
      %gt3A_2189 = arith.cmpf ogt, %max3A_2185, %min3A_2161 : vector<16xf32>
      %max3A_2190 = arith.maximumf %min3A_2161, %max3A_2185 : vector<16xf32>
      %min3A_2191 = arith.minimumf %min3A_2161, %max3A_2185 : vector<16xf32>
      %select_n3A_2192 = arith.select %gt3A_2189, %select_n3A_2187, %select_n3A_2163 : vector<16xi1>, vector<16xi32>
      %select_n3A_2193 = arith.select %gt3A_2189, %select_n3A_2163, %select_n3A_2187 : vector<16xi1>, vector<16xi32>
      %gt3A_2194 = arith.cmpf ogt, %max3A_2190, %max3A_2160 : vector<16xf32>
      %max3A_2195 = arith.maximumf %max3A_2160, %max3A_2190 : vector<16xf32>
      %min3A_2196 = arith.minimumf %max3A_2160, %max3A_2190 : vector<16xf32>
      %select_n3A_2197 = arith.select %gt3A_2194, %select_n3A_2192, %select_n3A_2162 : vector<16xi1>, vector<16xi32>
      %select_n3A_2198 = arith.select %gt3A_2194, %select_n3A_2162, %select_n3A_2192 : vector<16xi1>, vector<16xi32>
      %get3A_2199 = arith.constant 62 : i32
      %get3A_2200 = arith.index_cast %get3A_2199 : i32 to index
      %get3A_2201 = arith.index_cast %mul3A_10 : i32 to index
      %get3A_2202 = tpu.vector_load %arg5[%get3A_2200, %get3A_2201] {strides = array<i32>} : memref<64x1024xf32, #tpu.memory_space<vmem>>, vector<1x16xf32>,
      %get3A_2203 = vector.shape_cast %get3A_2202 : vector<1x16xf32> to vector<16xf32>
      %gt3A_2204 = arith.cmpf ogt, %get3A_2203, %min3A_2176 : vector<16xf32>
      %max3A_2205 = arith.maximumf %min3A_2176, %get3A_2203 : vector<16xf32>
      %broadcast_in_dim3A_2206 = arith.constant 62 : i32
      %broadcast_in_dim3A_2207 = vector.broadcast %broadcast_in_dim3A_2206 : i32 to vector<16xi32>
      %select_n3A_2208 = arith.select %gt3A_2204, %broadcast_in_dim3A_2207, %select_n3A_2178 : vector<16xi1>, vector<16xi32>
      %gt3A_2209 = arith.cmpf ogt, %max3A_2205, %min3A_2181 : vector<16xf32>
      %max3A_2210 = arith.maximumf %min3A_2181, %max3A_2205 : vector<16xf32>
      %min3A_2211 = arith.minimumf %min3A_2181, %max3A_2205 : vector<16xf32>
      %select_n3A_2212 = arith.select %gt3A_2209, %select_n3A_2208, %select_n3A_2183 : vector<16xi1>, vector<16xi32>
      %select_n3A_2213 = arith.select %gt3A_2209, %select_n3A_2183, %select_n3A_2208 : vector<16xi1>, vector<16xi32>
      %gt3A_2214 = arith.cmpf ogt, %max3A_2210, %min3A_2186 : vector<16xf32>
      %max3A_2215 = arith.maximumf %min3A_2186, %max3A_2210 : vector<16xf32>
      %min3A_2216 = arith.minimumf %min3A_2186, %max3A_2210 : vector<16xf32>
      %select_n3A_2217 = arith.select %gt3A_2214, %select_n3A_2212, %select_n3A_2188 : vector<16xi1>, vector<16xi32>
      %select_n3A_2218 = arith.select %gt3A_2214, %select_n3A_2188, %select_n3A_2212 : vector<16xi1>, vector<16xi32>
      %gt3A_2219 = arith.cmpf ogt, %max3A_2215, %min3A_2191 : vector<16xf32>
      %max3A_2220 = arith.maximumf %min3A_2191, %max3A_2215 : vector<16xf32>
      %min3A_2221 = arith.minimumf %min3A_2191, %max3A_2215 : vector<16xf32>
      %select_n3A_2222 = arith.select %gt3A_2219, %select_n3A_2217, %select_n3A_2193 : vector<16xi1>, vector<16xi32>
      %select_n3A_2223 = arith.select %gt3A_2219, %select_n3A_2193, %select_n3A_2217 : vector<16xi1>, vector<16xi32>
      %gt3A_2224 = arith.cmpf ogt, %max3A_2220, %min3A_2196 : vector<16xf32>
      %max3A_2225 = arith.maximumf %min3A_2196, %max3A_2220 : vector<16xf32>
      %min3A_2226 = arith.minimumf %min3A_2196, %max3A_2220 : vector<16xf32>
      %select_n3A_2227 = arith.select %gt3A_2224, %select_n3A_2222, %select_n3A_2198 : vector<16xi1>, vector<16xi32>
      %select_n3A_2228 = arith.select %gt3A_2224, %select_n3A_2198, %select_n3A_2222 : vector<16xi1>, vector<16xi32>
      %gt3A_2229 = arith.cmpf ogt, %max3A_2225, %max3A_2195 : vector<16xf32>
      %max3A_2230 = arith.maximumf %max3A_2195, %max3A_2225 : vector<16xf32>
      %min3A_2231 = arith.minimumf %max3A_2195, %max3A_2225 : vector<16xf32>
      %select_n3A_2232 = arith.select %gt3A_2229, %select_n3A_2227, %select_n3A_2197 : vector<16xi1>, vector<16xi32>
      %select_n3A_2233 = arith.select %gt3A_2229, %select_n3A_2197, %select_n3A_2227 : vector<16xi1>, vector<16xi32>
      %get3A_2234 = arith.constant 63 : i32
      %get3A_2235 = arith.index_cast %get3A_2234 : i32 to index
      %get3A_2236 = arith.index_cast %mul3A_10 : i32 to index
      %get3A_2237 = tpu.vector_load %arg5[%get3A_2235, %get3A_2236] {strides = array<i32>} : memref<64x1024xf32, #tpu.memory_space<vmem>>, vector<1x16xf32>,
      %get3A_2238 = vector.shape_cast %get3A_2237 : vector<1x16xf32> to vector<16xf32>
      %gt3A_2239 = arith.cmpf ogt, %get3A_2238, %min3A_2211 : vector<16xf32>
      %max3A_2240 = arith.maximumf %min3A_2211, %get3A_2238 : vector<16xf32>
      %broadcast_in_dim3A_2241 = arith.constant 63 : i32
      %broadcast_in_dim3A_2242 = vector.broadcast %broadcast_in_dim3A_2241 : i32 to vector<16xi32>
      %select_n3A_2243 = arith.select %gt3A_2239, %broadcast_in_dim3A_2242, %select_n3A_2213 : vector<16xi1>, vector<16xi32>
      %gt3A_2244 = arith.cmpf ogt, %max3A_2240, %min3A_2216 : vector<16xf32>
      %max3A_2245 = arith.maximumf %min3A_2216, %max3A_2240 : vector<16xf32>
      %min3A_2246 = arith.minimumf %min3A_2216, %max3A_2240 : vector<16xf32>
      %select_n3A_2247 = arith.select %gt3A_2244, %select_n3A_2243, %select_n3A_2218 : vector<16xi1>, vector<16xi32>
      %select_n3A_2248 = arith.select %gt3A_2244, %select_n3A_2218, %select_n3A_2243 : vector<16xi1>, vector<16xi32>
      %gt3A_2249 = arith.cmpf ogt, %max3A_2245, %min3A_2221 : vector<16xf32>
      %max3A_2250 = arith.maximumf %min3A_2221, %max3A_2245 : vector<16xf32>
      %min3A_2251 = arith.minimumf %min3A_2221, %max3A_2245 : vector<16xf32>
      %select_n3A_2252 = arith.select %gt3A_2249, %select_n3A_2247, %select_n3A_2223 : vector<16xi1>, vector<16xi32>
      %select_n3A_2253 = arith.select %gt3A_2249, %select_n3A_2223, %select_n3A_2247 : vector<16xi1>, vector<16xi32>
      %gt3A_2254 = arith.cmpf ogt, %max3A_2250, %min3A_2226 : vector<16xf32>
      %max3A_2255 = arith.maximumf %min3A_2226, %max3A_2250 : vector<16xf32>
      %min3A_2256 = arith.minimumf %min3A_2226, %max3A_2250 : vector<16xf32>
      %select_n3A_2257 = arith.select %gt3A_2254, %select_n3A_2252, %select_n3A_2228 : vector<16xi1>, vector<16xi32>
      %select_n3A_2258 = arith.select %gt3A_2254, %select_n3A_2228, %select_n3A_2252 : vector<16xi1>, vector<16xi32>
      %gt3A_2259 = arith.cmpf ogt, %max3A_2255, %min3A_2231 : vector<16xf32>
      %max3A_2260 = arith.maximumf %min3A_2231, %max3A_2255 : vector<16xf32>
      %min3A_2261 = arith.minimumf %min3A_2231, %max3A_2255 : vector<16xf32>
      %select_n3A_2262 = arith.select %gt3A_2259, %select_n3A_2257, %select_n3A_2233 : vector<16xi1>, vector<16xi32>
      %select_n3A_2263 = arith.select %gt3A_2259, %select_n3A_2233, %select_n3A_2257 : vector<16xi1>, vector<16xi32>
      %gt3A_2264 = arith.cmpf ogt, %max3A_2260, %max3A_2230 : vector<16xf32>
      %max3A_2265 = arith.maximumf %max3A_2230, %max3A_2260 : vector<16xf32>
      %min3A_2266 = arith.minimumf %max3A_2230, %max3A_2260 : vector<16xf32>
      %select_n3A_2267 = arith.select %gt3A_2264, %select_n3A_2262, %select_n3A_2232 : vector<16xi1>, vector<16xi32>
      %select_n3A_2268 = arith.select %gt3A_2264, %select_n3A_2232, %select_n3A_2262 : vector<16xi1>, vector<16xi32>
      %swap3A = arith.constant 0 : i32
      %swap3A_2269 = arith.index_cast %swap3A : i32 to index
      %swap3A_2270 = arith.index_cast %mul3A_10 : i32 to index
      %swap3A_2271 = tpu.vector_load %arg7[%swap3A_2269, %swap3A_2270] {strides = array<i32>} : memref<6x1024xf32, #tpu.memory_space<vmem>>, vector<1x16xf32>,
      %swap3A_2272 = vector.shape_cast %swap3A_2271 : vector<1x16xf32> to vector<16xf32>
      %swap3A_2273 = vector.shape_cast %max3A_2265 : vector<16xf32> to vector<1x16xf32>
      tpu.vector_store %arg7[%swap3A_2269, %swap3A_2270], %swap3A_2273 {strides = array<i32>} : memref<6x1024xf32, #tpu.memory_space<vmem>>, vector<1x16xf32>,
      %swap3A_2274 = arith.constant 0 : i32
      %swap3A_2275 = arith.index_cast %swap3A_2274 : i32 to index
      %swap3A_2276 = arith.index_cast %mul3A_10 : i32 to index
      %swap3A_2277 = tpu.vector_load %arg6[%swap3A_2275, %swap3A_2276] {strides = array<i32>} : memref<6x1024xi32, #tpu.memory_space<vmem>>, vector<1x16xi32>,
      %swap3A_2278 = vector.shape_cast %swap3A_2277 : vector<1x16xi32> to vector<16xi32>
      %swap3A_2279 = vector.shape_cast %select_n3A_2267 : vector<16xi32> to vector<1x16xi32>
      tpu.vector_store %arg6[%swap3A_2275, %swap3A_2276], %swap3A_2279 {strides = array<i32>} : memref<6x1024xi32, #tpu.memory_space<vmem>>, vector<1x16xi32>,
      %swap3A_2280 = arith.constant 1 : i32
      %swap3A_2281 = arith.index_cast %swap3A_2280 : i32 to index
      %swap3A_2282 = arith.index_cast %mul3A_10 : i32 to index
      %swap3A_2283 = tpu.vector_load %arg7[%swap3A_2281, %swap3A_2282] {strides = array<i32>} : memref<6x1024xf32, #tpu.memory_space<vmem>>, vector<1x16xf32>,
      %swap3A_2284 = vector.shape_cast %swap3A_2283 : vector<1x16xf32> to vector<16xf32>
      %swap3A_2285 = vector.shape_cast %min3A_2266 : vector<16xf32> to vector<1x16xf32>
      tpu.vector_store %arg7[%swap3A_2281, %swap3A_2282], %swap3A_2285 {strides = array<i32>} : memref<6x1024xf32, #tpu.memory_space<vmem>>, vector<1x16xf32>,
      %swap3A_2286 = arith.constant 1 : i32
      %swap3A_2287 = arith.index_cast %swap3A_2286 : i32 to index
      %swap3A_2288 = arith.index_cast %mul3A_10 : i32 to index
      %swap3A_2289 = tpu.vector_load %arg6[%swap3A_2287, %swap3A_2288] {strides = array<i32>} : memref<6x1024xi32, #tpu.memory_space<vmem>>, vector<1x16xi32>,
      %swap3A_2290 = vector.shape_cast %swap3A_2289 : vector<1x16xi32> to vector<16xi32>
      %swap3A_2291 = vector.shape_cast %select_n3A_2268 : vector<16xi32> to vector<1x16xi32>
      tpu.vector_store %arg6[%swap3A_2287, %swap3A_2288], %swap3A_2291 {strides = array<i32>} : memref<6x1024xi32, #tpu.memory_space<vmem>>, vector<1x16xi32>,
      %swap3A_2292 = arith.constant 2 : i32
      %swap3A_2293 = arith.index_cast %swap3A_2292 : i32 to index
      %swap3A_2294 = arith.index_cast %mul3A_10 : i32 to index
      %swap3A_2295 = tpu.vector_load %arg7[%swap3A_2293, %swap3A_2294] {strides = array<i32>} : memref<6x1024xf32, #tpu.memory_space<vmem>>, vector<1x16xf32>,
      %swap3A_2296 = vector.shape_cast %swap3A_2295 : vector<1x16xf32> to vector<16xf32>
      %swap3A_2297 = vector.shape_cast %min3A_2261 : vector<16xf32> to vector<1x16xf32>
      tpu.vector_store %arg7[%swap3A_2293, %swap3A_2294], %swap3A_2297 {strides = array<i32>} : memref<6x1024xf32, #tpu.memory_space<vmem>>, vector<1x16xf32>,
      %swap3A_2298 = arith.constant 2 : i32
      %swap3A_2299 = arith.index_cast %swap3A_2298 : i32 to index
      %swap3A_2300 = arith.index_cast %mul3A_10 : i32 to index
      %swap3A_2301 = tpu.vector_load %arg6[%swap3A_2299, %swap3A_2300] {strides = array<i32>} : memref<6x1024xi32, #tpu.memory_space<vmem>>, vector<1x16xi32>,
      %swap3A_2302 = vector.shape_cast %swap3A_2301 : vector<1x16xi32> to vector<16xi32>
      %swap3A_2303 = vector.shape_cast %select_n3A_2263 : vector<16xi32> to vector<1x16xi32>
      tpu.vector_store %arg6[%swap3A_2299, %swap3A_2300], %swap3A_2303 {strides = array<i32>} : memref<6x1024xi32, #tpu.memory_space<vmem>>, vector<1x16xi32>,
      %swap3A_2304 = arith.constant 3 : i32
      %swap3A_2305 = arith.index_cast %swap3A_2304 : i32 to index
      %swap3A_2306 = arith.index_cast %mul3A_10 : i32 to index
      %swap3A_2307 = tpu.vector_load %arg7[%swap3A_2305, %swap3A_2306] {strides = array<i32>} : memref<6x1024xf32, #tpu.memory_space<vmem>>, vector<1x16xf32>,
      %swap3A_2308 = vector.shape_cast %swap3A_2307 : vector<1x16xf32> to vector<16xf32>
      %swap3A_2309 = vector.shape_cast %min3A_2256 : vector<16xf32> to vector<1x16xf32>
      tpu.vector_store %arg7[%swap3A_2305, %swap3A_2306], %swap3A_2309 {strides = array<i32>} : memref<6x1024xf32, #tpu.memory_space<vmem>>, vector<1x16xf32>,
      %swap3A_2310 = arith.constant 3 : i32
      %swap3A_2311 = arith.index_cast %swap3A_2310 : i32 to index
      %swap3A_2312 = arith.index_cast %mul3A_10 : i32 to index
      %swap3A_2313 = tpu.vector_load %arg6[%swap3A_2311, %swap3A_2312] {strides = array<i32>} : memref<6x1024xi32, #tpu.memory_space<vmem>>, vector<1x16xi32>,
      %swap3A_2314 = vector.shape_cast %swap3A_2313 : vector<1x16xi32> to vector<16xi32>
      %swap3A_2315 = vector.shape_cast %select_n3A_2258 : vector<16xi32> to vector<1x16xi32>
      tpu.vector_store %arg6[%swap3A_2311, %swap3A_2312], %swap3A_2315 {strides = array<i32>} : memref<6x1024xi32, #tpu.memory_space<vmem>>, vector<1x16xi32>,
      %swap3A_2316 = arith.constant 4 : i32
      %swap3A_2317 = arith.index_cast %swap3A_2316 : i32 to index
      %swap3A_2318 = arith.index_cast %mul3A_10 : i32 to index
      %swap3A_2319 = tpu.vector_load %arg7[%swap3A_2317, %swap3A_2318] {strides = array<i32>} : memref<6x1024xf32, #tpu.memory_space<vmem>>, vector<1x16xf32>,
      %swap3A_2320 = vector.shape_cast %swap3A_2319 : vector<1x16xf32> to vector<16xf32>
      %swap3A_2321 = vector.shape_cast %min3A_2251 : vector<16xf32> to vector<1x16xf32>
      tpu.vector_store %arg7[%swap3A_2317, %swap3A_2318], %swap3A_2321 {strides = array<i32>} : memref<6x1024xf32, #tpu.memory_space<vmem>>, vector<1x16xf32>,
      %swap3A_2322 = arith.constant 4 : i32
      %swap3A_2323 = arith.index_cast %swap3A_2322 : i32 to index
      %swap3A_2324 = arith.index_cast %mul3A_10 : i32 to index
      %swap3A_2325 = tpu.vector_load %arg6[%swap3A_2323, %swap3A_2324] {strides = array<i32>} : memref<6x1024xi32, #tpu.memory_space<vmem>>, vector<1x16xi32>,
      %swap3A_2326 = vector.shape_cast %swap3A_2325 : vector<1x16xi32> to vector<16xi32>
      %swap3A_2327 = vector.shape_cast %select_n3A_2253 : vector<16xi32> to vector<1x16xi32>
      tpu.vector_store %arg6[%swap3A_2323, %swap3A_2324], %swap3A_2327 {strides = array<i32>} : memref<6x1024xi32, #tpu.memory_space<vmem>>, vector<1x16xi32>,
      %swap3A_2328 = arith.constant 5 : i32
      %swap3A_2329 = arith.index_cast %swap3A_2328 : i32 to index
      %swap3A_2330 = arith.index_cast %mul3A_10 : i32 to index
      %swap3A_2331 = tpu.vector_load %arg7[%swap3A_2329, %swap3A_2330] {strides = array<i32>} : memref<6x1024xf32, #tpu.memory_space<vmem>>, vector<1x16xf32>,
      %swap3A_2332 = vector.shape_cast %swap3A_2331 : vector<1x16xf32> to vector<16xf32>
      %swap3A_2333 = vector.shape_cast %min3A_2246 : vector<16xf32> to vector<1x16xf32>
      tpu.vector_store %arg7[%swap3A_2329, %swap3A_2330], %swap3A_2333 {strides = array<i32>} : memref<6x1024xf32, #tpu.memory_space<vmem>>, vector<1x16xf32>,
      %swap3A_2334 = arith.constant 5 : i32
      %swap3A_2335 = arith.index_cast %swap3A_2334 : i32 to index
      %swap3A_2336 = arith.index_cast %mul3A_10 : i32 to index
      %swap3A_2337 = tpu.vector_load %arg6[%swap3A_2335, %swap3A_2336] {strides = array<i32>} : memref<6x1024xi32, #tpu.memory_space<vmem>>, vector<1x16xi32>,
      %swap3A_2338 = vector.shape_cast %swap3A_2337 : vector<1x16xi32> to vector<16xi32>
      %swap3A_2339 = vector.shape_cast %select_n3A_2248 : vector<16xi32> to vector<1x16xi32>
      tpu.vector_store %arg6[%swap3A_2335, %swap3A_2336], %swap3A_2339 {strides = array<i32>} : memref<6x1024xi32, #tpu.memory_space<vmem>>, vector<1x16xi32>,
    }
    %scan3A_7 = arith.constant 64 : i32
    "tpu.region"() ({
      %run_scoped3A = tpu.sem_alloc : memref<!tpu.dma_semaphore, #tpu.memory_space<semaphore_mem>>
      %dma_start3A = arith.constant 0 : i32
      %dma_start3A_8 = tpu.memref_slice %arg3[%dma_start3A, %mul3A_2] : memref<6x32768xi32, #tpu.memory_space<hbm>> -> memref<6x1024xi32, #tpu.memory_space<hbm>>
      %dma_start3A_9 = arith.constant 0 : i32
      %dma_start3A_10 = tpu.memref_slice %arg3[%dma_start3A_9, %mul3A_2] : memref<6x32768xi32, #tpu.memory_space<hbm>> -> memref<6x1024xi32, #tpu.memory_space<hbm>>
      tpu.enqueue_dma source(%arg6 : memref<6x1024xi32, #tpu.memory_space<vmem>>) target(%dma_start3A_10 : memref<6x1024xi32, #tpu.memory_space<hbm>>) target_semaphore(%run_scoped3A : memref<!tpu.dma_semaphore, #tpu.memory_space<semaphore_mem>>)
      %dma_wait3A = arith.constant 0 : i32
      %dma_wait3A_11 = tpu.memref_slice %arg3[%dma_wait3A, %mul3A_2] : memref<6x32768xi32, #tpu.memory_space<hbm>> -> memref<6x1024xi32, #tpu.memory_space<hbm>>
      %dma_wait3A_12 = arith.constant 0 : i32
      %dma_wait3A_13 = tpu.memref_slice %arg3[%dma_wait3A_12, %mul3A_2] : memref<6x32768xi32, #tpu.memory_space<hbm>> -> memref<6x1024xi32, #tpu.memory_space<hbm>>
      tpu.wait_dma2 semaphore(%run_scoped3A : memref<!tpu.dma_semaphore, #tpu.memory_space<semaphore_mem>>) src(%arg6 : memref<6x1024xi32, #tpu.memory_space<vmem>>) dst(%dma_wait3A_13 : memref<6x1024xi32, #tpu.memory_space<hbm>>)
      tpu.yield
    }) : () -> ()
    "tpu.region"() ({
      %run_scoped3A = tpu.sem_alloc : memref<!tpu.dma_semaphore, #tpu.memory_space<semaphore_mem>>
      %dma_start3A = arith.constant 0 : i32
      %dma_start3A_8 = tpu.memref_slice %arg4[%dma_start3A, %mul3A_2] : memref<6x32768xf32, #tpu.memory_space<hbm>> -> memref<6x1024xf32, #tpu.memory_space<hbm>>
      %dma_start3A_9 = arith.constant 0 : i32
      %dma_start3A_10 = tpu.memref_slice %arg4[%dma_start3A_9, %mul3A_2] : memref<6x32768xf32, #tpu.memory_space<hbm>> -> memref<6x1024xf32, #tpu.memory_space<hbm>>
      tpu.enqueue_dma source(%arg7 : memref<6x1024xf32, #tpu.memory_space<vmem>>) target(%dma_start3A_10 : memref<6x1024xf32, #tpu.memory_space<hbm>>) target_semaphore(%run_scoped3A : memref<!tpu.dma_semaphore, #tpu.memory_space<semaphore_mem>>)
      %dma_wait3A = arith.constant 0 : i32
      %dma_wait3A_11 = tpu.memref_slice %arg4[%dma_wait3A, %mul3A_2] : memref<6x32768xf32, #tpu.memory_space<hbm>> -> memref<6x1024xf32, #tpu.memory_space<hbm>>
      %dma_wait3A_12 = arith.constant 0 : i32
      %dma_wait3A_13 = tpu.memref_slice %arg4[%dma_wait3A_12, %mul3A_2] : memref<6x32768xf32, #tpu.memory_space<hbm>> -> memref<6x1024xf32, #tpu.memory_space<hbm>>
      tpu.wait_dma2 semaphore(%run_scoped3A : memref<!tpu.dma_semaphore, #tpu.memory_space<semaphore_mem>>) src(%arg7 : memref<6x1024xf32, #tpu.memory_space<vmem>>) dst(%dma_wait3A_13 : memref<6x1024xf32, #tpu.memory_space<hbm>>)
      tpu.yield
    }) : () -> ()
    return
  }
}

module attributes {stable_mosaic.version = 14 : i64} {
  func.func @_tc_scores_body(%arg0: i32, %arg1: memref<64x2048xf32, #tpu.memory_space<vmem>>, %arg2: memref<512x2048xf32, #tpu.memory_space<vmem>>, %arg3: memref<64x512xf32, #tpu.memory_space<vmem>>) attributes {dimension_semantics = [#tpu.dimension_semantics<arbitrary>], iteration_bounds = array<i64: 64>, scalar_prefetch = 0 : i64, scratch_operands = 0 : i64, tpu.core_type = #tpu.core_type<tc>, window_params = [{pipeline_mode = #tpu.pipeline_mode<synchronous>, transform_indices = @transform_0, window_bounds = array<i64: 64, 2048>}, {transform_indices = @transform_1, window_bounds = array<i64: 512, 2048>}, {transform_indices = @transform_2, window_bounds = array<i64: 64, 512>}]} {
    %get3A = arith.constant 0 : index
    %get3A_0 = arith.constant 0 : index
    %get3A_1 = vector.load %arg1[%get3A, %get3A_0] : memref<64x2048xf32, #tpu.memory_space<vmem>>, vector<64x2048xf32>
    %get3A_2 = arith.constant 0 : index
    %get3A_3 = arith.constant 0 : index
    %get3A_4 = vector.load %arg2[%get3A_2, %get3A_3] : memref<512x2048xf32, #tpu.memory_space<vmem>>, vector<512x2048xf32>
    %dot_general3A = arith.constant dense<0.000000e+00> : vector<64x512xf32>
    %dot_general3A_5 = tpu.matmul %get3A_1, %get3A_4, %dot_general3A {dimension_numbers = #tpu.dot_dimension_numbers<[1], [1], [0], [0], [0, 0, 1, 0], [], []>, transpose_lhs_hint = false} : vector<64x2048xf32>, vector<512x2048xf32>, vector<64x512xf32> -> vector<64x512xf32>
    %reduce_max3A = arith.constant dense<0xFF800000> : vector<512xf32>
    %reduce_max3A_6 = vector.multi_reduction <maximumf>, %dot_general3A_5, %reduce_max3A [0] : vector<64x512xf32> to vector<512xf32>
    %broadcast_in_dim3A = vector.shape_cast %reduce_max3A_6 : vector<512xf32> to vector<1x512xf32>
    %sub3A = vector.broadcast %broadcast_in_dim3A : vector<1x512xf32> to vector<64x512xf32>
    %sub3A_7 = arith.subf %dot_general3A_5, %sub3A : vector<64x512xf32>
    %exp3A = math.exp %sub3A_7 : vector<64x512xf32>
    %reduce_sum3A = arith.constant dense<0.000000e+00> : vector<512xf32>
    %reduce_sum3A_8 = vector.multi_reduction <add>, %exp3A, %reduce_sum3A [0] : vector<64x512xf32> to vector<512xf32>
    %broadcast_in_dim3A_9 = vector.shape_cast %reduce_sum3A_8 : vector<512xf32> to vector<1x512xf32>
    %div3A = vector.broadcast %broadcast_in_dim3A_9 : vector<1x512xf32> to vector<64x512xf32>
    %div3A_10 = arith.divf %exp3A, %div3A : vector<64x512xf32>
    %swap3A = arith.constant 0 : index
    %swap3A_11 = arith.constant 0 : index
    %swap3A_12 = vector.load %arg3[%swap3A, %swap3A_11] : memref<64x512xf32, #tpu.memory_space<vmem>>, vector<64x512xf32>
    tpu.vector_store %arg3[%swap3A, %swap3A_11], %div3A_10 {strides = array<i32>} : memref<64x512xf32, #tpu.memory_space<vmem>>, vector<64x512xf32>,
    return
  }
  func.func @transform_0(%arg0: i32) -> (i32, i32) {
    %c0_i32 = arith.constant 0 : i32
    %c0_i32_0 = arith.constant 0 : i32
    %c0_i32_1 = arith.constant 0 : i32
    return %c0_i32, %c0_i32_0 : i32, i32
  }
  func.func @transform_1(%arg0: i32) -> (i32, i32) {
    %c0_i32 = arith.constant 0 : i32
    %c0_i32_0 = arith.constant 0 : i32
    return %arg0, %c0_i32 : i32, i32
  }
  func.func @transform_2(%arg0: i32) -> (i32, i32) {
    %c0_i32 = arith.constant 0 : i32
    %c0_i32_0 = arith.constant 0 : i32
    return %c0_i32, %arg0 : i32, i32
  }
}

</mosaic_0001>

<sc_bundles>
// kernel: kernel.4.cloned.1.call-start
scs
__scs_entry_jumppad:
0x0: {  	(pc) =	sbr.rel $0x88, $3  }
0x1: {  	(tag) =	ssettag $0x0;
	lr =	simm.s32 $0x1  }
0x2: {  	[smem:$0x3F9F] =	sst lr;
	_ =	strace $0xD0000000  }
0x3: {  	_ = 	snop  }
0x4: {  	_ = 	snop  }
0x5: {  	_ = 	snop  }
0x6: {  	_ = 	snop  }
0x7: {  	_ = 	snop  }
__scs_overlays_trampoline_lowered:
0x8: {  	[smem:$0x3FAE] =	sst s0  }
0x9: {  	[smem:$0x3FAF] =	sst s1  }
0xa: {  	[smem:$0x3FB0] =	sst s2  }
0xb: {  	[smem:$0x3FB1] =	sst s3  }
0xc: {  	[smem:$0x3FB2] =	sst s4  }
0xd: {  	[smem:$0x3FB3] =	sst s5  }
0xe: {  	[smem:$0x3FB4] =	sst s6  }
0xf: {  	[smem:$0x3FB5] =	sst s7  }
0x10: {  	[smem:$0x3FB6] =	sst s8  }
0x11: {  	[smem:$0x3FB7] =	sst s9;
	s0 =	simm.s32 @!p0 $0x0  }
0x12: {  	s1 =	sld [smem:$0x3F9D];
	s0 =	simm.s32 @p0 $0x1  }
0x13: {  	[smem:$0x3FB8] =	sst s0;
	s0 =	simm.s32 @!p1 $0x0  }
0x14: {  	s2 =	sld [smem:$0x3F9C];
	s0 =	simm.s32 @p1 $0x1  }
0x15: {  	[smem:$0x3FB9] =	sst s0;
	s0 =	simm.s32 @!p2 $0x0  }
0x16: {  	s3 =	sld [smem:$0x3FDB];
	s0 =	simm.s32 @p2 $0x1  }
0x17: {  	s4 =	simm.s32 $0x1BF5;
	[smem:$0x3FBB] =	sst s0  }
0x18: {  	s0 =	sld [smem:$0x3F9E];
	_ =	swait.ge [sflag:s4], $0x0  }
0x19: {  	s7 =	sld [smem:$0x3F9F]  }
0x1a: {  	s8 =	sadd.s32 $0xFFFFE003, lr  }
0x1b: {  	s9 =	sadd.s32 $0xFFFFFEF7, lr;
	s5 =	simm.s32 $0xFFFFFFFF;
	p2 =	slt.u32 s8, $0xFFFFF086  }
0x1c: {  	p1 =	slt.u32 s9, $0xF7A;
	s5 =	simm.s32 @!p2 $0x0  }
0x1d: {  	s5 =	simm.s32 @p1 $0x1;
	p0 =	seq.s32 s7, s2  }
0x1e: {  	s7 =	smul.u32 @!p0 $0xF7A, s2;
	p2 =	seq.s32 @!p0 s5, $0x0  }
0x1f: {  	s9 =	smul.u32 $0xF7A, s1;
	s8 =	simm.s32 @!p0 $0x1BF5;
	p2 =	por !p2, p0  }
0x20: {  	[sflag:s8] =	ssyncset.s32 @!p0 $0xFFFFF086;
	s6 =	sadd.s32 @!p0 s3, s7;
	s7 =	simm.s32 @!p0 $0x108  }
0x21: {  	s3 =	sadd.s32 s3, s9;
	s6 =	sadd.s32 @!p0 $0x88, s6;
	s7 =	simm.s32 @p2 $0x1082  }
0x22: {  	[simem:s7], [sflag:s8] =	dma.local @!p0 [hbm:s6], $0xF7A  }
0x23: {  	s9 =	sor.u32 $0xD0000000, s2;
	s6 =	simm.s32 $0x108;
	_ =	swait.ge @!p0 [sflag:s8], $0x0  }
0x24: {  	s3 =	sadd.s32 $0x88, s3;
	s6 =	simm.s32 @!p1 $0x1082;
	[sflag:s4] =	ssyncset.s32 $0xFFFFF086  }
0x25: {  	[simem:s6], [sflag:s4] =	dma.local [hbm:s3], $0xF7A  }
0x26: {  	[smem:$0x3F9F] =	sst s1;
	(tag) =	ssettag s2;
	_ =	strace s9  }
0x27: {  	s1 =	sld [smem:$0x3FAF]  }
0x28: {  	s2 =	sld [smem:$0x3FB0]  }
0x29: {  	s4 =	sld [smem:$0x3FB2]  }
0x2a: {  	p0 =	seq.s32 s5, $0x0;
	s5 =	sld [smem:$0x3FB3]  }
0x2b: {  	s6 =	sld [smem:$0x3FB4]  }
0x2c: {  	s7 =	sld [smem:$0x3FB5]  }
0x2d: {  	s3 =	simm.s32 $0x108;
	s8 =	sld [smem:$0x3FB6]  }
0x2e: {  	s3 =	simm.s32 @!p0 $0x1082;
	s9 =	sld [smem:$0x3FB7]  }
0x2f: {  	lr =	sadd.s32 s0, s3;
	s0 =	sld [smem:$0x3FAE]  }
0x30: {  	s3 =	sld [smem:$0x3FB1]  }
0x31: {  	[smem:$0x3FBA] =	sst s10  }
0x32: {  	s10 =	sld [smem:$0x3FB8];
	_ =	sdelay $0x3  }
0x33: {  	p0 =	seq.s32 s10, $0x1;
	s10 =	sld [smem:$0x3FBA];
	_ =	sdelay $0x3  }
0x34: {  	[smem:$0x3FBA] =	sst s10  }
0x35: {  	s10 =	sld [smem:$0x3FB9];
	_ =	sdelay $0x3  }
0x36: {  	p1 =	seq.s32 s10, $0x1;
	s10 =	sld [smem:$0x3FBA];
	_ =	sdelay $0x3  }
0x37: {  	[smem:$0x3FBA] =	sst s10  }
0x38: {  	s10 =	sld [smem:$0x3FBB]  }
0x39: {  	_ = 	snop;
	(pc) =	sbr.ind lr, $3  }
0x3a: {  	_ = 	snop  }
0x3b: {  	_ = 	snop  }
0x3c: {  	p2 =	seq.s32 s10, $0x1;
	s10 =	sld [smem:$0x3FBA]  }
0x3d: {  	_ =	shalt  }
0x3e: {  	_ =	shalt  }
0x3f: {  	_ =	shalt  }
0x40: {  	_ =	shalt  }
0x41: {  	_ =	shalt  }
0x42: {  	_ =	shalt  }
0x43: {  	_ =	shalt  }
0x44: {  	_ =	shalt  }
0x45: {  	_ =	shalt  }
0x46: {  	_ =	shalt  }
0x47: {  	_ =	shalt  }
0x48: {  	_ =	shalt  }
0x49: {  	_ =	shalt  }
0x4a: {  	_ =	shalt  }
0x4b: {  	_ =	shalt  }
0x4c: {  	_ =	shalt  }
0x4d: {  	_ =	shalt  }
0x4e: {  	_ =	shalt  }
0x4f: {  	_ =	shalt  }
0x50: {  	_ =	shalt  }
0x51: {  	_ =	shalt  }
0x52: {  	_ =	shalt  }
0x53: {  	_ =	shalt  }
0x54: {  	_ =	shalt  }
0x55: {  	_ =	shalt  }
0x56: {  	_ =	shalt  }
0x57: {  	_ =	shalt  }
0x58: {  	_ =	shalt  }
0x59: {  	_ =	shalt  }
0x5a: {  	_ =	shalt  }
0x5b: {  	_ =	shalt  }
0x5c: {  	_ =	shalt  }
0x5d: {  	_ =	shalt  }
0x5e: {  	_ =	shalt  }
0x5f: {  	_ =	shalt  }
0x60: {  	_ =	shalt  }
0x61: {  	_ =	shalt  }
0x62: {  	_ =	shalt  }
0x63: {  	_ =	shalt  }
0x64: {  	_ =	shalt  }
0x65: {  	_ =	shalt  }
0x66: {  	_ =	shalt  }
0x67: {  	_ =	shalt  }
0x68: {  	_ =	shalt  }
0x69: {  	_ =	shalt  }
0x6a: {  	_ =	shalt  }
0x6b: {  	_ =	shalt  }
0x6c: {  	_ =	shalt  }
0x6d: {  	_ =	shalt  }
0x6e: {  	_ =	shalt  }
0x6f: {  	_ =	shalt  }
0x70: {  	_ =	shalt  }
0x71: {  	_ =	shalt  }
0x72: {  	_ =	shalt  }
0x73: {  	_ =	shalt  }
0x74: {  	_ =	shalt  }
0x75: {  	_ =	shalt  }
0x76: {  	_ =	shalt  }
0x77: {  	_ =	shalt  }
0x78: {  	_ =	shalt  }
0x79: {  	_ =	shalt  }
0x7a: {  	_ =	shalt  }
0x7b: {  	_ =	shalt  }
0x7c: {  	_ =	shalt  }
0x7d: {  	_ =	shalt  }
0x7e: {  	_ =	shalt  }
0x7f: {  	_ =	shalt  }
0x80: {  	_ =	shalt  }
0x81: {  	_ =	shalt  }
0x82: {  	_ =	shalt  }
0x83: {  	_ =	shalt  }
0x84: {  	_ =	shalt  }
0x85: {  	_ =	shalt  }
0x86: {  	_ =	shalt  }
0x87: {  	_ =	shalt  }
.Lfunc_end0:
.L_simem_size_0:
called_computation_lowered:
.L_overlay_start_0:
0x88: {  	s2 =	sld [smem:$0x3FD9]  }
0x89: {  	s3 =	sld [smem:$0x3FFE];
	_ =	sdelay $0x1  }
0x8a: {  	s1 =	srdreg.scid  }
0x8b: {  	s0 =	sand.u32 $0x1, s1  }
0x8c: {  	s14 =	sshll.u32 s0, $0xA;
	s2 =	sadd.s32 s3, s2  }
0x8d: {  	s2 =	sadd.s32 s2, s14  }
0x8e: {  	[smem:$0x3FC6] =	sst s2  }
0x8f: {  	_ = 	snop  }
0x90: {  	s2 =	sld [smem:$0x3FD0];
	_ =	sdelay $0x2  }
0x91: {  	s15 =	simm.s32 $0xA;
	s4 =	simm.s32 $0x10  }
0x92: {  	[smem:s4], [sflag:s15] =	dma.local [hbm:s2], $0x1  }
0x93: {  	_ =	swait.eq [sflag:s15], $0x1  }
0x94: {  	[sflag:s15] =	ssyncset.done $0x0  }
0x95: {  	s16 =	sld [smem:$0x10];
	[sflag:s15] =	ssyncadd.s32 $0xFFFFFFFF  }
0x96: {  	s17 =	sld [smem:$0x11];
	(tm) =	ssettm $0x1  }
0x97: {  	s18 =	sld [smem:$0x3FFB];
	_ =	sdelay $0x3  }
0x98: {  	_ =	strace s18  }
0x99: {  	s4 =	sld [smem:$0x3FFC];
	_ =	sdelay $0x3  }
0x9a: {  	_ =	strace s4  }
0x9b: {  	s4 =	sld [smem:$0x3FFD];
	_ =	sdelay $0x3  }
0x9c: {  	_ =	strace s4  }
0x9d: {  	_ =	strace $0x8FFFFFFF  }
0x9e: {  	s19 =	sld [smem:$0x3FDB];
	_ =	sdelay $0x1  }
0x9f: {  	s5 =	simm.s32 $_scs_section_size  }
0xa0: {  	s6 =	simm.s32 $_size__tile_overlayer_lowered;
	s7 =	simm.s32 $_tile_overlayer_lowered  }
0xa1: {  	s22 =	simm.s32 $0x1BFF;
	s21 =	sshll.u32 s7, $0x1;
	s4 =	sadd.s32 s5, s19  }
0xa2: {  	s8 =	simm.s32 $0x0;
	s20 =	sshll.u32 s6, $0x1;
	s6 =	sadd.s32 s21, s4  }
0xa3: {  	[timem:s8], [sflag:s22] =	dma.local [hbm:s6], s20  }
0xa4: {  	_ =	swait.ge [sflag:s22], s20  }
0xa5: {  	s5 =	ssub.s32 $0x0, s20;
	[sflag:s22] =	ssyncset.done $0x0  }
0xa6: {  	[sflag:s22] =	ssyncadd.s32 s5;
	_ =	sdelay $0x1  }
0xa7: {  	s23 =	simm.s32 $0x1B8B  }
0xa8: {  	_ =	swait.ge [sflag:s23], $0x1  }
0xa9: {  	[sflag:s23] =	ssyncset.done $0x0  }
0xaa: {  	s25 =	simm.s32 $0x1B8E;
	s24 =	sld [smem:$0x3FFE];
	[sflag:s23] =	ssyncadd.s32 $0xFFFFFFFF  }
0xab: {  	s26 =	simm.s32 $execute0_lowered;
	[smem:$0x3FD2] =	sst s25  }
0xac: {  	s6 =	sshll.u32 s26, $0x1;
	_ =	strace $0x80000046;
	[dreg:$0x1] =	wrdreg $0xFFFFFFFF  }
0xad: {  	s28 =	simm.s32 $_size_execute0_lowered;
	s4 =	sadd.s32 s4, s6;
	[dreg:$0x0] =	wrdreg $0x0  }
0xae: {  	s6 =	sshll.u32 s28, $0x1;
	[dreg:$0x2] =	wrdreg s4  }
0xaf: {  	[dreg:$0x3] =	wrdreg s6  }
0xb0: {  	[dreg:$0x4] =	wrdreg $0xC0  }
0xb1: {  	_ =	task [dreg:s8], $0x5FFFF  }
0xb2: {  	[dreg:$0x1] =	wrdreg $0xFFFFFFFF  }
0xb3: {  	[dreg:$0x0] =	wrdreg $0x60  }
0xb4: {  	[dreg:$0x2] =	wrdreg s24  }
0xb5: {  	[dreg:$0x3] =	wrdreg s16  }
0xb6: {  	[dreg:$0x4] =	wrdreg s17  }
0xb7: {  	[dreg:$0x5] =	wrdreg $0x9  }
0xb8: {  	_ =	task.clear_ibuf [dreg:s8], $0x6FFFF;
	_ =	strace $0x90000046  }
0xb9: {  	s29 =	simm.s32 $0x9;
	_ =	strace $0x80000048  }
0xba: {  	_ =	swait.ge [sflag:s29], $0x1  }
0xbb: {  	[sflag:s29] =	ssyncadd.s32 $0xFFFFFFFF  }
0xbc: {  	_ =	strace $0x90000048  }
0xbd: {  	_ =	sfence  }
0xbe: {  	s30 =	sld [smem:$0x0];
	_ =	sdelay $0x2  }
0xbf: {  	s31 =	sshll.u32 s1, $0xD;
	s1 =	sshrl.u32 s1, $0x2  }
0xc0: {  	s3 =	sand.u32 $0x4000, s31;
	s1 =	sadd.s32 s1, s30  }
0xc1: {  	s0 =	sor.u32 s3, s0;
	s1 =	sshll.u32 s1, $0x11  }
0xc2: {  	s0 =	sor.u32 s1, s0  }
0xc3: {  	s0 =	sadd.s32 $0x8F2B, s0  }
0xc4: {  	[sflag:s0] =	ssyncadd.remote.s32 $0x1  }
0xc5: {  	_ =	sfence.sel $0xFFFF  }
0xc6: {  	[dreg:$0x0] =	wrdreg $0xFFFFFFFF;
	(pc) =	sbr.abs _section_cstart, $3  }
0xc7: {  	[dreg:$0x1] =	wrdreg $0xFFFFFFFF  }
0xc8: {  	_ =	task.clear_ibuf [dreg:s8], $0x2FFFF;
	_ =	strace $0x9FFFFFFF  }
0xc9: {  	(tm) =	ssettm $0x7FFFFFFF  }
tec
execute0_lowered:
.L_overlay_start_1:
0x0: {  	(tag) =	ssettag $0x1  }
0x1: {  	s3 =	rddreg [dreg:$0x0]  }
0x2: {  	s4 =	rddreg [dreg:$0x1];
	s0 =	srdreg.scid  }
0x3: {  	s5 =	rddreg [dreg:$0x2];
	s1 =	stileid.u32;
	s2 =	simm.s32 $0x0  }
0x4: {  	s9 =	simm.s32 $0x1;
	s10 =	simm.s32 $0x10000;
	s11 =	simm.s32 $0x12000  }
0x5: {  	s12 =	simm.s32 $0x0;
	s6 =	sand.u32 $0x1, s0;
	s0 =	rddreg [dreg:$0x3]  }
0x6: {  	s8 =	sshll.u32 s1, $0xA;
	[smem:$0x7FF] =	sst s2;
	s7 =	sshll.u32 s6, $0xE  }
0x7: {  	s6 =	ssub.s32 $0x2, s6;
	_ =	strace $0x80000047;
	s7 =	sor.u32 s8, s7  }
0x8: {  	s31 =	sshrl.u32 s6, $0x1;
	s8 =	simm.s32 $0x40000;
	s3 =	sadd.s32 s7, s3  }
0x9: {  	s6 =	ssub.s32 s6, s31;
	s4 =	sadd.s32 s4, s7;
	s5 =	sadd.s32 s5, s7  }
0xa: {  	v0 =	vimm.s32 $0x0;
	s7 =	simm.s32 $0x2000;
	s3 =	sadd.s32 $0xC00, s3;
	s6 =	smax.u32 s6, $0x1  }
.LBB2_1:
0xb: {  	[tilespmem:s2], [sflag:$0x1] =	stream.strided.gather [hbm4b:s3+s7], $0x10000, s8, s7, $0x38;
	[tilespmem:$0x14000] =	vst v63  }
0xc: {  	_ =	swait.ge [sflag:s9], $0x10000  }
0xd: {  	[sflag:s9] =	ssyncset.done $0x0  }
0xe: {  	s13 =	simm.s32 $0x0;
	s14 =	simm.s32 $0x0;
	[sflag:s9] =	ssyncadd.s32 $0xFFFF0000  }
.LBB2_2:
0xf: {  	s15 =	sand.u32 $0x70, s14;
	s16 =	sand.u32 $0x1C00, s13  }
0x10: {  	s15 =	sor.u32 s15, s16  }
0x11: {  	v1 =	vld [tilespmem:s15+$0x0];
	_ =	sdelay $0x1  }
0x12: {  	v2 =	vld [tilespmem:s15+$0x80];
	_ =	sdelay $0x2  }
0x13: {  	v1 =	vmax.f32 v1, $-1.000000000e+00  }
0x14: {  	v4 =	vld [tilespmem:s15+$0x100];
	v3 =	vmin.f32 v1, $-1.000000000e+00  }
0x15: {  	vm0 =	vgt.f32 v2, v3;
	v2 =	vmax.f32 v3, v2  }
0x16: {  	v5 =	vsel vm0, $0x1, v0;
	vm9 =	vgt.f32 v2, v3  }
0x17: {  	v3 =	vmin.f32 v3, v2;
	vm10 =	vgt.f32 v2, v1;
	v7 =	vmax.f32 v1, v2  }
0x18: {  	v1 =	vmin.f32 v1, v2;
	v6 =	vsel vm9, $0x0, v5;
	v5 =	vnsel vm9, $0x0, v5  }
0x19: {  	v8 =	vld [tilespmem:s15+$0x180];
	vm1 =	vgt.f32 v4, v3;
	v2 =	vmax.f32 v3, v4;
	v18 =	vnsel vm10, $0x0, v5  }
0x1a: {  	v6 =	vsel vm1, $0x2, v6;
	vm11 =	vgt.f32 v2, v3;
	v5 =	vsel vm10, $0x0, v5  }
0x1b: {  	v3 =	vmin.f32 v3, v2;
	vm12 =	vgt.f32 v2, v1;
	v10 =	vmax.f32 v1, v2  }
0x1c: {  	v1 =	vmin.f32 v1, v2;
	v9 =	vsel vm11, $0x0, v6;
	v6 =	vnsel vm11, $0x0, v6  }
0x1d: {  	vm13 =	vgt.f32 v10, v7;
	v19 =	vmax.f32 v7, v10;
	v7 =	vmin.f32 v7, v10  }
0x1e: {  	v11 =	vld [tilespmem:s15+$0x200];
	vm14 =	vgt.f32 v8, v3;
	v8 =	vmax.f32 v3, v8;
	v2 =	vsel vm12, v6, v5  }
0x1f: {  	v5 =	vsel vm12, v5, v6;
	v21 =	vsel vm14, $0x3, v9;
	vm15 =	vgt.f32 v8, v3  }
0x20: {  	v3 =	vmin.f32 v3, v8;
	vm4 =	vgt.f32 v8, v1;
	v12 =	vmax.f32 v1, v8  }
0x21: {  	v1 =	vmin.f32 v1, v8;
	v20 =	vsel vm13, v2, v18;
	v2 =	vsel vm13, v18, v2  }
0x22: {  	v9 =	vsel vm15, $0x0, v21;
	v4 =	vnsel vm15, $0x0, v21;
	vm5 =	vgt.f32 v12, v7  }
0x23: {  	v23 =	vmax.f32 v7, v12;
	v7 =	vmin.f32 v7, v12;
	vm7 =	vgt.f32 v11, v3  }
0x24: {  	v26 =	vmax.f32 v3, v11;
	v22 =	vsel vm4, v4, v5;
	v4 =	vsel vm4, v5, v4  }
0x25: {  	v30 =	vld [tilespmem:s15+$0x280];
	vm6 =	vgt.f32 v23, v19;
	v25 =	vmax.f32 v19, v23;
	v5 =	vmin.f32 v19, v23  }
0x26: {  	v9 =	vsel vm7, $0x4, v9;
	vm8 =	vgt.f32 v26, v3;
	v3 =	vmin.f32 v3, v26  }
0x27: {  	vm9 =	vgt.f32 v26, v1;
	v13 =	vmax.f32 v1, v26;
	v1 =	vmin.f32 v1, v26  }
0x28: {  	v24 =	vsel vm5, v22, v2;
	v2 =	vsel vm5, v2, v22;
	v28 =	vnsel vm8, $0x0, v9  }
0x29: {  	v9 =	vsel vm8, $0x0, v9;
	vm10 =	vgt.f32 v13, v7;
	v14 =	vmax.f32 v7, v13  }
0x2a: {  	v7 =	vmin.f32 v7, v13;
	vm13 =	vgt.f32 v30, v3;
	v3 =	vmax.f32 v3, v30  }
0x2b: {  	v27 =	vsel vm6, v24, v20;
	v10 =	vsel vm6, v20, v24;
	v29 =	vsel vm9, v28, v4  }
0x2c: {  	v4 =	vsel vm9, v4, v28;
	vm11 =	vgt.f32 v14, v5;
	v32 =	vmax.f32 v5, v14  }
0x2d: {  	v38 =	vld [tilespmem:s15+$0x300];
	v5 =	vmin.f32 v5, v14;
	v9 =	vsel vm13, $0x5, v9;
	vm14 =	vgt.f32 v3, v1  }
0x2e: {  	v12 =	vmax.f32 v1, v3;
	v1 =	vmin.f32 v1, v3;
	v31 =	vsel vm10, v29, v2  }
0x2f: {  	v2 =	vsel vm10, v2, v29;
	vm12 =	vgt.f32 v32, v25;
	v34 =	vmax.f32 v25, v32  }
0x30: {  	v6 =	vmin.f32 v25, v32;
	v3 =	vsel vm14, v9, v4;
	v4 =	vsel vm14, v4, v9  }
0x31: {  	vm15 =	vgt.f32 v12, v7;
	v36 =	vmax.f32 v7, v12;
	v7 =	vmin.f32 v7, v12  }
0x32: {  	vm7 =	vgt.f32 v38, v1;
	v1 =	vmax.f32 v1, v38;
	v33 =	vsel vm11, v31, v10  }
0x33: {  	s31 =	sor.u32 s13, s14;
	v10 =	vsel vm11, v10, v31;
	v37 =	vsel vm15, v3, v2;
	v2 =	vsel vm15, v2, v3  }
0x34: {  	s16 =	sor.u32 $0x380, s31;
	vm4 =	vgt.f32 v36, v5;
	v3 =	vmax.f32 v5, v36;
	v5 =	vmin.f32 v5, v36  }
0x35: {  	v48 =	vld [tilespmem:s16+$0x0];
	v4 =	vsel vm7, $0x6, v4;
	vm8 =	vgt.f32 v1, v7;
	v44 =	vmax.f32 v7, v1  }
0x36: {  	v1 =	vmin.f32 v7, v1;
	v35 =	vsel vm12, v33, v27;
	v11 =	vsel vm12, v27, v33  }
0x37: {  	v39 =	vsel vm4, v37, v10;
	v10 =	vsel vm4, v10, v37;
	vm5 =	vgt.f32 v3, v6  }
0x38: {  	v40 =	vmax.f32 v6, v3;
	v3 =	vmin.f32 v6, v3;
	v45 =	vsel vm8, v4, v2  }
0x39: {  	v2 =	vsel vm8, v2, v4;
	vm9 =	vgt.f32 v44, v5;
	v46 =	vmax.f32 v5, v44  }
0x3a: {  	v5 =	vmin.f32 v5, v44;
	vm13 =	vgt.f32 v48, v1;
	v1 =	vmax.f32 v1, v48  }
0x3b: {  	v41 =	vsel vm5, v39, v11;
	v9 =	vsel vm5, v11, v39;
	vm6 =	vgt.f32 v40, v34  }
0x3c: {  	v42 =	vmax.f32 v34, v40;
	v12 =	vmin.f32 v34, v40;
	v47 =	vsel vm9, v45, v10  }
0x3d: {  	v7 =	vsel vm9, v10, v45;
	vm10 =	vgt.f32 v46, v3;
	v49 =	vmax.f32 v3, v46  }
0x3e: {  	v60 =	vld [tilespmem:s15+$0x2000];
	v3 =	vmin.f32 v3, v46;
	v2 =	vsel vm13, $0x7, v2;
	vm14 =	vgt.f32 v1, v5  }
0x3f: {  	v56 =	vmax.f32 v5, v1;
	v1 =	vmin.f32 v5, v1;
	v43 =	vsel vm6, v41, v35  }
0x40: {  	v6 =	vsel vm6, v35, v41;
	v50 =	vsel vm10, v47, v9;
	v8 =	vsel vm10, v9, v47  }
0x41: {  	vm11 =	vgt.f32 v49, v12;
	v51 =	vmax.f32 v12, v49;
	v12 =	vmin.f32 v12, v49  }
0x42: {  	v57 =	vsel vm14, v2, v7;
	v2 =	vsel vm14, v7, v2;
	vm15 =	vgt.f32 v56, v3  }
0x43: {  	v58 =	vmax.f32 v3, v56;
	v3 =	vmin.f32 v3, v56;
	vm7 =	vgt.f32 v60, v1  }
0x44: {  	v1 =	vmax.f32 v1, v60;
	v52 =	vsel vm11, v50, v6;
	v4 =	vsel vm11, v6, v50  }
0x45: {  	vm12 =	vgt.f32 v51, v42;
	v53 =	vmax.f32 v42, v51;
	v9 =	vmin.f32 v42, v51  }
0x46: {  	v59 =	vsel vm15, v57, v8;
	v5 =	vsel vm15, v8, v57;
	vm4 =	vgt.f32 v58, v12  }
0x47: {  	v61 =	vmax.f32 v12, v58;
	v7 =	vmin.f32 v12, v58;
	v2 =	vsel vm7, $0x8, v2  }
0x48: {  	v22 =	vld [tilespmem:s15+$0x2080];
	vm8 =	vgt.f32 v1, v3;
	v8 =	vmax.f32 v3, v1;
	v1 =	vmin.f32 v3, v1  }
0x49: {  	v54 =	vsel vm12, v52, v43;
	v55 =	vsel vm12, v43, v52;
	v62 =	vsel vm4, v59, v4  }
0x4a: {  	v4 =	vsel vm4, v4, v59;
	vm5 =	vgt.f32 v61, v9;
	v63 =	vmax.f32 v9, v61  }
0x4b: {  	v9 =	vmin.f32 v9, v61;
	v3 =	vsel vm8, v2, v5;
	v2 =	vsel vm8, v5, v2  }
0x4c: {  	vm9 =	vgt.f32 v8, v7;
	v19 =	vmax.f32 v7, v8;
	v7 =	vmin.f32 v7, v8  }
0x4d: {  	vm13 =	vgt.f32 v22, v1;
	v1 =	vmax.f32 v1, v22;
	v16 =	vsel vm5, v62, v55  }
0x4e: {  	v10 =	vsel vm5, v55, v62;
	vm6 =	vgt.f32 v63, v53;
	v17 =	vmax.f32 v53, v63  }
0x4f: {  	v6 =	vmin.f32 v53, v63;
	v20 =	vsel vm9, v3, v4;
	v3 =	vsel vm9, v4, v3  }
0x50: {  	vm10 =	vgt.f32 v19, v9;
	v21 =	vmax.f32 v9, v19;
	v5 =	vmin.f32 v9, v19  }
0x51: {  	v31 =	vld [tilespmem:s15+$0x2100];
	v2 =	vsel vm13, $0x9, v2;
	vm14 =	vgt.f32 v1, v7;
	v28 =	vmax.f32 v7, v1  }
0x52: {  	v1 =	vmin.f32 v7, v1;
	v18 =	vsel vm6, v16, v54;
	v11 =	vsel vm6, v54, v16  }
0x53: {  	v23 =	vsel vm10, v20, v10;
	v8 =	vsel vm10, v10, v20;
	vm11 =	vgt.f32 v21, v6  }
0x54: {  	v24 =	vmax.f32 v6, v21;
	v4 =	vmin.f32 v6, v21;
	v29 =	vsel vm14, v2, v3  }
0x55: {  	v2 =	vsel vm14, v3, v2;
	vm15 =	vgt.f32 v28, v5;
	v3 =	vmax.f32 v5, v28  }
0x56: {  	v5 =	vmin.f32 v5, v28;
	vm7 =	vgt.f32 v31, v1;
	v1 =	vmax.f32 v1, v31  }
0x57: {  	v25 =	vsel vm11, v23, v11;
	v9 =	vsel vm11, v11, v23;
	vm12 =	vgt.f32 v24, v17  }
0x58: {  	v26 =	vmax.f32 v17, v24;
	v10 =	vmin.f32 v17, v24;
	v30 =	vsel vm15, v29, v8  }
0x59: {  	v7 =	vsel vm15, v8, v29;
	vm4 =	vgt.f32 v3, v4;
	v32 =	vmax.f32 v4, v3  }
0x5a: {  	v3 =	vmin.f32 v4, v3;
	v2 =	vsel vm7, $0xA, v2;
	vm8 =	vgt.f32 v1, v5  }
0x5b: {  	v39 =	vmax.f32 v5, v1;
	v1 =	vmin.f32 v5, v1;
	v27 =	vsel vm12, v25, v18  }
0x5c: {  	v6 =	vsel vm12, v18, v25;
	v33 =	vsel vm4, v30, v9;
	v9 =	vsel vm4, v9, v30  }
0x5d: {  	vm5 =	vgt.f32 v32, v10;
	v34 =	vmax.f32 v10, v32;
	v10 =	vmin.f32 v10, v32  }
0x5e: {  	v43 =	vld [tilespmem:s15+$0x2180];
	v40 =	vsel vm8, v2, v7;
	v2 =	vsel vm8, v7, v2;
	vm9 =	vgt.f32 v39, v3  }
0x5f: {  	v41 =	vmax.f32 v3, v39;
	v3 =	vmin.f32 v3, v39;
	v35 =	vsel vm5, v33, v6  }
0x60: {  	v4 =	vsel vm5, v6, v33;
	vm6 =	vgt.f32 v34, v26;
	v36 =	vmax.f32 v26, v34  }
0x61: {  	v11 =	vmin.f32 v26, v34;
	v42 =	vsel vm9, v40, v9;
	v5 =	vsel vm9, v9, v40  }
0x62: {  	vm10 =	vgt.f32 v41, v10;
	v44 =	vmax.f32 v10, v41;
	v7 =	vmin.f32 v10, v41  }
0x63: {  	vm13 =	vgt.f32 v43, v1;
	v1 =	vmax.f32 v1, v43;
	v37 =	vsel vm6, v35, v27  }
0x64: {  	v38 =	vsel vm6, v27, v35;
	v45 =	vsel vm10, v42, v4;
	v4 =	vsel vm10, v4, v42  }
0x65: {  	v53 =	vld [tilespmem:s15+$0x2200];
	vm11 =	vgt.f32 v44, v11;
	v46 =	vmax.f32 v11, v44;
	v11 =	vmin.f32 v11, v44  }
0x66: {  	v2 =	vsel vm13, $0xB, v2;
	vm14 =	vgt.f32 v1, v3;
	v9 =	vmax.f32 v3, v1  }
0x67: {  	v1 =	vmin.f32 v3, v1;
	v47 =	vsel vm11, v45, v38;
	v8 =	vsel vm11, v38, v45  }
0x68: {  	vm12 =	vgt.f32 v46, v36;
	v48 =	vmax.f32 v36, v46;
	v6 =	vmin.f32 v36, v46  }
0x69: {  	v3 =	vsel vm14, v2, v5;
	v2 =	vsel vm14, v5, v2;
	vm15 =	vgt.f32 v9, v7  }
0x6a: {  	v50 =	vmax.f32 v7, v9;
	v7 =	vmin.f32 v7, v9;
	vm7 =	vgt.f32 v53, v1  }
0x6b: {  	v1 =	vmax.f32 v1, v53;
	v49 =	vsel vm12, v47, v37;
	v13 =	vsel vm12, v37, v47  }
0x6c: {  	v51 =	vsel vm15, v3, v4;
	v3 =	vsel vm15, v4, v3;
	vm4 =	vgt.f32 v50, v11  }
0x6d: {  	v62 =	vld [tilespmem:s15+$0x2280];
	v52 =	vmax.f32 v11, v50;
	v5 =	vmin.f32 v11, v50;
	v2 =	vsel vm7, $0xC, v2  }
0x6e: {  	vm8 =	vgt.f32 v1, v7;
	v59 =	vmax.f32 v7, v1;
	v1 =	vmin.f32 v7, v1  }
0x6f: {  	v54 =	vsel vm4, v51, v8;
	v8 =	vsel vm4, v8, v51;
	vm5 =	vgt.f32 v52, v6  }
0x70: {  	v55 =	vmax.f32 v6, v52;
	v4 =	vmin.f32 v6, v52;
	v60 =	vsel vm8, v2, v3  }
0x71: {  	v2 =	vsel vm8, v3, v2;
	vm9 =	vgt.f32 v59, v5;
	v3 =	vmax.f32 v5, v59  }
0x72: {  	v5 =	vmin.f32 v5, v59;
	vm13 =	vgt.f32 v62, v1;
	v1 =	vmax.f32 v1, v62  }
0x73: {  	v56 =	vsel vm5, v54, v13;
	v11 =	vsel vm5, v13, v54;
	vm6 =	vgt.f32 v55, v48  }
0x74: {  	v57 =	vmax.f32 v48, v55;
	v9 =	vmin.f32 v48, v55;
	v61 =	vsel vm9, v60, v8  }
0x75: {  	v7 =	vsel vm9, v8, v60;
	vm10 =	vgt.f32 v3, v4;
	v63 =	vmax.f32 v4, v3  }
0x76: {  	v26 =	vld [tilespmem:s15+$0x2300];
	v3 =	vmin.f32 v4, v3;
	v2 =	vsel vm13, $0xD, v2;
	vm14 =	vgt.f32 v1, v5  }
0x77: {  	v22 =	vmax.f32 v5, v1;
	v1 =	vmin.f32 v5, v1;
	v58 =	vsel vm6, v56, v49  }
0x78: {  	v6 =	vsel vm6, v49, v56;
	v16 =	vsel vm10, v61, v11;
	v11 =	vsel vm10, v11, v61  }
0x79: {  	vm11 =	vgt.f32 v63, v9;
	v17 =	vmax.f32 v9, v63;
	v9 =	vmin.f32 v9, v63  }
0x7a: {  	v23 =	vsel vm14, v2, v7;
	v2 =	vsel vm14, v7, v2;
	vm15 =	vgt.f32 v22, v3  }
0x7b: {  	v24 =	vmax.f32 v3, v22;
	v3 =	vmin.f32 v3, v22;
	vm7 =	vgt.f32 v26, v1  }
0x7c: {  	v1 =	vmax.f32 v1, v26;
	v18 =	vsel vm11, v16, v6;
	v4 =	vsel vm11, v6, v16  }
0x7d: {  	vm12 =	vgt.f32 v17, v57;
	v19 =	vmax.f32 v57, v17;
	v12 =	vmin.f32 v57, v17  }
0x7e: {  	v25 =	vsel vm15, v23, v11;
	v5 =	vsel vm15, v11, v23;
	vm4 =	vgt.f32 v24, v9  }
0x7f: {  	v27 =	vmax.f32 v9, v24;
	v7 =	vmin.f32 v9, v24;
	v2 =	vsel vm7, $0xE, v2  }
0x80: {  	v36 =	vld [tilespmem:s15+$0x2380];
	vm8 =	vgt.f32 v1, v3;
	v11 =	vmax.f32 v3, v1;
	v1 =	vmin.f32 v3, v1  }
0x81: {  	v20 =	vsel vm12, v18, v58;
	v21 =	vsel vm12, v58, v18;
	v28 =	vsel vm4, v25, v4  }
0x82: {  	v4 =	vsel vm4, v4, v25;
	vm5 =	vgt.f32 v27, v12;
	v29 =	vmax.f32 v12, v27  }
0x83: {  	v12 =	vmin.f32 v12, v27;
	v3 =	vsel vm8, v2, v5;
	v2 =	vsel vm8, v5, v2  }
0x84: {  	vm9 =	vgt.f32 v11, v7;
	v33 =	vmax.f32 v7, v11;
	v7 =	vmin.f32 v7, v11  }
0x85: {  	vm13 =	vgt.f32 v36, v1;
	v1 =	vmax.f32 v1, v36;
	v30 =	vsel vm5, v28, v21  }
0x86: {  	v8 =	vsel vm5, v21, v28;
	vm6 =	vgt.f32 v29, v19;
	v31 =	vmax.f32 v19, v29  }
0x87: {  	v6 =	vmin.f32 v19, v29;
	v34 =	vsel vm9, v3, v4;
	v3 =	vsel vm9, v4, v3  }
0x88: {  	vm10 =	vgt.f32 v33, v12;
	v35 =	vmax.f32 v12, v33;
	v5 =	vmin.f32 v12, v33  }
0x89: {  	v45 =	vld [tilespmem:s15+$0x4000];
	v2 =	vsel vm13, $0xF, v2;
	vm14 =	vgt.f32 v1, v7;
	v42 =	vmax.f32 v7, v1  }
0x8a: {  	v1 =	vmin.f32 v7, v1;
	v32 =	vsel vm6, v30, v20;
	v13 =	vsel vm6, v20, v30  }
0x8b: {  	v37 =	vsel vm10, v34, v8;
	v8 =	vsel vm10, v8, v34;
	vm11 =	vgt.f32 v35, v6  }
0x8c: {  	v38 =	vmax.f32 v6, v35;
	v4 =	vmin.f32 v6, v35;
	v43 =	vsel vm14, v2, v3  }
0x8d: {  	v2 =	vsel vm14, v3, v2;
	vm15 =	vgt.f32 v42, v5;
	v3 =	vmax.f32 v5, v42  }
0x8e: {  	v5 =	vmin.f32 v5, v42;
	vm7 =	vgt.f32 v45, v1;
	v1 =	vmax.f32 v1, v45  }
0x8f: {  	v39 =	vsel vm11, v37, v13;
	v12 =	vsel vm11, v13, v37;
	vm12 =	vgt.f32 v38, v31  }
0x90: {  	v40 =	vmax.f32 v31, v38;
	v9 =	vmin.f32 v31, v38;
	v44 =	vsel vm15, v43, v8  }
0x91: {  	v7 =	vsel vm15, v8, v43;
	vm4 =	vgt.f32 v3, v4;
	v46 =	vmax.f32 v4, v3  }
0x92: {  	v57 =	vld [tilespmem:s15+$0x4080];
	v3 =	vmin.f32 v4, v3;
	v2 =	vsel vm7, $0x10, v2;
	vm8 =	vgt.f32 v1, v5  }
0x93: {  	v53 =	vmax.f32 v5, v1;
	v1 =	vmin.f32 v5, v1;
	v41 =	vsel vm12, v39, v32  }
0x94: {  	v6 =	vsel vm12, v32, v39;
	v47 =	vsel vm4, v44, v12;
	v10 =	vsel vm4, v12, v44  }
0x95: {  	vm5 =	vgt.f32 v46, v9;
	v48 =	vmax.f32 v9, v46;
	v9 =	vmin.f32 v9, v46  }
0x96: {  	v54 =	vsel vm8, v2, v7;
	v2 =	vsel vm8, v7, v2;
	vm9 =	vgt.f32 v53, v3  }
0x97: {  	v55 =	vmax.f32 v3, v53;
	v3 =	vmin.f32 v3, v53;
	vm13 =	vgt.f32 v57, v1  }
0x98: {  	v1 =	vmax.f32 v1, v57;
	v49 =	vsel vm5, v47, v6;
	v4 =	vsel vm5, v6, v47  }
0x99: {  	vm6 =	vgt.f32 v48, v40;
	v50 =	vmax.f32 v40, v48;
	v12 =	vmin.f32 v40, v48  }
0x9a: {  	v56 =	vsel vm9, v54, v10;
	v5 =	vsel vm9, v10, v54;
	vm10 =	vgt.f32 v55, v9  }
0x9b: {  	v58 =	vmax.f32 v9, v55;
	v7 =	vmin.f32 v9, v55;
	v2 =	vsel vm13, $0x11, v2  }
0x9c: {  	v19 =	vld [tilespmem:s15+$0x4100];
	vm14 =	vgt.f32 v1, v3;
	v10 =	vmax.f32 v3, v1;
	v1 =	vmin.f32 v3, v1  }
0x9d: {  	v51 =	vsel vm6, v49, v41;
	v52 =	vsel vm6, v41, v49;
	v59 =	vsel vm10, v56, v4  }
0x9e: {  	v4 =	vsel vm10, v4, v56;
	vm11 =	vgt.f32 v58, v12;
	v60 =	vmax.f32 v12, v58  }
0x9f: {  	v12 =	vmin.f32 v12, v58;
	v3 =	vsel vm14, v2, v5;
	v2 =	vsel vm14, v5, v2  }
0xa0: {  	vm15 =	vgt.f32 v10, v7;
	v16 =	vmax.f32 v7, v10;
	v7 =	vmin.f32 v7, v10  }
0xa1: {  	vm7 =	vgt.f32 v19, v1;
	v1 =	vmax.f32 v1, v19;
	v61 =	vsel vm11, v59, v52  }
0xa2: {  	v8 =	vsel vm11, v52, v59;
	vm12 =	vgt.f32 v60, v50;
	v62 =	vmax.f32 v50, v60  }
0xa3: {  	v6 =	vmin.f32 v50, v60;
	v17 =	vsel vm15, v3, v4;
	v3 =	vsel vm15, v4, v3  }
0xa4: {  	vm4 =	vgt.f32 v16, v12;
	v18 =	vmax.f32 v12, v16;
	v5 =	vmin.f32 v12, v16  }
0xa5: {  	v28 =	vld [tilespmem:s15+$0x4180];
	v2 =	vsel vm7, $0x12, v2;
	vm8 =	vgt.f32 v1, v7;
	v25 =	vmax.f32 v7, v1  }
0xa6: {  	v1 =	vmin.f32 v7, v1;
	v63 =	vsel vm12, v61, v51;
	v13 =	vsel vm12, v51, v61  }
0xa7: {  	v20 =	vsel vm4, v17, v8;
	v8 =	vsel vm4, v8, v17;
	vm5 =	vgt.f32 v18, v6  }
0xa8: {  	v21 =	vmax.f32 v6, v18;
	v4 =	vmin.f32 v6, v18;
	v26 =	vsel vm8, v2, v3  }
0xa9: {  	v2 =	vsel vm8, v3, v2;
	vm9 =	vgt.f32 v25, v5;
	v3 =	vmax.f32 v5, v25  }
0xaa: {  	v5 =	vmin.f32 v5, v25;
	vm13 =	vgt.f32 v28, v1;
	v1 =	vmax.f32 v1, v28  }
0xab: {  	v22 =	vsel vm5, v20, v13;
	v12 =	vsel vm5, v13, v20;
	vm6 =	vgt.f32 v21, v62  }
0xac: {  	v23 =	vmax.f32 v62, v21;
	v9 =	vmin.f32 v62, v21;
	v27 =	vsel vm9, v26, v8  }
0xad: {  	v7 =	vsel vm9, v8, v26;
	vm10 =	vgt.f32 v3, v4;
	v29 =	vmax.f32 v4, v3  }
0xae: {  	v40 =	vld [tilespmem:s15+$0x4200];
	v3 =	vmin.f32 v4, v3;
	v2 =	vsel vm13, $0x13, v2;
	vm14 =	vgt.f32 v1, v5  }
0xaf: {  	v36 =	vmax.f32 v5, v1;
	v1 =	vmin.f32 v5, v1;
	v24 =	vsel vm6, v22, v63  }
0xb0: {  	v6 =	vsel vm6, v63, v22;
	v30 =	vsel vm10, v27, v12;
	v11 =	vsel vm10, v12, v27  }
0xb1: {  	vm11 =	vgt.f32 v29, v9;
	v31 =	vmax.f32 v9, v29;
	v9 =	vmin.f32 v9, v29  }
0xb2: {  	v37 =	vsel vm14, v2, v7;
	v2 =	vsel vm14, v7, v2;
	vm15 =	vgt.f32 v36, v3  }
0xb3: {  	v38 =	vmax.f32 v3, v36;
	v3 =	vmin.f32 v3, v36;
	vm7 =	vgt.f32 v40, v1  }
0xb4: {  	v1 =	vmax.f32 v1, v40;
	v32 =	vsel vm11, v30, v6;
	v4 =	vsel vm11, v6, v30  }
0xb5: {  	vm12 =	vgt.f32 v31, v23;
	v33 =	vmax.f32 v23, v31;
	v12 =	vmin.f32 v23, v31  }
0xb6: {  	v39 =	vsel vm15, v37, v11;
	v5 =	vsel vm15, v11, v37;
	vm4 =	vgt.f32 v38, v9  }
0xb7: {  	v41 =	vmax.f32 v9, v38;
	v7 =	vmin.f32 v9, v38;
	v2 =	vsel vm7, $0x14, v2  }
0xb8: {  	v50 =	vld [tilespmem:s15+$0x4280];
	vm8 =	vgt.f32 v1, v3;
	v11 =	vmax.f32 v3, v1;
	v1 =	vmin.f32 v3, v1  }
0xb9: {  	v34 =	vsel vm12, v32, v24;
	v35 =	vsel vm12, v24, v32;
	v42 =	vsel vm4, v39, v4  }
0xba: {  	v4 =	vsel vm4, v4, v39;
	vm5 =	vgt.f32 v41, v12;
	v43 =	vmax.f32 v12, v41  }
0xbb: {  	v12 =	vmin.f32 v12, v41;
	v3 =	vsel vm8, v2, v5;
	v2 =	vsel vm8, v5, v2  }
0xbc: {  	vm9 =	vgt.f32 v11, v7;
	v47 =	vmax.f32 v7, v11;
	v7 =	vmin.f32 v7, v11  }
0xbd: {  	vm13 =	vgt.f32 v50, v1;
	v1 =	vmax.f32 v1, v50;
	v44 =	vsel vm5, v42, v35  }
0xbe: {  	v8 =	vsel vm5, v35, v42;
	vm6 =	vgt.f32 v43, v33;
	v45 =	vmax.f32 v33, v43  }
0xbf: {  	v6 =	vmin.f32 v33, v43;
	v48 =	vsel vm9, v3, v4;
	v3 =	vsel vm9, v4, v3  }
0xc0: {  	vm10 =	vgt.f32 v47, v12;
	v49 =	vmax.f32 v12, v47;
	v5 =	vmin.f32 v12, v47  }
0xc1: {  	v59 =	vld [tilespmem:s15+$0x4300];
	v2 =	vsel vm13, $0x15, v2;
	vm14 =	vgt.f32 v1, v7;
	v56 =	vmax.f32 v7, v1  }
0xc2: {  	v1 =	vmin.f32 v7, v1;
	v46 =	vsel vm6, v44, v34;
	v13 =	vsel vm6, v34, v44  }
0xc3: {  	v51 =	vsel vm10, v48, v8;
	v8 =	vsel vm10, v8, v48;
	vm11 =	vgt.f32 v49, v6  }
0xc4: {  	v52 =	vmax.f32 v6, v49;
	v4 =	vmin.f32 v6, v49;
	v57 =	vsel vm14, v2, v3  }
0xc5: {  	v2 =	vsel vm14, v3, v2;
	vm15 =	vgt.f32 v56, v5;
	v3 =	vmax.f32 v5, v56  }
0xc6: {  	v5 =	vmin.f32 v5, v56;
	vm7 =	vgt.f32 v59, v1;
	v1 =	vmax.f32 v1, v59  }
0xc7: {  	v53 =	vsel vm11, v51, v13;
	v12 =	vsel vm11, v13, v51;
	vm12 =	vgt.f32 v52, v45  }
0xc8: {  	v54 =	vmax.f32 v45, v52;
	v9 =	vmin.f32 v45, v52;
	v58 =	vsel vm15, v57, v8  }
0xc9: {  	v7 =	vsel vm15, v8, v57;
	vm4 =	vgt.f32 v3, v4;
	v60 =	vmax.f32 v4, v3  }
0xca: {  	v23 =	vld [tilespmem:s15+$0x4380];
	v3 =	vmin.f32 v4, v3;
	v2 =	vsel vm7, $0x16, v2;
	vm8 =	vgt.f32 v1, v5  }
0xcb: {  	v19 =	vmax.f32 v5, v1;
	v1 =	vmin.f32 v5, v1;
	v55 =	vsel vm12, v53, v46  }
0xcc: {  	v6 =	vsel vm12, v46, v53;
	v61 =	vsel vm4, v58, v12;
	v10 =	vsel vm4, v12, v58  }
0xcd: {  	vm5 =	vgt.f32 v60, v9;
	v62 =	vmax.f32 v9, v60;
	v9 =	vmin.f32 v9, v60  }
0xce: {  	v20 =	vsel vm8, v2, v7;
	v2 =	vsel vm8, v7, v2;
	vm9 =	vgt.f32 v19, v3  }
0xcf: {  	v21 =	vmax.f32 v3, v19;
	v3 =	vmin.f32 v3, v19;
	vm13 =	vgt.f32 v23, v1  }
0xd0: {  	v1 =	vmax.f32 v1, v23;
	v63 =	vsel vm5, v61, v6;
	v4 =	vsel vm5, v6, v61  }
0xd1: {  	vm6 =	vgt.f32 v62, v54;
	v16 =	vmax.f32 v54, v62;
	v12 =	vmin.f32 v54, v62  }
0xd2: {  	v22 =	vsel vm9, v20, v10;
	v5 =	vsel vm9, v10, v20;
	vm10 =	vgt.f32 v21, v9  }
0xd3: {  	v24 =	vmax.f32 v9, v21;
	v7 =	vmin.f32 v9, v21;
	v2 =	vsel vm13, $0x17, v2  }
0xd4: {  	v33 =	vld [tilespmem:s15+$0x6000];
	vm14 =	vgt.f32 v1, v3;
	v10 =	vmax.f32 v3, v1;
	v1 =	vmin.f32 v3, v1  }
0xd5: {  	v17 =	vsel vm6, v63, v55;
	v18 =	vsel vm6, v55, v63;
	v25 =	vsel vm10, v22, v4  }
0xd6: {  	v4 =	vsel vm10, v4, v22;
	vm11 =	vgt.f32 v24, v12;
	v26 =	vmax.f32 v12, v24  }
0xd7: {  	v12 =	vmin.f32 v12, v24;
	v3 =	vsel vm14, v2, v5;
	v2 =	vsel vm14, v5, v2  }
0xd8: {  	vm15 =	vgt.f32 v10, v7;
	v30 =	vmax.f32 v7, v10;
	v7 =	vmin.f32 v7, v10  }
0xd9: {  	vm7 =	vgt.f32 v33, v1;
	v1 =	vmax.f32 v1, v33;
	v27 =	vsel vm11, v25, v18  }
0xda: {  	v8 =	vsel vm11, v18, v25;
	vm12 =	vgt.f32 v26, v16;
	v28 =	vmax.f32 v16, v26  }
0xdb: {  	v6 =	vmin.f32 v16, v26;
	v31 =	vsel vm15, v3, v4;
	v3 =	vsel vm15, v4, v3  }
0xdc: {  	vm4 =	vgt.f32 v30, v12;
	v32 =	vmax.f32 v12, v30;
	v5 =	vmin.f32 v12, v30  }
0xdd: {  	v42 =	vld [tilespmem:s15+$0x6080];
	v2 =	vsel vm7, $0x18, v2;
	vm8 =	vgt.f32 v1, v7;
	v39 =	vmax.f32 v7, v1  }
0xde: {  	v1 =	vmin.f32 v7, v1;
	v29 =	vsel vm12, v27, v17;
	v13 =	vsel vm12, v17, v27  }
0xdf: {  	v34 =	vsel vm4, v31, v8;
	v8 =	vsel vm4, v8, v31;
	vm5 =	vgt.f32 v32, v6  }
0xe0: {  	v35 =	vmax.f32 v6, v32;
	v4 =	vmin.f32 v6, v32;
	v40 =	vsel vm8, v2, v3  }
0xe1: {  	v2 =	vsel vm8, v3, v2;
	vm9 =	vgt.f32 v39, v5;
	v3 =	vmax.f32 v5, v39  }
0xe2: {  	v5 =	vmin.f32 v5, v39;
	vm13 =	vgt.f32 v42, v1;
	v1 =	vmax.f32 v1, v42  }
0xe3: {  	v36 =	vsel vm5, v34, v13;
	v12 =	vsel vm5, v13, v34;
	vm6 =	vgt.f32 v35, v28  }
0xe4: {  	v37 =	vmax.f32 v28, v35;
	v9 =	vmin.f32 v28, v35;
	v41 =	vsel vm9, v40, v8  }
0xe5: {  	v7 =	vsel vm9, v8, v40;
	vm10 =	vgt.f32 v3, v4;
	v43 =	vmax.f32 v4, v3  }
0xe6: {  	v54 =	vld [tilespmem:s15+$0x6100];
	v3 =	vmin.f32 v4, v3;
	v2 =	vsel vm13, $0x19, v2;
	vm14 =	vgt.f32 v1, v5  }
0xe7: {  	v50 =	vmax.f32 v5, v1;
	v1 =	vmin.f32 v5, v1;
	v38 =	vsel vm6, v36, v29  }
0xe8: {  	v6 =	vsel vm6, v29, v36;
	v44 =	vsel vm10, v41, v12;
	v11 =	vsel vm10, v12, v41  }
0xe9: {  	vm11 =	vgt.f32 v43, v9;
	v45 =	vmax.f32 v9, v43;
	v9 =	vmin.f32 v9, v43  }
0xea: {  	v51 =	vsel vm14, v2, v7;
	v2 =	vsel vm14, v7, v2;
	vm15 =	vgt.f32 v50, v3  }
0xeb: {  	v52 =	vmax.f32 v3, v50;
	v3 =	vmin.f32 v3, v50;
	vm7 =	vgt.f32 v54, v1  }
0xec: {  	v1 =	vmax.f32 v1, v54;
	v46 =	vsel vm11, v44, v6;
	v4 =	vsel vm11, v6, v44  }
0xed: {  	vm12 =	vgt.f32 v45, v37;
	v47 =	vmax.f32 v37, v45;
	v12 =	vmin.f32 v37, v45  }
0xee: {  	v53 =	vsel vm15, v51, v11;
	v5 =	vsel vm15, v11, v51;
	vm4 =	vgt.f32 v52, v9  }
0xef: {  	v55 =	vmax.f32 v9, v52;
	v7 =	vmin.f32 v9, v52;
	v2 =	vsel vm7, $0x1A, v2  }
0xf0: {  	v16 =	vld [tilespmem:s15+$0x6180];
	vm8 =	vgt.f32 v1, v3;
	v11 =	vmax.f32 v3, v1;
	v1 =	vmin.f32 v3, v1  }
0xf1: {  	v48 =	vsel vm12, v46, v38;
	v49 =	vsel vm12, v38, v46;
	v56 =	vsel vm4, v53, v4  }
0xf2: {  	v4 =	vsel vm4, v4, v53;
	vm5 =	vgt.f32 v55, v12;
	v57 =	vmax.f32 v12, v55  }
0xf3: {  	v12 =	vmin.f32 v12, v55;
	v3 =	vsel vm8, v2, v5;
	v2 =	vsel vm8, v5, v2  }
0xf4: {  	vm9 =	vgt.f32 v11, v7;
	v61 =	vmax.f32 v7, v11;
	v7 =	vmin.f32 v7, v11  }
0xf5: {  	vm13 =	vgt.f32 v16, v1;
	v1 =	vmax.f32 v1, v16;
	v58 =	vsel vm5, v56, v49  }
0xf6: {  	v8 =	vsel vm5, v49, v56;
	vm6 =	vgt.f32 v57, v47;
	v59 =	vmax.f32 v47, v57  }
0xf7: {  	v6 =	vmin.f32 v47, v57;
	v62 =	vsel vm9, v3, v4;
	v3 =	vsel vm9, v4, v3  }
0xf8: {  	vm10 =	vgt.f32 v61, v12;
	v63 =	vmax.f32 v12, v61;
	v5 =	vmin.f32 v12, v61  }
0xf9: {  	v25 =	vld [tilespmem:s15+$0x6200];
	v2 =	vsel vm13, $0x1B, v2;
	vm14 =	vgt.f32 v1, v7;
	v22 =	vmax.f32 v7, v1  }
0xfa: {  	v1 =	vmin.f32 v7, v1;
	v60 =	vsel vm6, v58, v48;
	v13 =	vsel vm6, v48, v58  }
0xfb: {  	v17 =	vsel vm10, v62, v8;
	v8 =	vsel vm10, v8, v62;
	vm11 =	vgt.f32 v63, v6  }
0xfc: {  	v18 =	vmax.f32 v6, v63;
	v4 =	vmin.f32 v6, v63;
	v23 =	vsel vm14, v2, v3  }
0xfd: {  	v2 =	vsel vm14, v3, v2;
	vm15 =	vgt.f32 v22, v5;
	v3 =	vmax.f32 v5, v22  }
0xfe: {  	v5 =	vmin.f32 v5, v22;
	vm7 =	vgt.f32 v25, v1;
	v1 =	vmax.f32 v1, v25  }
0xff: {  	v19 =	vsel vm11, v17, v13;
	v12 =	vsel vm11, v13, v17;
	vm12 =	vgt.f32 v18, v59  }
0x100: {  	v20 =	vmax.f32 v59, v18;
	v9 =	vmin.f32 v59, v18;
	v24 =	vsel vm15, v23, v8  }
0x101: {  	v7 =	vsel vm15, v8, v23;
	vm4 =	vgt.f32 v3, v4;
	v26 =	vmax.f32 v4, v3  }
0x102: {  	v37 =	vld [tilespmem:s15+$0x6280];
	v3 =	vmin.f32 v4, v3;
	v2 =	vsel vm7, $0x1C, v2;
	vm8 =	vgt.f32 v1, v5  }
0x103: {  	v33 =	vmax.f32 v5, v1;
	v1 =	vmin.f32 v5, v1;
	v21 =	vsel vm12, v19, v60  }
0x104: {  	v6 =	vsel vm12, v60, v19;
	v27 =	vsel vm4, v24, v12;
	v10 =	vsel vm4, v12, v24  }
0x105: {  	vm5 =	vgt.f32 v26, v9;
	v28 =	vmax.f32 v9, v26;
	v9 =	vmin.f32 v9, v26  }
0x106: {  	v34 =	vsel vm8, v2, v7;
	v2 =	vsel vm8, v7, v2;
	vm9 =	vgt.f32 v33, v3  }
0x107: {  	v35 =	vmax.f32 v3, v33;
	v3 =	vmin.f32 v3, v33;
	vm13 =	vgt.f32 v37, v1  }
0x108: {  	v1 =	vmax.f32 v1, v37;
	v29 =	vsel vm5, v27, v6;
	v4 =	vsel vm5, v6, v27  }
0x109: {  	vm6 =	vgt.f32 v28, v20;
	v30 =	vmax.f32 v20, v28;
	v12 =	vmin.f32 v20, v28  }
0x10a: {  	v36 =	vsel vm9, v34, v10;
	v5 =	vsel vm9, v10, v34;
	vm10 =	vgt.f32 v35, v9  }
0x10b: {  	v38 =	vmax.f32 v9, v35;
	v7 =	vmin.f32 v9, v35;
	v2 =	vsel vm13, $0x1D, v2  }
0x10c: {  	v47 =	vld [tilespmem:s15+$0x6300];
	vm14 =	vgt.f32 v1, v3;
	v10 =	vmax.f32 v3, v1;
	v1 =	vmin.f32 v3, v1  }
0x10d: {  	v31 =	vsel vm6, v29, v21;
	v32 =	vsel vm6, v21, v29;
	v39 =	vsel vm10, v36, v4  }
0x10e: {  	v4 =	vsel vm10, v4, v36;
	vm11 =	vgt.f32 v38, v12;
	v40 =	vmax.f32 v12, v38  }
0x10f: {  	v12 =	vmin.f32 v12, v38;
	v3 =	vsel vm14, v2, v5;
	v2 =	vsel vm14, v5, v2  }
0x110: {  	vm15 =	vgt.f32 v10, v7;
	v44 =	vmax.f32 v7, v10;
	v7 =	vmin.f32 v7, v10  }
0x111: {  	vm7 =	vgt.f32 v47, v1;
	v1 =	vmax.f32 v1, v47;
	v41 =	vsel vm11, v39, v32  }
0x112: {  	v8 =	vsel vm11, v32, v39;
	vm12 =	vgt.f32 v40, v30;
	v42 =	vmax.f32 v30, v40  }
0x113: {  	v6 =	vmin.f32 v30, v40;
	v45 =	vsel vm15, v3, v4;
	v3 =	vsel vm15, v4, v3  }
0x114: {  	vm4 =	vgt.f32 v44, v12;
	v46 =	vmax.f32 v12, v44;
	v5 =	vmin.f32 v12, v44  }
0x115: {  	v56 =	vld [tilespmem:s15+$0x6380];
	v2 =	vsel vm7, $0x1E, v2;
	vm8 =	vgt.f32 v1, v7;
	v53 =	vmax.f32 v7, v1  }
0x116: {  	v1 =	vmin.f32 v7, v1;
	v43 =	vsel vm12, v41, v31;
	v13 =	vsel vm12, v31, v41  }
0x117: {  	v48 =	vsel vm4, v45, v8;
	v8 =	vsel vm4, v8, v45;
	vm5 =	vgt.f32 v46, v6  }
0x118: {  	v49 =	vmax.f32 v6, v46;
	v4 =	vmin.f32 v6, v46;
	v54 =	vsel vm8, v2, v3  }
0x119: {  	v2 =	vsel vm8, v3, v2;
	vm9 =	vgt.f32 v53, v5;
	v3 =	vmax.f32 v5, v53  }
0x11a: {  	v5 =	vmin.f32 v5, v53;
	vm13 =	vgt.f32 v56, v1;
	v1 =	vmax.f32 v1, v56  }
0x11b: {  	v50 =	vsel vm5, v48, v13;
	v12 =	vsel vm5, v13, v48;
	vm6 =	vgt.f32 v49, v42  }
0x11c: {  	v51 =	vmax.f32 v42, v49;
	v9 =	vmin.f32 v42, v49;
	v55 =	vsel vm9, v54, v8  }
0x11d: {  	v7 =	vsel vm9, v8, v54;
	vm10 =	vgt.f32 v3, v4;
	v57 =	vmax.f32 v4, v3  }
0x11e: {  	v20 =	vld [tilespmem:s15+$0x8000];
	v3 =	vmin.f32 v4, v3;
	v2 =	vsel vm13, $0x1F, v2;
	vm14 =	vgt.f32 v1, v5  }
0x11f: {  	v16 =	vmax.f32 v5, v1;
	v1 =	vmin.f32 v5, v1;
	v52 =	vsel vm6, v50, v43  }
0x120: {  	v6 =	vsel vm6, v43, v50;
	v58 =	vsel vm10, v55, v12;
	v11 =	vsel vm10, v12, v55  }
0x121: {  	vm11 =	vgt.f32 v57, v9;
	v59 =	vmax.f32 v9, v57;
	v9 =	vmin.f32 v9, v57  }
0x122: {  	v17 =	vsel vm14, v2, v7;
	v2 =	vsel vm14, v7, v2;
	vm15 =	vgt.f32 v16, v3  }
0x123: {  	v18 =	vmax.f32 v3, v16;
	v3 =	vmin.f32 v3, v16;
	vm7 =	vgt.f32 v20, v1  }
0x124: {  	v1 =	vmax.f32 v1, v20;
	v60 =	vsel vm11, v58, v6;
	v4 =	vsel vm11, v6, v58  }
0x125: {  	vm12 =	vgt.f32 v59, v51;
	v61 =	vmax.f32 v51, v59;
	v12 =	vmin.f32 v51, v59  }
0x126: {  	v19 =	vsel vm15, v17, v11;
	v5 =	vsel vm15, v11, v17;
	vm4 =	vgt.f32 v18, v9  }
0x127: {  	v21 =	vmax.f32 v9, v18;
	v7 =	vmin.f32 v9, v18;
	v2 =	vsel vm7, $0x20, v2  }
0x128: {  	v30 =	vld [tilespmem:s15+$0x8080];
	vm8 =	vgt.f32 v1, v3;
	v11 =	vmax.f32 v3, v1;
	v1 =	vmin.f32 v3, v1  }
0x129: {  	v62 =	vsel vm12, v60, v52;
	v63 =	vsel vm12, v52, v60;
	v22 =	vsel vm4, v19, v4  }
0x12a: {  	v4 =	vsel vm4, v4, v19;
	vm5 =	vgt.f32 v21, v12;
	v23 =	vmax.f32 v12, v21  }
0x12b: {  	v12 =	vmin.f32 v12, v21;
	v3 =	vsel vm8, v2, v5;
	v2 =	vsel vm8, v5, v2  }
0x12c: {  	vm9 =	vgt.f32 v11, v7;
	v27 =	vmax.f32 v7, v11;
	v7 =	vmin.f32 v7, v11  }
0x12d: {  	vm13 =	vgt.f32 v30, v1;
	v1 =	vmax.f32 v1, v30;
	v24 =	vsel vm5, v22, v63  }
0x12e: {  	v8 =	vsel vm5, v63, v22;
	vm6 =	vgt.f32 v23, v61;
	v25 =	vmax.f32 v61, v23  }
0x12f: {  	v6 =	vmin.f32 v61, v23;
	v28 =	vsel vm9, v3, v4;
	v3 =	vsel vm9, v4, v3  }
0x130: {  	vm10 =	vgt.f32 v27, v12;
	v29 =	vmax.f32 v12, v27;
	v5 =	vmin.f32 v12, v27  }
0x131: {  	v39 =	vld [tilespmem:s15+$0x8100];
	v2 =	vsel vm13, $0x21, v2;
	vm14 =	vgt.f32 v1, v7;
	v36 =	vmax.f32 v7, v1  }
0x132: {  	v1 =	vmin.f32 v7, v1;
	v26 =	vsel vm6, v24, v62;
	v13 =	vsel vm6, v62, v24  }
0x133: {  	v31 =	vsel vm10, v28, v8;
	v8 =	vsel vm10, v8, v28;
	vm11 =	vgt.f32 v29, v6  }
0x134: {  	v32 =	vmax.f32 v6, v29;
	v4 =	vmin.f32 v6, v29;
	v37 =	vsel vm14, v2, v3  }
0x135: {  	v2 =	vsel vm14, v3, v2;
	vm15 =	vgt.f32 v36, v5;
	v3 =	vmax.f32 v5, v36  }
0x136: {  	v5 =	vmin.f32 v5, v36;
	vm7 =	vgt.f32 v39, v1;
	v1 =	vmax.f32 v1, v39  }
0x137: {  	v33 =	vsel vm11, v31, v13;
	v12 =	vsel vm11, v13, v31;
	vm12 =	vgt.f32 v32, v25  }
0x138: {  	v34 =	vmax.f32 v25, v32;
	v9 =	vmin.f32 v25, v32;
	v38 =	vsel vm15, v37, v8  }
0x139: {  	v7 =	vsel vm15, v8, v37;
	vm4 =	vgt.f32 v3, v4;
	v40 =	vmax.f32 v4, v3  }
0x13a: {  	v51 =	vld [tilespmem:s15+$0x8180];
	v3 =	vmin.f32 v4, v3;
	v2 =	vsel vm7, $0x22, v2;
	vm8 =	vgt.f32 v1, v5  }
0x13b: {  	v47 =	vmax.f32 v5, v1;
	v1 =	vmin.f32 v5, v1;
	v35 =	vsel vm12, v33, v26  }
0x13c: {  	v6 =	vsel vm12, v26, v33;
	v41 =	vsel vm4, v38, v12;
	v10 =	vsel vm4, v12, v38  }
0x13d: {  	vm5 =	vgt.f32 v40, v9;
	v42 =	vmax.f32 v9, v40;
	v9 =	vmin.f32 v9, v40  }
0x13e: {  	v48 =	vsel vm8, v2, v7;
	v2 =	vsel vm8, v7, v2;
	vm9 =	vgt.f32 v47, v3  }
0x13f: {  	v49 =	vmax.f32 v3, v47;
	v3 =	vmin.f32 v3, v47;
	vm13 =	vgt.f32 v51, v1  }
0x140: {  	v1 =	vmax.f32 v1, v51;
	v43 =	vsel vm5, v41, v6;
	v4 =	vsel vm5, v6, v41  }
0x141: {  	vm6 =	vgt.f32 v42, v34;
	v44 =	vmax.f32 v34, v42;
	v12 =	vmin.f32 v34, v42  }
0x142: {  	v50 =	vsel vm9, v48, v10;
	v5 =	vsel vm9, v10, v48;
	vm10 =	vgt.f32 v49, v9  }
0x143: {  	v52 =	vmax.f32 v9, v49;
	v7 =	vmin.f32 v9, v49;
	v2 =	vsel vm13, $0x23, v2  }
0x144: {  	v61 =	vld [tilespmem:s15+$0x8200];
	vm14 =	vgt.f32 v1, v3;
	v10 =	vmax.f32 v3, v1;
	v1 =	vmin.f32 v3, v1  }
0x145: {  	v45 =	vsel vm6, v43, v35;
	v46 =	vsel vm6, v35, v43;
	v53 =	vsel vm10, v50, v4  }
0x146: {  	v4 =	vsel vm10, v4, v50;
	vm11 =	vgt.f32 v52, v12;
	v54 =	vmax.f32 v12, v52  }
0x147: {  	v12 =	vmin.f32 v12, v52;
	v3 =	vsel vm14, v2, v5;
	v2 =	vsel vm14, v5, v2  }
0x148: {  	vm15 =	vgt.f32 v10, v7;
	v58 =	vmax.f32 v7, v10;
	v7 =	vmin.f32 v7, v10  }
0x149: {  	vm7 =	vgt.f32 v61, v1;
	v1 =	vmax.f32 v1, v61;
	v55 =	vsel vm11, v53, v46  }
0x14a: {  	v8 =	vsel vm11, v46, v53;
	vm12 =	vgt.f32 v54, v44;
	v56 =	vmax.f32 v44, v54  }
0x14b: {  	v6 =	vmin.f32 v44, v54;
	v59 =	vsel vm15, v3, v4;
	v3 =	vsel vm15, v4, v3  }
0x14c: {  	vm4 =	vgt.f32 v58, v12;
	v60 =	vmax.f32 v12, v58;
	v5 =	vmin.f32 v12, v58  }
0x14d: {  	v22 =	vld [tilespmem:s15+$0x8280];
	v2 =	vsel vm7, $0x24, v2;
	vm8 =	vgt.f32 v1, v7;
	v19 =	vmax.f32 v7, v1  }
0x14e: {  	v1 =	vmin.f32 v7, v1;
	v57 =	vsel vm12, v55, v45;
	v13 =	vsel vm12, v45, v55  }
0x14f: {  	v62 =	vsel vm4, v59, v8;
	v8 =	vsel vm4, v8, v59;
	vm5 =	vgt.f32 v60, v6  }
0x150: {  	v63 =	vmax.f32 v6, v60;
	v4 =	vmin.f32 v6, v60;
	v20 =	vsel vm8, v2, v3  }
0x151: {  	v2 =	vsel vm8, v3, v2;
	vm9 =	vgt.f32 v19, v5;
	v3 =	vmax.f32 v5, v19  }
0x152: {  	v5 =	vmin.f32 v5, v19;
	vm13 =	vgt.f32 v22, v1;
	v1 =	vmax.f32 v1, v22  }
0x153: {  	v16 =	vsel vm5, v62, v13;
	v12 =	vsel vm5, v13, v62;
	vm6 =	vgt.f32 v63, v56  }
0x154: {  	v17 =	vmax.f32 v56, v63;
	v9 =	vmin.f32 v56, v63;
	v21 =	vsel vm9, v20, v8  }
0x155: {  	v7 =	vsel vm9, v8, v20;
	vm10 =	vgt.f32 v3, v4;
	v23 =	vmax.f32 v4, v3  }
0x156: {  	v34 =	vld [tilespmem:s15+$0x8300];
	v3 =	vmin.f32 v4, v3;
	v2 =	vsel vm13, $0x25, v2;
	vm14 =	vgt.f32 v1, v5  }
0x157: {  	v30 =	vmax.f32 v5, v1;
	v1 =	vmin.f32 v5, v1;
	v18 =	vsel vm6, v16, v57  }
0x158: {  	v6 =	vsel vm6, v57, v16;
	v24 =	vsel vm10, v21, v12;
	v11 =	vsel vm10, v12, v21  }
0x159: {  	vm11 =	vgt.f32 v23, v9;
	v25 =	vmax.f32 v9, v23;
	v9 =	vmin.f32 v9, v23  }
0x15a: {  	v31 =	vsel vm14, v2, v7;
	v2 =	vsel vm14, v7, v2;
	vm15 =	vgt.f32 v30, v3  }
0x15b: {  	v32 =	vmax.f32 v3, v30;
	v3 =	vmin.f32 v3, v30;
	vm7 =	vgt.f32 v34, v1  }
0x15c: {  	v1 =	vmax.f32 v1, v34;
	v26 =	vsel vm11, v24, v6;
	v4 =	vsel vm11, v6, v24  }
0x15d: {  	vm12 =	vgt.f32 v25, v17;
	v27 =	vmax.f32 v17, v25;
	v12 =	vmin.f32 v17, v25  }
0x15e: {  	v33 =	vsel vm15, v31, v11;
	v5 =	vsel vm15, v11, v31;
	vm4 =	vgt.f32 v32, v9  }
0x15f: {  	v35 =	vmax.f32 v9, v32;
	v7 =	vmin.f32 v9, v32;
	v2 =	vsel vm7, $0x26, v2  }
0x160: {  	v44 =	vld [tilespmem:s15+$0x8380];
	vm8 =	vgt.f32 v1, v3;
	v11 =	vmax.f32 v3, v1;
	v1 =	vmin.f32 v3, v1  }
0x161: {  	v28 =	vsel vm12, v26, v18;
	v29 =	vsel vm12, v18, v26;
	v36 =	vsel vm4, v33, v4  }
0x162: {  	v4 =	vsel vm4, v4, v33;
	vm5 =	vgt.f32 v35, v12;
	v37 =	vmax.f32 v12, v35  }
0x163: {  	v12 =	vmin.f32 v12, v35;
	v3 =	vsel vm8, v2, v5;
	v2 =	vsel vm8, v5, v2  }
0x164: {  	vm9 =	vgt.f32 v11, v7;
	v41 =	vmax.f32 v7, v11;
	v7 =	vmin.f32 v7, v11  }
0x165: {  	vm13 =	vgt.f32 v44, v1;
	v1 =	vmax.f32 v1, v44;
	v38 =	vsel vm5, v36, v29  }
0x166: {  	v8 =	vsel vm5, v29, v36;
	vm6 =	vgt.f32 v37, v27;
	v39 =	vmax.f32 v27, v37  }
0x167: {  	v6 =	vmin.f32 v27, v37;
	v42 =	vsel vm9, v3, v4;
	v3 =	vsel vm9, v4, v3  }
0x168: {  	vm10 =	vgt.f32 v41, v12;
	v43 =	vmax.f32 v12, v41;
	v5 =	vmin.f32 v12, v41  }
0x169: {  	v53 =	vld [tilespmem:s15+$0xA000];
	v2 =	vsel vm13, $0x27, v2;
	vm14 =	vgt.f32 v1, v7;
	v50 =	vmax.f32 v7, v1  }
0x16a: {  	v1 =	vmin.f32 v7, v1;
	v40 =	vsel vm6, v38, v28;
	v13 =	vsel vm6, v28, v38  }
0x16b: {  	v45 =	vsel vm10, v42, v8;
	v8 =	vsel vm10, v8, v42;
	vm11 =	vgt.f32 v43, v6  }
0x16c: {  	v46 =	vmax.f32 v6, v43;
	v4 =	vmin.f32 v6, v43;
	v51 =	vsel vm14, v2, v3  }
0x16d: {  	v2 =	vsel vm14, v3, v2;
	vm15 =	vgt.f32 v50, v5;
	v3 =	vmax.f32 v5, v50  }
0x16e: {  	v5 =	vmin.f32 v5, v50;
	vm7 =	vgt.f32 v53, v1;
	v1 =	vmax.f32 v1, v53  }
0x16f: {  	v47 =	vsel vm11, v45, v13;
	v12 =	vsel vm11, v13, v45;
	vm12 =	vgt.f32 v46, v39  }
0x170: {  	v48 =	vmax.f32 v39, v46;
	v9 =	vmin.f32 v39, v46;
	v52 =	vsel vm15, v51, v8  }
0x171: {  	v7 =	vsel vm15, v8, v51;
	vm4 =	vgt.f32 v3, v4;
	v54 =	vmax.f32 v4, v3  }
0x172: {  	v17 =	vld [tilespmem:s15+$0xA080];
	v3 =	vmin.f32 v4, v3;
	v2 =	vsel vm7, $0x28, v2;
	vm8 =	vgt.f32 v1, v5  }
0x173: {  	v61 =	vmax.f32 v5, v1;
	v1 =	vmin.f32 v5, v1;
	v49 =	vsel vm12, v47, v40  }
0x174: {  	v6 =	vsel vm12, v40, v47;
	v55 =	vsel vm4, v52, v12;
	v10 =	vsel vm4, v12, v52  }
0x175: {  	vm5 =	vgt.f32 v54, v9;
	v56 =	vmax.f32 v9, v54;
	v9 =	vmin.f32 v9, v54  }
0x176: {  	v62 =	vsel vm8, v2, v7;
	v2 =	vsel vm8, v7, v2;
	vm9 =	vgt.f32 v61, v3  }
0x177: {  	v63 =	vmax.f32 v3, v61;
	v3 =	vmin.f32 v3, v61;
	vm13 =	vgt.f32 v17, v1  }
0x178: {  	v1 =	vmax.f32 v1, v17;
	v57 =	vsel vm5, v55, v6;
	v4 =	vsel vm5, v6, v55  }
0x179: {  	vm6 =	vgt.f32 v56, v48;
	v58 =	vmax.f32 v48, v56;
	v12 =	vmin.f32 v48, v56  }
0x17a: {  	v16 =	vsel vm9, v62, v10;
	v5 =	vsel vm9, v10, v62;
	vm10 =	vgt.f32 v63, v9  }
0x17b: {  	v18 =	vmax.f32 v9, v63;
	v7 =	vmin.f32 v9, v63;
	v2 =	vsel vm13, $0x29, v2  }
0x17c: {  	v27 =	vld [tilespmem:s15+$0xA100];
	vm14 =	vgt.f32 v1, v3;
	v10 =	vmax.f32 v3, v1;
	v1 =	vmin.f32 v3, v1  }
0x17d: {  	v59 =	vsel vm6, v57, v49;
	v60 =	vsel vm6, v49, v57;
	v19 =	vsel vm10, v16, v4  }
0x17e: {  	v4 =	vsel vm10, v4, v16;
	vm11 =	vgt.f32 v18, v12;
	v20 =	vmax.f32 v12, v18  }
0x17f: {  	v12 =	vmin.f32 v12, v18;
	v3 =	vsel vm14, v2, v5;
	v2 =	vsel vm14, v5, v2  }
0x180: {  	vm15 =	vgt.f32 v10, v7;
	v24 =	vmax.f32 v7, v10;
	v7 =	vmin.f32 v7, v10  }
0x181: {  	vm7 =	vgt.f32 v27, v1;
	v1 =	vmax.f32 v1, v27;
	v21 =	vsel vm11, v19, v60  }
0x182: {  	v8 =	vsel vm11, v60, v19;
	vm12 =	vgt.f32 v20, v58;
	v22 =	vmax.f32 v58, v20  }
0x183: {  	v6 =	vmin.f32 v58, v20;
	v25 =	vsel vm15, v3, v4;
	v3 =	vsel vm15, v4, v3  }
0x184: {  	vm4 =	vgt.f32 v24, v12;
	v26 =	vmax.f32 v12, v24;
	v5 =	vmin.f32 v12, v24  }
0x185: {  	v36 =	vld [tilespmem:s15+$0xA180];
	v2 =	vsel vm7, $0x2A, v2;
	vm8 =	vgt.f32 v1, v7;
	v33 =	vmax.f32 v7, v1  }
0x186: {  	v1 =	vmin.f32 v7, v1;
	v23 =	vsel vm12, v21, v59;
	v13 =	vsel vm12, v59, v21  }
0x187: {  	v28 =	vsel vm4, v25, v8;
	v8 =	vsel vm4, v8, v25;
	vm5 =	vgt.f32 v26, v6  }
0x188: {  	v29 =	vmax.f32 v6, v26;
	v4 =	vmin.f32 v6, v26;
	v34 =	vsel vm8, v2, v3  }
0x189: {  	v2 =	vsel vm8, v3, v2;
	vm9 =	vgt.f32 v33, v5;
	v3 =	vmax.f32 v5, v33  }
0x18a: {  	v5 =	vmin.f32 v5, v33;
	vm13 =	vgt.f32 v36, v1;
	v1 =	vmax.f32 v1, v36  }
0x18b: {  	v30 =	vsel vm5, v28, v13;
	v12 =	vsel vm5, v13, v28;
	vm6 =	vgt.f32 v29, v22  }
0x18c: {  	v31 =	vmax.f32 v22, v29;
	v9 =	vmin.f32 v22, v29;
	v35 =	vsel vm9, v34, v8  }
0x18d: {  	v7 =	vsel vm9, v8, v34;
	vm10 =	vgt.f32 v3, v4;
	v37 =	vmax.f32 v4, v3  }
0x18e: {  	v48 =	vld [tilespmem:s15+$0xA200];
	v3 =	vmin.f32 v4, v3;
	v2 =	vsel vm13, $0x2B, v2;
	vm14 =	vgt.f32 v1, v5  }
0x18f: {  	v44 =	vmax.f32 v5, v1;
	v1 =	vmin.f32 v5, v1;
	v32 =	vsel vm6, v30, v23  }
0x190: {  	v6 =	vsel vm6, v23, v30;
	v38 =	vsel vm10, v35, v12;
	v11 =	vsel vm10, v12, v35  }
0x191: {  	vm11 =	vgt.f32 v37, v9;
	v39 =	vmax.f32 v9, v37;
	v9 =	vmin.f32 v9, v37  }
0x192: {  	v45 =	vsel vm14, v2, v7;
	v2 =	vsel vm14, v7, v2;
	vm15 =	vgt.f32 v44, v3  }
0x193: {  	v46 =	vmax.f32 v3, v44;
	v3 =	vmin.f32 v3, v44;
	vm7 =	vgt.f32 v48, v1  }
0x194: {  	v1 =	vmax.f32 v1, v48;
	v40 =	vsel vm11, v38, v6;
	v4 =	vsel vm11, v6, v38  }
0x195: {  	vm12 =	vgt.f32 v39, v31;
	v41 =	vmax.f32 v31, v39;
	v12 =	vmin.f32 v31, v39  }
0x196: {  	v47 =	vsel vm15, v45, v11;
	v5 =	vsel vm15, v11, v45;
	vm4 =	vgt.f32 v46, v9  }
0x197: {  	v49 =	vmax.f32 v9, v46;
	v7 =	vmin.f32 v9, v46;
	v2 =	vsel vm7, $0x2C, v2  }
0x198: {  	v58 =	vld [tilespmem:s15+$0xA280];
	vm8 =	vgt.f32 v1, v3;
	v11 =	vmax.f32 v3, v1;
	v1 =	vmin.f32 v3, v1  }
0x199: {  	v42 =	vsel vm12, v40, v32;
	v43 =	vsel vm12, v32, v40;
	v50 =	vsel vm4, v47, v4  }
0x19a: {  	v4 =	vsel vm4, v4, v47;
	vm5 =	vgt.f32 v49, v12;
	v51 =	vmax.f32 v12, v49  }
0x19b: {  	v12 =	vmin.f32 v12, v49;
	v3 =	vsel vm8, v2, v5;
	v2 =	vsel vm8, v5, v2  }
0x19c: {  	vm9 =	vgt.f32 v11, v7;
	v55 =	vmax.f32 v7, v11;
	v7 =	vmin.f32 v7, v11  }
0x19d: {  	vm13 =	vgt.f32 v58, v1;
	v1 =	vmax.f32 v1, v58;
	v52 =	vsel vm5, v50, v43  }
0x19e: {  	v8 =	vsel vm5, v43, v50;
	vm6 =	vgt.f32 v51, v41;
	v53 =	vmax.f32 v41, v51  }
0x19f: {  	v6 =	vmin.f32 v41, v51;
	v56 =	vsel vm9, v3, v4;
	v3 =	vsel vm9, v4, v3  }
0x1a0: {  	vm10 =	vgt.f32 v55, v12;
	v57 =	vmax.f32 v12, v55;
	v5 =	vmin.f32 v12, v55  }
0x1a1: {  	v19 =	vld [tilespmem:s15+$0xA300];
	v2 =	vsel vm13, $0x2D, v2;
	vm14 =	vgt.f32 v1, v7;
	v16 =	vmax.f32 v7, v1  }
0x1a2: {  	v1 =	vmin.f32 v7, v1;
	v54 =	vsel vm6, v52, v42;
	v13 =	vsel vm6, v42, v52  }
0x1a3: {  	v59 =	vsel vm10, v56, v8;
	v8 =	vsel vm10, v8, v56;
	vm11 =	vgt.f32 v57, v6  }
0x1a4: {  	v60 =	vmax.f32 v6, v57;
	v4 =	vmin.f32 v6, v57;
	v17 =	vsel vm14, v2, v3  }
0x1a5: {  	v2 =	vsel vm14, v3, v2;
	vm15 =	vgt.f32 v16, v5;
	v3 =	vmax.f32 v5, v16  }
0x1a6: {  	v5 =	vmin.f32 v5, v16;
	vm7 =	vgt.f32 v19, v1;
	v1 =	vmax.f32 v1, v19  }
0x1a7: {  	v61 =	vsel vm11, v59, v13;
	v12 =	vsel vm11, v13, v59;
	vm12 =	vgt.f32 v60, v53  }
0x1a8: {  	v62 =	vmax.f32 v53, v60;
	v9 =	vmin.f32 v53, v60;
	v18 =	vsel vm15, v17, v8  }
0x1a9: {  	v7 =	vsel vm15, v8, v17;
	vm4 =	vgt.f32 v3, v4;
	v20 =	vmax.f32 v4, v3  }
0x1aa: {  	v31 =	vld [tilespmem:s15+$0xA380];
	v3 =	vmin.f32 v4, v3;
	v2 =	vsel vm7, $0x2E, v2;
	vm8 =	vgt.f32 v1, v5  }
0x1ab: {  	v27 =	vmax.f32 v5, v1;
	v1 =	vmin.f32 v5, v1;
	v63 =	vsel vm12, v61, v54  }
0x1ac: {  	v6 =	vsel vm12, v54, v61;
	v21 =	vsel vm4, v18, v12;
	v10 =	vsel vm4, v12, v18  }
0x1ad: {  	vm5 =	vgt.f32 v20, v9;
	v22 =	vmax.f32 v9, v20;
	v9 =	vmin.f32 v9, v20  }
0x1ae: {  	v28 =	vsel vm8, v2, v7;
	v2 =	vsel vm8, v7, v2;
	vm9 =	vgt.f32 v27, v3  }
0x1af: {  	v29 =	vmax.f32 v3, v27;
	v3 =	vmin.f32 v3, v27;
	vm13 =	vgt.f32 v31, v1  }
0x1b0: {  	v1 =	vmax.f32 v1, v31;
	v23 =	vsel vm5, v21, v6;
	v4 =	vsel vm5, v6, v21  }
0x1b1: {  	vm6 =	vgt.f32 v22, v62;
	v24 =	vmax.f32 v62, v22;
	v12 =	vmin.f32 v62, v22  }
0x1b2: {  	v30 =	vsel vm9, v28, v10;
	v5 =	vsel vm9, v10, v28;
	vm10 =	vgt.f32 v29, v9  }
0x1b3: {  	v32 =	vmax.f32 v9, v29;
	v7 =	vmin.f32 v9, v29;
	v2 =	vsel vm13, $0x2F, v2  }
0x1b4: {  	v41 =	vld [tilespmem:s15+$0xC000];
	vm14 =	vgt.f32 v1, v3;
	v10 =	vmax.f32 v3, v1;
	v1 =	vmin.f32 v3, v1  }
0x1b5: {  	v25 =	vsel vm6, v23, v63;
	v26 =	vsel vm6, v63, v23;
	v33 =	vsel vm10, v30, v4  }
0x1b6: {  	v4 =	vsel vm10, v4, v30;
	vm11 =	vgt.f32 v32, v12;
	v34 =	vmax.f32 v12, v32  }
0x1b7: {  	v12 =	vmin.f32 v12, v32;
	v3 =	vsel vm14, v2, v5;
	v2 =	vsel vm14, v5, v2  }
0x1b8: {  	vm15 =	vgt.f32 v10, v7;
	v38 =	vmax.f32 v7, v10;
	v7 =	vmin.f32 v7, v10  }
0x1b9: {  	vm7 =	vgt.f32 v41, v1;
	v1 =	vmax.f32 v1, v41;
	v35 =	vsel vm11, v33, v26  }
0x1ba: {  	v8 =	vsel vm11, v26, v33;
	vm12 =	vgt.f32 v34, v24;
	v36 =	vmax.f32 v24, v34  }
0x1bb: {  	v6 =	vmin.f32 v24, v34;
	v39 =	vsel vm15, v3, v4;
	v3 =	vsel vm15, v4, v3  }
0x1bc: {  	vm4 =	vgt.f32 v38, v12;
	v40 =	vmax.f32 v12, v38;
	v5 =	vmin.f32 v12, v38  }
0x1bd: {  	v50 =	vld [tilespmem:s15+$0xC080];
	v2 =	vsel vm7, $0x30, v2;
	vm8 =	vgt.f32 v1, v7;
	v47 =	vmax.f32 v7, v1  }
0x1be: {  	v1 =	vmin.f32 v7, v1;
	v37 =	vsel vm12, v35, v25;
	v13 =	vsel vm12, v25, v35  }
0x1bf: {  	v42 =	vsel vm4, v39, v8;
	v8 =	vsel vm4, v8, v39;
	vm5 =	vgt.f32 v40, v6  }
0x1c0: {  	v43 =	vmax.f32 v6, v40;
	v4 =	vmin.f32 v6, v40;
	v48 =	vsel vm8, v2, v3  }
0x1c1: {  	v2 =	vsel vm8, v3, v2;
	vm9 =	vgt.f32 v47, v5;
	v3 =	vmax.f32 v5, v47  }
0x1c2: {  	v5 =	vmin.f32 v5, v47;
	vm13 =	vgt.f32 v50, v1;
	v1 =	vmax.f32 v1, v50  }
0x1c3: {  	v44 =	vsel vm5, v42, v13;
	v12 =	vsel vm5, v13, v42;
	vm6 =	vgt.f32 v43, v36  }
0x1c4: {  	v45 =	vmax.f32 v36, v43;
	v9 =	vmin.f32 v36, v43;
	v49 =	vsel vm9, v48, v8  }
0x1c5: {  	v7 =	vsel vm9, v8, v48;
	vm10 =	vgt.f32 v3, v4;
	v51 =	vmax.f32 v4, v3  }
0x1c6: {  	v62 =	vld [tilespmem:s15+$0xC100];
	v3 =	vmin.f32 v4, v3;
	v2 =	vsel vm13, $0x31, v2;
	vm14 =	vgt.f32 v1, v5  }
0x1c7: {  	v58 =	vmax.f32 v5, v1;
	v1 =	vmin.f32 v5, v1;
	v46 =	vsel vm6, v44, v37  }
0x1c8: {  	v6 =	vsel vm6, v37, v44;
	v52 =	vsel vm10, v49, v12;
	v11 =	vsel vm10, v12, v49  }
0x1c9: {  	vm11 =	vgt.f32 v51, v9;
	v53 =	vmax.f32 v9, v51;
	v9 =	vmin.f32 v9, v51  }
0x1ca: {  	v59 =	vsel vm14, v2, v7;
	v2 =	vsel vm14, v7, v2;
	vm15 =	vgt.f32 v58, v3  }
0x1cb: {  	v60 =	vmax.f32 v3, v58;
	v3 =	vmin.f32 v3, v58;
	vm7 =	vgt.f32 v62, v1  }
0x1cc: {  	v1 =	vmax.f32 v1, v62;
	v54 =	vsel vm11, v52, v6;
	v4 =	vsel vm11, v6, v52  }
0x1cd: {  	vm12 =	vgt.f32 v53, v45;
	v55 =	vmax.f32 v45, v53;
	v12 =	vmin.f32 v45, v53  }
0x1ce: {  	v61 =	vsel vm15, v59, v11;
	v5 =	vsel vm15, v11, v59;
	vm4 =	vgt.f32 v60, v9  }
0x1cf: {  	v63 =	vmax.f32 v9, v60;
	v7 =	vmin.f32 v9, v60;
	v2 =	vsel vm7, $0x32, v2  }
0x1d0: {  	v24 =	vld [tilespmem:s15+$0xC180];
	vm8 =	vgt.f32 v1, v3;
	v11 =	vmax.f32 v3, v1;
	v1 =	vmin.f32 v3, v1  }
0x1d1: {  	v56 =	vsel vm12, v54, v46;
	v57 =	vsel vm12, v46, v54;
	v16 =	vsel vm4, v61, v4  }
0x1d2: {  	v4 =	vsel vm4, v4, v61;
	vm5 =	vgt.f32 v63, v12;
	v17 =	vmax.f32 v12, v63  }
0x1d3: {  	v12 =	vmin.f32 v12, v63;
	v3 =	vsel vm8, v2, v5;
	v2 =	vsel vm8, v5, v2  }
0x1d4: {  	vm9 =	vgt.f32 v11, v7;
	v21 =	vmax.f32 v7, v11;
	v7 =	vmin.f32 v7, v11  }
0x1d5: {  	vm13 =	vgt.f32 v24, v1;
	v1 =	vmax.f32 v1, v24;
	v18 =	vsel vm5, v16, v57  }
0x1d6: {  	v8 =	vsel vm5, v57, v16;
	vm6 =	vgt.f32 v17, v55;
	v19 =	vmax.f32 v55, v17  }
0x1d7: {  	v6 =	vmin.f32 v55, v17;
	v22 =	vsel vm9, v3, v4;
	v3 =	vsel vm9, v4, v3  }
0x1d8: {  	vm10 =	vgt.f32 v21, v12;
	v23 =	vmax.f32 v12, v21;
	v5 =	vmin.f32 v12, v21  }
0x1d9: {  	v33 =	vld [tilespmem:s15+$0xC200];
	v2 =	vsel vm13, $0x33, v2;
	vm14 =	vgt.f32 v1, v7;
	v30 =	vmax.f32 v7, v1  }
0x1da: {  	v1 =	vmin.f32 v7, v1;
	v20 =	vsel vm6, v18, v56;
	v13 =	vsel vm6, v56, v18  }
0x1db: {  	v25 =	vsel vm10, v22, v8;
	v8 =	vsel vm10, v8, v22;
	vm11 =	vgt.f32 v23, v6  }
0x1dc: {  	v26 =	vmax.f32 v6, v23;
	v4 =	vmin.f32 v6, v23;
	v31 =	vsel vm14, v2, v3  }
0x1dd: {  	v2 =	vsel vm14, v3, v2;
	vm15 =	vgt.f32 v30, v5;
	v3 =	vmax.f32 v5, v30  }
0x1de: {  	v5 =	vmin.f32 v5, v30;
	vm7 =	vgt.f32 v33, v1;
	v1 =	vmax.f32 v1, v33  }
0x1df: {  	v27 =	vsel vm11, v25, v13;
	v12 =	vsel vm11, v13, v25;
	vm12 =	vgt.f32 v26, v19  }
0x1e0: {  	v28 =	vmax.f32 v19, v26;
	v9 =	vmin.f32 v19, v26;
	v32 =	vsel vm15, v31, v8  }
0x1e1: {  	v7 =	vsel vm15, v8, v31;
	vm4 =	vgt.f32 v3, v4;
	v34 =	vmax.f32 v4, v3  }
0x1e2: {  	v45 =	vld [tilespmem:s15+$0xC280];
	v3 =	vmin.f32 v4, v3;
	v2 =	vsel vm7, $0x34, v2;
	vm8 =	vgt.f32 v1, v5  }
0x1e3: {  	v41 =	vmax.f32 v5, v1;
	v1 =	vmin.f32 v5, v1;
	v29 =	vsel vm12, v27, v20  }
0x1e4: {  	v6 =	vsel vm12, v20, v27;
	v35 =	vsel vm4, v32, v12;
	v10 =	vsel vm4, v12, v32  }
0x1e5: {  	vm5 =	vgt.f32 v34, v9;
	v36 =	vmax.f32 v9, v34;
	v9 =	vmin.f32 v9, v34  }
0x1e6: {  	v42 =	vsel vm8, v2, v7;
	v2 =	vsel vm8, v7, v2;
	vm9 =	vgt.f32 v41, v3  }
0x1e7: {  	v43 =	vmax.f32 v3, v41;
	v3 =	vmin.f32 v3, v41;
	vm13 =	vgt.f32 v45, v1  }
0x1e8: {  	v1 =	vmax.f32 v1, v45;
	v37 =	vsel vm5, v35, v6;
	v4 =	vsel vm5, v6, v35  }
0x1e9: {  	vm6 =	vgt.f32 v36, v28;
	v38 =	vmax.f32 v28, v36;
	v12 =	vmin.f32 v28, v36  }
0x1ea: {  	v44 =	vsel vm9, v42, v10;
	v5 =	vsel vm9, v10, v42;
	vm10 =	vgt.f32 v43, v9  }
0x1eb: {  	v46 =	vmax.f32 v9, v43;
	v7 =	vmin.f32 v9, v43;
	v2 =	vsel vm13, $0x35, v2  }
0x1ec: {  	v55 =	vld [tilespmem:s15+$0xC300];
	vm14 =	vgt.f32 v1, v3;
	v10 =	vmax.f32 v3, v1;
	v1 =	vmin.f32 v3, v1  }
0x1ed: {  	v39 =	vsel vm6, v37, v29;
	v40 =	vsel vm6, v29, v37;
	v47 =	vsel vm10, v44, v4  }
0x1ee: {  	v4 =	vsel vm10, v4, v44;
	vm11 =	vgt.f32 v46, v12;
	v48 =	vmax.f32 v12, v46  }
0x1ef: {  	v12 =	vmin.f32 v12, v46;
	v3 =	vsel vm14, v2, v5;
	v2 =	vsel vm14, v5, v2  }
0x1f0: {  	vm15 =	vgt.f32 v10, v7;
	v52 =	vmax.f32 v7, v10;
	v7 =	vmin.f32 v7, v10  }
0x1f1: {  	vm7 =	vgt.f32 v55, v1;
	v1 =	vmax.f32 v1, v55;
	v49 =	vsel vm11, v47, v40  }
0x1f2: {  	v8 =	vsel vm11, v40, v47;
	vm12 =	vgt.f32 v48, v38;
	v50 =	vmax.f32 v38, v48  }
0x1f3: {  	v6 =	vmin.f32 v38, v48;
	v53 =	vsel vm15, v3, v4;
	v3 =	vsel vm15, v4, v3  }
0x1f4: {  	vm4 =	vgt.f32 v52, v12;
	v54 =	vmax.f32 v12, v52;
	v5 =	vmin.f32 v12, v52  }
0x1f5: {  	v16 =	vld [tilespmem:s15+$0xC380];
	v2 =	vsel vm7, $0x36, v2;
	vm8 =	vgt.f32 v1, v7;
	v61 =	vmax.f32 v7, v1  }
0x1f6: {  	v1 =	vmin.f32 v7, v1;
	v51 =	vsel vm12, v49, v39;
	v13 =	vsel vm12, v39, v49  }
0x1f7: {  	v56 =	vsel vm4, v53, v8;
	v8 =	vsel vm4, v8, v53;
	vm5 =	vgt.f32 v54, v6  }
0x1f8: {  	v57 =	vmax.f32 v6, v54;
	v4 =	vmin.f32 v6, v54;
	v62 =	vsel vm8, v2, v3  }
0x1f9: {  	v2 =	vsel vm8, v3, v2;
	vm9 =	vgt.f32 v61, v5;
	v3 =	vmax.f32 v5, v61  }
0x1fa: {  	v5 =	vmin.f32 v5, v61;
	vm13 =	vgt.f32 v16, v1;
	v1 =	vmax.f32 v1, v16  }
0x1fb: {  	v58 =	vsel vm5, v56, v13;
	v12 =	vsel vm5, v13, v56;
	vm6 =	vgt.f32 v57, v50  }
0x1fc: {  	v59 =	vmax.f32 v50, v57;
	v9 =	vmin.f32 v50, v57;
	v63 =	vsel vm9, v62, v8  }
0x1fd: {  	v7 =	vsel vm9, v8, v62;
	vm10 =	vgt.f32 v3, v4;
	v17 =	vmax.f32 v4, v3  }
0x1fe: {  	v28 =	vld [tilespmem:s15+$0xE000];
	v3 =	vmin.f32 v4, v3;
	v2 =	vsel vm13, $0x37, v2;
	vm14 =	vgt.f32 v1, v5  }
0x1ff: {  	v24 =	vmax.f32 v5, v1;
	v1 =	vmin.f32 v5, v1;
	v60 =	vsel vm6, v58, v51  }
0x200: {  	v6 =	vsel vm6, v51, v58;
	v18 =	vsel vm10, v63, v12;
	v11 =	vsel vm10, v12, v63  }
0x201: {  	vm11 =	vgt.f32 v17, v9;
	v19 =	vmax.f32 v9, v17;
	v9 =	vmin.f32 v9, v17  }
0x202: {  	v25 =	vsel vm14, v2, v7;
	v2 =	vsel vm14, v7, v2;
	vm15 =	vgt.f32 v24, v3  }
0x203: {  	v26 =	vmax.f32 v3, v24;
	v3 =	vmin.f32 v3, v24;
	vm7 =	vgt.f32 v28, v1  }
0x204: {  	v1 =	vmax.f32 v1, v28;
	v20 =	vsel vm11, v18, v6;
	v4 =	vsel vm11, v6, v18  }
0x205: {  	vm12 =	vgt.f32 v19, v59;
	v21 =	vmax.f32 v59, v19;
	v12 =	vmin.f32 v59, v19  }
0x206: {  	v27 =	vsel vm15, v25, v11;
	v5 =	vsel vm15, v11, v25;
	vm4 =	vgt.f32 v26, v9  }
0x207: {  	v29 =	vmax.f32 v9, v26;
	v7 =	vmin.f32 v9, v26;
	v2 =	vsel vm7, $0x38, v2  }
0x208: {  	v38 =	vld [tilespmem:s15+$0xE080];
	vm8 =	vgt.f32 v1, v3;
	v11 =	vmax.f32 v3, v1;
	v1 =	vmin.f32 v3, v1  }
0x209: {  	v22 =	vsel vm12, v20, v60;
	v23 =	vsel vm12, v60, v20;
	v30 =	vsel vm4, v27, v4  }
0x20a: {  	v4 =	vsel vm4, v4, v27;
	vm5 =	vgt.f32 v29, v12;
	v31 =	vmax.f32 v12, v29  }
0x20b: {  	v12 =	vmin.f32 v12, v29;
	v3 =	vsel vm8, v2, v5;
	v2 =	vsel vm8, v5, v2  }
0x20c: {  	vm9 =	vgt.f32 v11, v7;
	v35 =	vmax.f32 v7, v11;
	v7 =	vmin.f32 v7, v11  }
0x20d: {  	vm13 =	vgt.f32 v38, v1;
	v1 =	vmax.f32 v1, v38;
	v32 =	vsel vm5, v30, v23  }
0x20e: {  	v8 =	vsel vm5, v23, v30;
	vm6 =	vgt.f32 v31, v21;
	v33 =	vmax.f32 v21, v31  }
0x20f: {  	v6 =	vmin.f32 v21, v31;
	v36 =	vsel vm9, v3, v4;
	v3 =	vsel vm9, v4, v3  }
0x210: {  	vm10 =	vgt.f32 v35, v12;
	v37 =	vmax.f32 v12, v35;
	v5 =	vmin.f32 v12, v35  }
0x211: {  	v47 =	vld [tilespmem:s15+$0xE100];
	v2 =	vsel vm13, $0x39, v2;
	vm14 =	vgt.f32 v1, v7;
	v44 =	vmax.f32 v7, v1  }
0x212: {  	v1 =	vmin.f32 v7, v1;
	v34 =	vsel vm6, v32, v22;
	v13 =	vsel vm6, v22, v32  }
0x213: {  	v39 =	vsel vm10, v36, v8;
	v8 =	vsel vm10, v8, v36;
	vm11 =	vgt.f32 v37, v6  }
0x214: {  	v40 =	vmax.f32 v6, v37;
	v4 =	vmin.f32 v6, v37;
	v45 =	vsel vm14, v2, v3  }
0x215: {  	v2 =	vsel vm14, v3, v2;
	vm15 =	vgt.f32 v44, v5;
	v3 =	vmax.f32 v5, v44  }
0x216: {  	v5 =	vmin.f32 v5, v44;
	vm7 =	vgt.f32 v47, v1;
	v1 =	vmax.f32 v1, v47  }
0x217: {  	v41 =	vsel vm11, v39, v13;
	v12 =	vsel vm11, v13, v39;
	vm12 =	vgt.f32 v40, v33  }
0x218: {  	v42 =	vmax.f32 v33, v40;
	v9 =	vmin.f32 v33, v40;
	v46 =	vsel vm15, v45, v8  }
0x219: {  	v7 =	vsel vm15, v8, v45;
	vm4 =	vgt.f32 v3, v4;
	v48 =	vmax.f32 v4, v3  }
0x21a: {  	v59 =	vld [tilespmem:s15+$0xE180];
	v3 =	vmin.f32 v4, v3;
	v2 =	vsel vm7, $0x3A, v2;
	vm8 =	vgt.f32 v1, v5  }
0x21b: {  	v55 =	vmax.f32 v5, v1;
	v1 =	vmin.f32 v5, v1;
	v43 =	vsel vm12, v41, v34  }
0x21c: {  	v6 =	vsel vm12, v34, v41;
	v49 =	vsel vm4, v46, v12;
	v10 =	vsel vm4, v12, v46  }
0x21d: {  	vm5 =	vgt.f32 v48, v9;
	v50 =	vmax.f32 v9, v48;
	v9 =	vmin.f32 v9, v48  }
0x21e: {  	v56 =	vsel vm8, v2, v7;
	v2 =	vsel vm8, v7, v2;
	vm9 =	vgt.f32 v55, v3  }
0x21f: {  	v57 =	vmax.f32 v3, v55;
	v3 =	vmin.f32 v3, v55;
	vm13 =	vgt.f32 v59, v1  }
0x220: {  	v1 =	vmax.f32 v1, v59;
	v51 =	vsel vm5, v49, v6;
	v4 =	vsel vm5, v6, v49  }
0x221: {  	vm6 =	vgt.f32 v50, v42;
	v52 =	vmax.f32 v42, v50;
	v12 =	vmin.f32 v42, v50  }
0x222: {  	v58 =	vsel vm9, v56, v10;
	v5 =	vsel vm9, v10, v56;
	vm10 =	vgt.f32 v57, v9  }
0x223: {  	v60 =	vmax.f32 v9, v57;
	v7 =	vmin.f32 v9, v57;
	v2 =	vsel vm13, $0x3B, v2  }
0x224: {  	v21 =	vld [tilespmem:s15+$0xE200];
	vm14 =	vgt.f32 v1, v3;
	v10 =	vmax.f32 v3, v1;
	v1 =	vmin.f32 v3, v1  }
0x225: {  	v53 =	vsel vm6, v51, v43;
	v54 =	vsel vm6, v43, v51;
	v61 =	vsel vm10, v58, v4  }
0x226: {  	v4 =	vsel vm10, v4, v58;
	vm11 =	vgt.f32 v60, v12;
	v62 =	vmax.f32 v12, v60  }
0x227: {  	v12 =	vmin.f32 v12, v60;
	v3 =	vsel vm14, v2, v5;
	v2 =	vsel vm14, v5, v2  }
0x228: {  	vm15 =	vgt.f32 v10, v7;
	v18 =	vmax.f32 v7, v10;
	v7 =	vmin.f32 v7, v10  }
0x229: {  	vm7 =	vgt.f32 v21, v1;
	v1 =	vmax.f32 v1, v21;
	v63 =	vsel vm11, v61, v54  }
0x22a: {  	v8 =	vsel vm11, v54, v61;
	vm12 =	vgt.f32 v62, v52;
	v16 =	vmax.f32 v52, v62  }
0x22b: {  	v6 =	vmin.f32 v52, v62;
	v19 =	vsel vm15, v3, v4;
	v3 =	vsel vm15, v4, v3  }
0x22c: {  	vm4 =	vgt.f32 v18, v12;
	v20 =	vmax.f32 v12, v18;
	v5 =	vmin.f32 v12, v18  }
0x22d: {  	v30 =	vld [tilespmem:s15+$0xE280];
	v2 =	vsel vm7, $0x3C, v2;
	vm8 =	vgt.f32 v1, v7;
	v27 =	vmax.f32 v7, v1  }
0x22e: {  	v1 =	vmin.f32 v7, v1;
	v17 =	vsel vm12, v63, v53;
	v13 =	vsel vm12, v53, v63  }
0x22f: {  	v22 =	vsel vm4, v19, v8;
	v8 =	vsel vm4, v8, v19;
	vm5 =	vgt.f32 v20, v6  }
0x230: {  	v23 =	vmax.f32 v6, v20;
	v4 =	vmin.f32 v6, v20;
	v28 =	vsel vm8, v2, v3  }
0x231: {  	v2 =	vsel vm8, v3, v2;
	vm9 =	vgt.f32 v27, v5;
	v3 =	vmax.f32 v5, v27  }
0x232: {  	v5 =	vmin.f32 v5, v27;
	vm13 =	vgt.f32 v30, v1;
	v1 =	vmax.f32 v1, v30  }
0x233: {  	v24 =	vsel vm5, v22, v13;
	v12 =	vsel vm5, v13, v22;
	vm6 =	vgt.f32 v23, v16  }
0x234: {  	v25 =	vmax.f32 v16, v23;
	v9 =	vmin.f32 v16, v23;
	v29 =	vsel vm9, v28, v8  }
0x235: {  	v7 =	vsel vm9, v8, v28;
	vm10 =	vgt.f32 v3, v4;
	v31 =	vmax.f32 v4, v3  }
0x236: {  	v42 =	vld [tilespmem:s15+$0xE300];
	v3 =	vmin.f32 v4, v3;
	v2 =	vsel vm13, $0x3D, v2;
	vm14 =	vgt.f32 v1, v5  }
0x237: {  	v38 =	vmax.f32 v5, v1;
	v1 =	vmin.f32 v5, v1;
	v26 =	vsel vm6, v24, v17  }
0x238: {  	v6 =	vsel vm6, v17, v24;
	v32 =	vsel vm10, v29, v12;
	v11 =	vsel vm10, v12, v29  }
0x239: {  	vm11 =	vgt.f32 v31, v9;
	v33 =	vmax.f32 v9, v31;
	v9 =	vmin.f32 v9, v31  }
0x23a: {  	v39 =	vsel vm14, v2, v7;
	v2 =	vsel vm14, v7, v2;
	vm15 =	vgt.f32 v38, v3  }
0x23b: {  	v40 =	vmax.f32 v3, v38;
	v3 =	vmin.f32 v3, v38;
	vm7 =	vgt.f32 v42, v1  }
0x23c: {  	v1 =	vmax.f32 v1, v42;
	v34 =	vsel vm11, v32, v6;
	v4 =	vsel vm11, v6, v32  }
0x23d: {  	vm12 =	vgt.f32 v33, v25;
	v35 =	vmax.f32 v25, v33;
	v12 =	vmin.f32 v25, v33  }
0x23e: {  	v41 =	vsel vm15, v39, v11;
	v5 =	vsel vm15, v11, v39;
	vm4 =	vgt.f32 v40, v9  }
0x23f: {  	v43 =	vmax.f32 v9, v40;
	v7 =	vmin.f32 v9, v40;
	v2 =	vsel vm7, $0x3E, v2  }
0x240: {  	v52 =	vld [tilespmem:s15+$0xE380];
	vm8 =	vgt.f32 v1, v3;
	v11 =	vmax.f32 v3, v1;
	v1 =	vmin.f32 v3, v1  }
0x241: {  	v36 =	vsel vm12, v34, v26;
	v37 =	vsel vm12, v26, v34;
	v44 =	vsel vm4, v41, v4  }
0x242: {  	v4 =	vsel vm4, v4, v41;
	vm5 =	vgt.f32 v43, v12;
	v45 =	vmax.f32 v12, v43  }
0x243: {  	v12 =	vmin.f32 v12, v43;
	v3 =	vsel vm8, v2, v5;
	v2 =	vsel vm8, v5, v2  }
0x244: {  	vm9 =	vgt.f32 v11, v7;
	v49 =	vmax.f32 v7, v11;
	v7 =	vmin.f32 v7, v11  }
0x245: {  	vm13 =	vgt.f32 v52, v1;
	v1 =	vmax.f32 v1, v52;
	v46 =	vsel vm5, v44, v37  }
0x246: {  	v8 =	vsel vm5, v37, v44;
	vm6 =	vgt.f32 v45, v35;
	v47 =	vmax.f32 v35, v45  }
0x247: {  	v6 =	vmin.f32 v35, v45;
	v50 =	vsel vm9, v3, v4;
	v3 =	vsel vm9, v4, v3  }
0x248: {  	vm10 =	vgt.f32 v49, v12;
	v51 =	vmax.f32 v12, v49;
	v5 =	vmin.f32 v12, v49  }
0x249: {  	v2 =	vsel vm13, $0x3F, v2;
	vm14 =	vgt.f32 v1, v7;
	v58 =	vmax.f32 v7, v1  }
0x24a: {  	v1 =	vmin.f32 v7, v1;
	v48 =	vsel vm6, v46, v36;
	v13 =	vsel vm6, v36, v46  }
0x24b: {  	v53 =	vsel vm10, v50, v8;
	v8 =	vsel vm10, v8, v50;
	vm11 =	vgt.f32 v51, v6  }
0x24c: {  	v54 =	vmax.f32 v6, v51;
	v4 =	vmin.f32 v6, v51;
	v59 =	vsel vm14, v2, v3  }
0x24d: {  	vm15 =	vgt.f32 v58, v5;
	v15 =	vmax.f32 v5, v58;
	v62 =	vmin.f32 v5, v58;
	[tilespmem:s15+$0x12280] =	vst v1  }
0x24e: {  	v2 =	vsel vm14, v3, v2;
	v55 =	vsel vm11, v53, v13;
	v12 =	vsel vm11, v13, v53;
	[tilespmem:s15+$0x12200] =	vst v62  }
0x24f: {  	vm2 =	vgt.f32 v15, v4;
	v17 =	vmax.f32 v4, v15;
	v4 =	vmin.f32 v4, v15;
	[tilespmem:s15+$0x10280] =	vst v2  }
0x250: {  	v9 =	vmin.f32 v47, v54;
	v16 =	vsel vm15, v59, v8;
	v63 =	vsel vm15, v8, v59;
	[tilespmem:s15+$0x12180] =	vst v4  }
0x251: {  	vm3 =	vgt.f32 v17, v9;
	v19 =	vmax.f32 v9, v17;
	v9 =	vmin.f32 v9, v17;
	[tilespmem:s15+$0x10200] =	vst v63  }
0x252: {  	vm12 =	vgt.f32 v54, v47;
	v56 =	vmax.f32 v47, v54;
	v61 =	vsel vm2, v12, v16;
	[tilespmem:s15+$0x12100] =	vst v9  }
0x253: {  	p0 =	sne.s32 s14, $0x3F0;
	v57 =	vsel vm12, v55, v48;
	v21 =	vmax.f32 v56, v19;
	[tilespmem:s15+$0x10180] =	vst v61  }
.Ltmp0:
0x254: {  	v6 =	vsel vm12, v48, v55;
	v18 =	vsel vm2, v16, v12;
	v13 =	vmin.f32 v56, v19;
	[tilespmem:s15+$0x12000] =	vst v21;
	(pc) =	sbr.rel @p0 .LBB2_2-.Ltmp0, $4  }
0x255: {  	v20 =	vsel vm3, v18, v6;
	vm4 =	vgt.f32 v19, v56;
	v6 =	vsel vm3, v6, v18;
	[tilespmem:s15+$0x12080] =	vst v13  }
0x256: {  	v60 =	vsel vm4, v20, v57;
	[tilespmem:s15+$0x10100] =	vst v6  }
0x257: {  	v11 =	vsel vm4, v57, v20;
	[tilespmem:s15+$0x10000] =	vst v60  }
0x258: {  	s13 =	sadd.s32 $0x80, s13;
	s14 =	sadd.s32 $0x10, s14;
	[tilespmem:s15+$0x10080] =	vst v11  }
0x259: {  	[hbm4b:s4+s2] =	stream.linear.scatter [tilespmem:s10], [sflag:$0x1], $0x2000, $0x38;
	[tilespmem:$0x14000] =	vst v63  }
0x25a: {  	s12 =	sadd.s32 $0x1, s12;
	_ =	swait.ge [sflag:s9], $0x2000  }
0x25b: {  	p0 =	sne.s32 s12, s6;
	[sflag:s9] =	ssyncset.done $0x0  }
.Ltmp1:
0x25c: {  	[sflag:s9] =	ssyncadd.s32 $0xFFFFE000;
	(pc) =	sbr.rel @p0 .LBB2_1-.Ltmp1, $4  }
0x25d: {  	[hbm4b:s5+s2] =	stream.linear.scatter [tilespmem:s11], [sflag:$0x1], $0x2000, $0x38;
	[tilespmem:$0x14000] =	vst v63  }
0x25e: {  	_ =	swait.ge [sflag:s9], $0x2000  }
0x25f: {  	[sflag:s9] =	ssyncset.done $0x0  }
0x260: {  	[sflag:s9] =	ssyncadd.s32 $0xFFFFE000  }
0x261: {  	_ =	sfence.sel $0x180000  }
0x262: {  	[bflag:$0x0] =	sbarrier.arrive $0xFFFF  }
0x263: {  	p0 =	sne.s32 s1, $0x0;
	_ =	strace $0x90000047  }
0x264: {  	s0 =	sadd.s32 @!p0 $0x100000, s0;
	[bflag:$0x2] =	sbarrier.arrive $0xFFFF  }
0x265: {  	[sflag:s0] =	ssyncadd.tile.s32 @!p0 $0x1;
	_ =	shalt  }
.Lfunc_end2:
_tile_overlayer_lowered:
.L_overlay_start_2:
0x266: {  	(tag) =	ssettag $0x2  }
0x267: {  	s0 =	rddreg [dreg:$0x0];
	s2 =	stileid.u32  }
0x268: {  	s1 =	rddreg [dreg:$0x1];
	p0 =	sne.s32 s2, $0x0  }
0x269: {  	s3 =	rddreg [dreg:$0x2];
	[bflag:$0x3] =	sbarrier.arrive $0xFFFF;
	s2 =	simm.s32 @!p0 $0x1C01  }
0x26a: {  	[timem:s3], [sflag:s2] =	dma.local @!p0 [hbm:s0], s1  }
0x26b: {  	s0 =	simm.s32 @!p0 $0x1  }
0x26c: {  	_ =	swait.ge @!p0 [sflag:s0], s1  }
0x26d: {  	s1 =	ssub.s32 @!p0 $0x0, s1;
	[sflag:s0] =	ssyncset.done @!p0 $0x0  }
0x26e: {  	[sflag:s0] =	ssyncadd.s32 @!p0 s1  }
0x26f: {  	[bflag:$0x3] =	sbarrier.arrive $0xFFFF  }
0x270: {  	_ =	shalt  }

</sc_bundles>
